<compile_context>
chip_gen: v7x
topology: tpu7x:2x2x1
jax: 0.10.2.dev20260603
libtpu: 0.0.44.dev20260713+nightly
codegen_flags: <defaults>
</compile_context>

<pallas_src>
import functools

import jax
import jax.numpy as jnp
import numpy as np
from jax import lax
from jax.experimental import pallas as pl
from jax.experimental.pallas import tpu as pltpu
from jax.experimental.pallas import tpu_sc as plsc

U = 32
ED = 16
N_NODES = 10000
N_EDGES = 160000

CHUNK = 128
EP = 163840
NROWS = EP // CHUNK
NPAD = 10048
STRIPE = NPAD // 16
DUMMY = N_NODES

BE = 2048
PREC = lax.Precision.DEFAULT
UNROLL = 8


def _sc_mesh():
    return plsc.VectorSubcoreMesh(core_axis_name="core", subcore_axis_name="subcore")


SC_PARAMS = pltpu.CompilerParams(use_tc_tiling_on_sc=False)


def _gather(node_features, src_rows, n_rows):

    @functools.partial(
        pl.kernel,
        out_type=jax.ShapeDtypeStruct((n_rows * CHUNK, U), jnp.float32),
        mesh=_sc_mesh(),
        compiler_params=SC_PARAMS,
    )
    def gather_kernel(table_hbm, idx_hbm, out_hbm):
        def body(i_vmem, o_vmem):
            pltpu.sync_copy(table_hbm.at[i_vmem.at[0]], o_vmem)

        pltpu.emit_pipeline(
            body,
            grid=(n_rows,),
            in_specs=[pl.BlockSpec((1, CHUNK), lambda i: (0, i))],
            out_specs=[pl.BlockSpec((CHUNK, U), lambda i: (i, 0))],
            core_axis_name=("core", "subcore"),
            dimension_semantics=(pltpu.PARALLEL,),
        )(idx_hbm, out_hbm)

    return gather_kernel(node_features, src_rows)


def _dense_body(ef_ref, src_ref, w1_ref, b1_ref, w2_ref, b2_ref, sel_ref, out_ref):
    h = jnp.maximum(
        jnp.dot(ef_ref[...], w1_ref[...], precision=PREC) + b1_ref[...], 0.0
    )
    full = jnp.dot(h, w2_ref[...], precision=PREC) + b2_ref[...]
    src = src_ref[...]
    src_t = jnp.concatenate([src] * U, axis=1)
    out_ref[...] = jnp.dot(full * src_t, sel_ref[...], precision=PREC)


def _dense(ef_p, src_feat, W1, b1, W2, b2, sel, n_e):
    return pl.pallas_call(
        _dense_body,
        grid=(n_e // BE,),
        in_specs=[
            pl.BlockSpec((BE, ED), lambda i: (i, 0)),
            pl.BlockSpec((BE, U), lambda i: (i, 0)),
            pl.BlockSpec((ED, U), lambda i: (0, 0)),
            pl.BlockSpec((1, U), lambda i: (0, 0)),
            pl.BlockSpec((U, U * U), lambda i: (0, 0)),
            pl.BlockSpec((1, U * U), lambda i: (0, 0)),
            pl.BlockSpec((U * U, U), lambda i: (0, 0)),
        ],
        out_specs=pl.BlockSpec((BE, U), lambda i: (i, 0)),
        out_shape=jax.ShapeDtypeStruct((n_e, U), jnp.float32),
    )(ef_p, src_feat, W1, b1, W2, b2, sel)


def _scatter(msg1, msg2, idx1, idx2, zeros32, zeros16, ones16):
    half_rows = NROWS // 2

    @functools.partial(
        pl.kernel,
        out_type=[
            jax.ShapeDtypeStruct((2, NPAD, U), jnp.float32),
            jax.ShapeDtypeStruct((2, NPAD, 16), jnp.float32),
        ],
        mesh=_sc_mesh(),
        compiler_params=SC_PARAMS,
        scratch_types=[
            pltpu.VMEM_SHARED((NPAD, U), jnp.float32),
            pltpu.VMEM_SHARED((NPAD, 16), jnp.float32),
            pltpu.VMEM((CHUNK, 16), jnp.float32),
        ],
    )
    def scatter_kernel(msg1_hbm, msg2_hbm, idx1_hbm, idx2_hbm,
                       z32_hbm, z16_hbm, ones_hbm,
                       sums_out, cnt_out, sums_sh, cnt_sh, ones_v):
        cid = lax.axis_index("core")
        sid = lax.axis_index("subcore")
        base = sid * STRIPE
        pltpu.sync_copy(z32_hbm, sums_sh.at[pl.ds(base, STRIPE)])
        pltpu.sync_copy(z16_hbm, cnt_sh.at[pl.ds(base, STRIPE)])
        pltpu.sync_copy(ones_hbm, ones_v)
        plsc.subcore_barrier()

        def body(m_vmem, i_vmem):
            pltpu.sync_copy(m_vmem, sums_sh.at[i_vmem.at[0]], add=True)
            pltpu.sync_copy(ones_v, cnt_sh.at[i_vmem.at[0]], add=True)

        for msg_hbm, idx_hbm in ((msg1_hbm, idx1_hbm), (msg2_hbm, idx2_hbm)):
            pltpu.emit_pipeline(
                body,
                grid=(half_rows,),
                in_specs=[
                    pl.BlockSpec((CHUNK, U), lambda i: (i, 0)),
                    pl.BlockSpec((1, CHUNK), lambda i: (0, i)),
                ],
                out_specs=[],
                core_axis_name=("core", "subcore"),
                dimension_semantics=(pltpu.PARALLEL,),
            )(msg_hbm, idx_hbm)
        plsc.subcore_barrier()
        pltpu.sync_copy(sums_sh.at[pl.ds(base, STRIPE)],
                        sums_out.at[cid, pl.ds(base, STRIPE)])
        pltpu.sync_copy(cnt_sh.at[pl.ds(base, STRIPE)],
                        cnt_out.at[cid, pl.ds(base, STRIPE)])

    return scatter_kernel(msg1, msg2, idx1, idx2, zeros32, zeros16, ones16)


def _gru_body(sums_ref, cnt_ref, kz_ref, kr_ref, kh_ref,
              rz_ref, rr_ref, rh_ref, bxz_ref, bxr_ref, bxh_ref, bhr_ref,
              h0_ref, out_ref, xz_ref, xr_ref, xh_ref):
    sums = sums_ref[0, 0:N_NODES, :] + sums_ref[1, 0:N_NODES, :]
    cnt = cnt_ref[0, 0:N_NODES, 0:1] + cnt_ref[1, 0:N_NODES, 0:1]
    agg = sums / jnp.maximum(cnt, 1.0)
    xz_ref[...] = jnp.dot(agg, kz_ref[...]) + bxz_ref[...]
    xr_ref[...] = jnp.dot(agg, kr_ref[...]) + bxr_ref[...]
    xh_ref[...] = jnp.dot(agg, kh_ref[...]) + bxh_ref[...]

    bhr = bhr_ref[...]
    rz16 = rz_ref[...]
    rr16 = rr_ref[...]
    rh16 = rh_ref[...]

    def step(t, h):
        xz = xz_ref[pl.ds(t, 1), :]
        xr = xr_ref[pl.ds(t, 1), :]
        xh = xh_ref[pl.ds(t, 1), :]
        hb = h.astype(jnp.bfloat16)
        dz = jnp.dot(hb, rz16, preferred_element_type=jnp.float32)
        dr = jnp.dot(hb, rr16, preferred_element_type=jnp.float32)
        dh = jnp.dot(hb, rh16, preferred_element_type=jnp.float32)
        tz = jnp.tanh(xz + dz)
        tr = jnp.tanh(xr + dr)
        hh = jnp.tanh(xh + (tr + 1.0) * (dh + bhr))
        return 0.5 * (h + hh + tz * (h - hh))

    def block(b, h):
        for k in range(UNROLL):
            h = step(b * UNROLL + k, h)
        return h

    out_ref[...] = lax.fori_loop(0, N_NODES // UNROLL, block, h0_ref[...])


def _gru(sums_p, cnt_p, gru_kernel, gru_rkernel, gru_bias, hidden_state):
    kz = gru_kernel[:, 0:U] * 0.5
    kr = gru_kernel[:, U:2 * U] * 0.5
    kh = gru_kernel[:, 2 * U:3 * U]
    rz = (gru_rkernel[:, 0:U] * 0.5).astype(jnp.bfloat16)
    rr = (gru_rkernel[:, U:2 * U] * 0.5).astype(jnp.bfloat16)
    rh = (gru_rkernel[:, 2 * U:3 * U] * 0.5).astype(jnp.bfloat16)
    bxz = ((gru_bias[0, 0:U] + gru_bias[1, 0:U]) * 0.5).reshape(1, U)
    bxr = ((gru_bias[0, U:2 * U] + gru_bias[1, U:2 * U]) * 0.5).reshape(1, U)
    bxh = gru_bias[0, 2 * U:3 * U].reshape(1, U)
    bhr = (gru_bias[1, 2 * U:3 * U] * 0.5).reshape(1, U)

    full = lambda s: pl.BlockSpec(s, lambda i: tuple(0 for _ in s))
    return pl.pallas_call(
        _gru_body,
        grid=(1,),
        in_specs=[
            full((2, NPAD, U)),
            full((2, NPAD, 16)),
            full((U, U)), full((U, U)), full((U, U)),
            full((U, U)), full((U, U)), full((U, U)),
            full((1, U)), full((1, U)), full((1, U)), full((1, U)),
            full((1, U)),
        ],
        out_specs=pl.BlockSpec((1, U), lambda i: (0, 0)),
        out_shape=jax.ShapeDtypeStruct((1, U), jnp.float32),
        scratch_shapes=[pltpu.VMEM((N_NODES, U), jnp.float32)] * 3,
    )(sums_p, cnt_p, kz, kr, kh, rz, rr, rh, bxz, bxr, bxh, bhr, hidden_state)


def kernel(node_features, edge_features, edge_indices, hidden_state,
           W1, b1, W2, b2, gru_kernel, gru_rkernel, gru_bias):
    pad = EP - N_EDGES
    half = EP // 2
    src_idx = jnp.concatenate(
        [edge_indices[0], jnp.zeros((pad,), jnp.int32)]).reshape(1, EP)
    dst_idx = jnp.concatenate(
        [edge_indices[1], jnp.full((pad,), DUMMY, jnp.int32)]).reshape(1, EP)
    ef_p = jnp.concatenate(
        [edge_features, jnp.zeros((pad, ED), jnp.float32)], axis=0)

    sel = jnp.asarray(np.repeat(np.eye(U, dtype=np.float32), U, axis=0))
    zeros32 = jnp.zeros((STRIPE, U), jnp.float32)
    zeros16 = jnp.zeros((STRIPE, 16), jnp.float32)
    ones16 = jnp.ones((CHUNK, 16), jnp.float32)
    b1r = b1.reshape(1, U)
    b2r = b2.reshape(1, U * U)

    g1 = _gather(node_features, src_idx[:, :half], NROWS // 2)
    g2 = _gather(node_features, src_idx[:, half:], NROWS // 2)
    d1 = _dense(ef_p[:half], g1, W1, b1r, W2, b2r, sel, half)
    d2 = _dense(ef_p[half:], g2, W1, b1r, W2, b2r, sel, half)
    sums_p, cnt_p = _scatter(d1, d2, dst_idx[:, :half], dst_idx[:, half:],
                             zeros32, zeros16, ones16)
    new_state = _gru(sums_p, cnt_p, gru_kernel, gru_rkernel, gru_bias,
                     hidden_state)
    return new_state[0], new_state

# --- scband reference (transcript-rebuilt; emitter-appended) ---
"""Pipeline reference for scband-enhanced-message-passing-47974784696386 (READ-ONLY COPY).

The authoritative reference and input builder live on the scoring server;
editing this copy changes nothing except your own understanding.
"""

import jax, jax.numpy as jnp
import numpy as np

UNITS = 32
EDGE_DIM = 16
N_NODES = 10000
N_EDGES = 160000


def setup_inputs(seed: int = 0) -> dict:
    key = jax.random.key(seed)
    ks = jax.random.split(key, 10)
    node_features = jax.random.normal(ks[0], (N_NODES, UNITS), dtype=jnp.float32)
    edge_features = jax.random.normal(ks[1], (N_EDGES, EDGE_DIM), dtype=jnp.float32)
    edge_indices = jax.random.randint(ks[2], (2, N_EDGES), 0, N_NODES, dtype=jnp.int32)
    hidden_state = jnp.zeros((1, UNITS), dtype=jnp.float32)
    # edge network params: Dense(units) -> relu -> Dense(units*units)
    W1 = jax.random.normal(ks[3], (EDGE_DIM, UNITS), dtype=jnp.float32) * (1.0 / np.sqrt(EDGE_DIM))
    b1 = jnp.zeros((UNITS,), dtype=jnp.float32)
    W2 = jax.random.normal(ks[4], (UNITS, UNITS * UNITS), dtype=jnp.float32) * (1.0 / np.sqrt(UNITS))
    b2 = jnp.zeros((UNITS * UNITS,), dtype=jnp.float32)
    # GRU params (keras reset_after=True layout): kernel [in,3u], recurrent [u,3u], bias [2,3u]
    gru_kernel = jax.random.normal(ks[5], (UNITS, 3 * UNITS), dtype=jnp.float32) * (1.0 / np.sqrt(UNITS))
    gru_rkernel = jax.random.normal(ks[6], (UNITS, 3 * UNITS), dtype=jnp.float32) * (1.0 / np.sqrt(UNITS))
    gru_bias = jnp.zeros((2, 3 * UNITS), dtype=jnp.float32)
    return {
        "node_features": node_features,
        "edge_features": edge_features,
        "edge_indices": edge_indices,
        "hidden_state": hidden_state,
        "W1": W1, "b1": b1, "W2": W2, "b2": b2,
        "gru_kernel": gru_kernel, "gru_rkernel": gru_rkernel, "gru_bias": gru_bias,
    }


def reference(node_features, edge_features, edge_indices, hidden_state,
              W1, b1, W2, b2, gru_kernel, gru_rkernel, gru_bias):
    units = UNITS
    n_nodes = node_features.shape[0]
    # edge network
    h = jnp.maximum(edge_features @ W1 + b1, 0.0)
    edge_weights = (h @ W2 + b2).reshape(-1, units, units)
    # gather source node features
    source_features = jnp.take(node_features, edge_indices[0], axis=0)
    # per-edge message: [E,u,u] x [E,u] -> [E,u]
    messages = jnp.einsum('bij,bj->bi', edge_weights, source_features)
    # unsorted_segment_mean over destination nodes
    sums = jax.ops.segment_sum(messages, edge_indices[1], num_segments=n_nodes)
    cnt = jax.ops.segment_sum(jnp.ones((messages.shape[0],), dtype=jnp.float32),
                              edge_indices[1], num_segments=n_nodes)
    aggregated = sums / jnp.maximum(cnt, 1.0)[:, None]
    # GRU over the node axis as timesteps (batch=1), keras reset_after=True semantics
    def step(hprev, x):
        xm = x[None, :] @ gru_kernel + gru_bias[0]
        hm = hprev @ gru_rkernel + gru_bias[1]
        xz, xr, xh = jnp.split(xm, 3, axis=-1)
        rz, rr, rh = jnp.split(hm, 3, axis=-1)
        z = jax.nn.sigmoid(xz + rz)
        r = jax.nn.sigmoid(xr + rr)
        hh = jnp.tanh(xh + r * rh)
        hnew = (z * hprev + (1.0 - z) * hh).astype(hprev.dtype)
        return hnew, None
    new_state, _ = jax.lax.scan(step, hidden_state, aggregated)
    output = new_state[0]  # last GRU output, squeeze batch dim; dropout(rate=0) is identity
    return output, new_state

if __name__ == "__main__":
    import jax
    _d = setup_inputs()
    print(jax.jit(kernel)(*tuple(_d.values())))

</pallas_src>

<mosaic_0001>
#map = affine_map<(d0, d1) -> (0, 0)>
module attributes {stable_mosaic.version = 14 : i64} {
  func.func @gather_kernel(%arg0: i32, %arg1: i32, %arg2: memref<10000x32xf32, #tpu.memory_space<hbm>>, %arg3: memref<1x81920xi32, #tpu.memory_space<hbm>>, %arg4: memref<81920x32xf32, #tpu.memory_space<hbm>>) attributes {dimension_semantics = [#tpu.dimension_semantics<core_parallel>, #tpu.dimension_semantics<subcore_parallel>], iteration_bounds = array<i64: 2, 16>, scalar_prefetch = 0 : i64, scratch_operands = 0 : i64, tpu.core_type = #tpu.core_type<sc_vector_subcore>, window_params = [{transform_indices = #map}, {transform_indices = #map}, {transform_indices = #map}]} {
    %mul3A = arith.constant 1 : i32
    %mul3A_0 = arith.muli %arg1, %mul3A : i32
    %add3A = arith.constant 0 : i32
    %add3A_1 = arith.addi %add3A, %mul3A_0 : i32
    %mul3A_2 = arith.constant 16 : i32
    %mul3A_3 = arith.muli %arg0, %mul3A_2 : i32
    %add3A_4 = arith.addi %add3A_1, %mul3A_3 : i32
    %mul3A_5 = arith.constant 20 : i32
    %mul3A_6 = arith.muli %add3A_4, %mul3A_5 : i32
    "tpu.region"() ({
      %run_scoped3A = memref.alloca() : memref<2x1x128xi32, #tpu.memory_space<vmem>>
      %run_scoped3A_7 = tpu.sem_alloc : memref<2x!tpu.dma_semaphore, #tpu.memory_space<semaphore_mem>>
      %run_scoped3A_8 = memref.alloca() : memref<2x128x32xf32, #tpu.memory_space<vmem>>
      %run_scoped3A_9 = tpu.sem_alloc : memref<2x!tpu.dma_semaphore, #tpu.memory_space<semaphore_mem>>
      %add3A_10 = arith.constant 0 : i32
      %add3A_11 = arith.addi %add3A_10, %mul3A_6 : i32
      %select_n3A = arith.constant true
      %select_n3A_12 = arith.constant 0 : i32
      %select_n3A_13 = arith.constant -1 : i32
      %select_n3A_14 = arith.select %select_n3A, %select_n3A_13, %select_n3A_12 : i32
      %eq3A = arith.constant -1 : i32
      %eq3A_15 = arith.cmpi eq, %select_n3A_14, %eq3A : i32
      %select_n3A_16 = arith.constant 19 : i32
      %select_n3A_17 = arith.select %eq3A_15, %select_n3A_16, %select_n3A_14 : i32
      %add3A_18 = arith.addi %select_n3A_17, %mul3A_6 : i32
      %select_n3A_19 = arith.constant true
      %select_n3A_20 = arith.constant 0 : i32
      %select_n3A_21 = arith.constant 1 : i32
      %select_n3A_22 = arith.select %select_n3A_19, %select_n3A_21, %select_n3A_20 : i32
      %eq3A_23 = arith.constant 20 : i32
      %eq3A_24 = arith.cmpi eq, %select_n3A_22, %eq3A_23 : i32
      %select_n3A_25 = arith.constant 0 : i32
      %select_n3A_26 = arith.select %eq3A_24, %select_n3A_25, %select_n3A_22 : i32
      %add3A_27 = arith.addi %select_n3A_26, %mul3A_6 : i32
      %add3A_28 = arith.constant 1 : i32
      %add3A_29 = arith.addi %select_n3A_26, %add3A_28 : i32
      %select_n3A_30 = arith.constant true
      %select_n3A_31 = arith.select %select_n3A_30, %add3A_29, %select_n3A_26 : i32
      %eq3A_32 = arith.constant 20 : i32
      %eq3A_33 = arith.cmpi eq, %select_n3A_31, %eq3A_32 : i32
      %select_n3A_34 = arith.constant 0 : i32
      %select_n3A_35 = arith.select %eq3A_33, %select_n3A_34, %select_n3A_31 : i32
      %add3A_36 = arith.addi %select_n3A_35, %mul3A_6 : i32
      "tpu.trace_start"() <{level = 10 : i32, message = "ep_initialize_0"}> : () -> ()
      %rem3A = arith.constant 0 : i32
      %rem3A_37 = arith.constant 2 : i32
      %rem3A_38 = arith.remui %rem3A, %rem3A_37 : i32
      %mul3A_39 = arith.constant 128 : i32
      %mul3A_40 = arith.muli %mul3A_39, %add3A_11 : i32
      %dma_start3A = arith.constant 0 : i32
      %dma_start3A_41 = arith.constant 0 : i32
      %dma_start3A_42 = tpu.memref_slice %run_scoped3A[%rem3A_38, %dma_start3A, %dma_start3A_41] : memref<2x1x128xi32, #tpu.memory_space<vmem>> -> memref<1x1x128xi32, #tpu.memory_space<vmem>>
      %dma_start3A_43 = tpu.memref_squeeze %dma_start3A_42 : memref<1x1x128xi32, #tpu.memory_space<vmem>> -> memref<1x128xi32, #tpu.memory_space<vmem>>
      %dma_start3A_44 = arith.constant 0 : i32
      %dma_start3A_45 = tpu.memref_slice %arg3[%dma_start3A_44, %mul3A_40] : memref<1x81920xi32, #tpu.memory_space<hbm>> -> memref<1x128xi32, #tpu.memory_space<hbm>>
      %dma_start3A_46 = tpu.memref_slice %run_scoped3A_7[%rem3A_38] : memref<2x!tpu.dma_semaphore, #tpu.memory_space<semaphore_mem>> -> memref<1x!tpu.dma_semaphore, #tpu.memory_space<semaphore_mem>>
      %dma_start3A_47 = tpu.memref_squeeze %dma_start3A_46 : memref<1x!tpu.dma_semaphore, #tpu.memory_space<semaphore_mem>> -> memref<!tpu.dma_semaphore, #tpu.memory_space<semaphore_mem>>
      %dma_start3A_48 = arith.constant 0 : i32
      %dma_start3A_49 = arith.constant 0 : i32
      %dma_start3A_50 = tpu.memref_slice %run_scoped3A[%rem3A_38, %dma_start3A_48, %dma_start3A_49] : memref<2x1x128xi32, #tpu.memory_space<vmem>> -> memref<1x1x128xi32, #tpu.memory_space<vmem>>
      %dma_start3A_51 = tpu.memref_squeeze %dma_start3A_50 : memref<1x1x128xi32, #tpu.memory_space<vmem>> -> memref<1x128xi32, #tpu.memory_space<vmem>>
      %dma_start3A_52 = arith.constant 0 : i32
      %dma_start3A_53 = tpu.memref_slice %arg3[%dma_start3A_52, %mul3A_40] : memref<1x81920xi32, #tpu.memory_space<hbm>> -> memref<1x128xi32, #tpu.memory_space<hbm>>
      tpu.enqueue_dma source(%dma_start3A_53 : memref<1x128xi32, #tpu.memory_space<hbm>>) target(%dma_start3A_51 : memref<1x128xi32, #tpu.memory_space<vmem>>) target_semaphore(%dma_start3A_47 : memref<!tpu.dma_semaphore, #tpu.memory_space<semaphore_mem>>)
      %add3A_54 = arith.constant 0 : i32
      %add3A_55 = arith.constant 1 : i32
      %add3A_56 = arith.addi %add3A_54, %add3A_55 : i32
      %select_n3A_57 = arith.constant true
      %select_n3A_58 = arith.constant 0 : i32
      %select_n3A_59 = arith.select %select_n3A_57, %add3A_56, %select_n3A_58 : i32
      "tpu.trace_stop"() : () -> ()
      %scan3A = arith.constant 0 : i32
      %scan3A_60 = arith.constant 0 : i32
      %scan3A_61 = arith.constant 0 : i32
      %scan3A_62 = arith.constant 0 : i32
      %scan3A_63 = arith.constant 0 : i32
      %scan3A_64 = arith.constant 20 : i32
      %scan3A_65 = arith.addi %scan3A_63, %scan3A_64 : i32
      %scan3A_66 = arith.constant 1 : i32
      %scan3A_67:5 = scf.for %scan3A_121 = %scan3A_63 to %scan3A_65 step %scan3A_66 iter_args(%scan3A_122 = %select_n3A_59, %scan3A_123 = %scan3A, %scan3A_124 = %scan3A_60, %scan3A_125 = %scan3A_61, %scan3A_126 = %scan3A_62) -> (i32, i32, i32, i32, i32)  : i32 {
        %eq3A_127 = arith.constant 0 : i32
        %eq3A_128 = arith.cmpi eq, %scan3A_121, %eq3A_127 : i32
        %eq3A_129 = arith.constant 19 : i32
        %eq3A_130 = arith.cmpi eq, %scan3A_121, %eq3A_129 : i32
        %add3A_131 = arith.addi %scan3A_126, %mul3A_6 : i32
        %sub3A_132 = arith.constant 1 : i32
        %sub3A_133 = arith.subi %scan3A_126, %sub3A_132 : i32
        %select_n3A_134 = arith.constant true
        %select_n3A_135 = arith.select %select_n3A_134, %sub3A_133, %scan3A_126 : i32
        %eq3A_136 = arith.constant -1 : i32
        %eq3A_137 = arith.cmpi eq, %select_n3A_135, %eq3A_136 : i32
        %select_n3A_138 = arith.constant 19 : i32
        %select_n3A_139 = arith.select %eq3A_137, %select_n3A_138, %select_n3A_135 : i32
        %add3A_140 = arith.addi %select_n3A_139, %mul3A_6 : i32
        %add3A_141 = arith.constant 1 : i32
        %add3A_142 = arith.addi %scan3A_126, %add3A_141 : i32
        %select_n3A_143 = arith.constant true
        %select_n3A_144 = arith.select %select_n3A_143, %add3A_142, %scan3A_126 : i32
        %eq3A_145 = arith.constant 20 : i32
        %eq3A_146 = arith.cmpi eq, %select_n3A_144, %eq3A_145 : i32
        %select_n3A_147 = arith.constant 0 : i32
        %select_n3A_148 = arith.select %eq3A_146, %select_n3A_147, %select_n3A_144 : i32
        %add3A_149 = arith.addi %select_n3A_148, %mul3A_6 : i32
        %add3A_150 = arith.constant 1 : i32
        %add3A_151 = arith.addi %select_n3A_148, %add3A_150 : i32
        %select_n3A_152 = arith.constant true
        %select_n3A_153 = arith.select %select_n3A_152, %add3A_151, %select_n3A_148 : i32
        %eq3A_154 = arith.constant 20 : i32
        %eq3A_155 = arith.cmpi eq, %select_n3A_153, %eq3A_154 : i32
        %select_n3A_156 = arith.constant 0 : i32
        %select_n3A_157 = arith.select %eq3A_155, %select_n3A_156, %select_n3A_153 : i32
        %add3A_158 = arith.addi %select_n3A_157, %mul3A_6 : i32
        %ne3A = arith.cmpi ne, %add3A_131, %add3A_149 : i32
        %or3A = arith.constant false
        %or3A_159 = arith.ori %or3A, %ne3A : i1
        %ge3A = arith.constant 19 : i32
        %ge3A_160 = arith.cmpi sge, %scan3A_121, %ge3A : i32
        %not3A = arith.constant true
        %not3A_161 = arith.xori %ge3A_160, %not3A : i1
        %and3A = arith.andi %or3A_159, %not3A_161 : i1
        %convert_element_type3A = arith.extui %and3A : i1 to i32
        %cond3A = arith.constant 0 : i32
        %cond3A_162 = arith.cmpi ne, %convert_element_type3A, %cond3A : i32
        scf.if %cond3A_162 {
          "tpu.trace_start"() <{level = 10 : i32, message = "ep_copy_in"}> : () -> ()
          %rem3A_264 = arith.constant 2 : i32
          %rem3A_265 = arith.remui %scan3A_122, %rem3A_264 : i32
          %mul3A_266 = arith.constant 128 : i32
          %mul3A_267 = arith.muli %mul3A_266, %add3A_149 : i32
          %dma_start3A_268 = arith.constant 0 : i32
          %dma_start3A_269 = arith.constant 0 : i32
          %dma_start3A_270 = tpu.memref_slice %run_scoped3A[%rem3A_265, %dma_start3A_268, %dma_start3A_269] : memref<2x1x128xi32, #tpu.memory_space<vmem>> -> memref<1x1x128xi32, #tpu.memory_space<vmem>>
          %dma_start3A_271 = tpu.memref_squeeze %dma_start3A_270 : memref<1x1x128xi32, #tpu.memory_space<vmem>> -> memref<1x128xi32, #tpu.memory_space<vmem>>
          %dma_start3A_272 = arith.constant 0 : i32
          %dma_start3A_273 = tpu.memref_slice %arg3[%dma_start3A_272, %mul3A_267] : memref<1x81920xi32, #tpu.memory_space<hbm>> -> memref<1x128xi32, #tpu.memory_space<hbm>>
          %dma_start3A_274 = tpu.memref_slice %run_scoped3A_7[%rem3A_265] : memref<2x!tpu.dma_semaphore, #tpu.memory_space<semaphore_mem>> -> memref<1x!tpu.dma_semaphore, #tpu.memory_space<semaphore_mem>>
          %dma_start3A_275 = tpu.memref_squeeze %dma_start3A_274 : memref<1x!tpu.dma_semaphore, #tpu.memory_space<semaphore_mem>> -> memref<!tpu.dma_semaphore, #tpu.memory_space<semaphore_mem>>
          %dma_start3A_276 = arith.constant 0 : i32
          %dma_start3A_277 = arith.constant 0 : i32
          %dma_start3A_278 = tpu.memref_slice %run_scoped3A[%rem3A_265, %dma_start3A_276, %dma_start3A_277] : memref<2x1x128xi32, #tpu.memory_space<vmem>> -> memref<1x1x128xi32, #tpu.memory_space<vmem>>
          %dma_start3A_279 = tpu.memref_squeeze %dma_start3A_278 : memref<1x1x128xi32, #tpu.memory_space<vmem>> -> memref<1x128xi32, #tpu.memory_space<vmem>>
          %dma_start3A_280 = arith.constant 0 : i32
          %dma_start3A_281 = tpu.memref_slice %arg3[%dma_start3A_280, %mul3A_267] : memref<1x81920xi32, #tpu.memory_space<hbm>> -> memref<1x128xi32, #tpu.memory_space<hbm>>
          tpu.enqueue_dma source(%dma_start3A_281 : memref<1x128xi32, #tpu.memory_space<hbm>>) target(%dma_start3A_279 : memref<1x128xi32, #tpu.memory_space<vmem>>) target_semaphore(%dma_start3A_275 : memref<!tpu.dma_semaphore, #tpu.memory_space<semaphore_mem>>)
          "tpu.trace_stop"() : () -> ()
        } else {
        }
        %and3A_163 = arith.constant true
        %and3A_164 = arith.andi %and3A, %and3A_163 : i1
        %add3A_165 = arith.constant 1 : i32
        %add3A_166 = arith.addi %scan3A_122, %add3A_165 : i32
        %select_n3A_167 = arith.select %and3A_164, %add3A_166, %scan3A_122 : i32
        %ne3A_168 = arith.cmpi ne, %add3A_131, %add3A_149 : i32
        %or3A_169 = arith.constant false
        %or3A_170 = arith.ori %or3A_169, %ne3A_168 : i1
        %or3A_171 = arith.constant false
        %or3A_172 = arith.ori %or3A_170, %or3A_171 : i1
        %ge3A_173 = arith.constant 19 : i32
        %ge3A_174 = arith.cmpi sge, %scan3A_121, %ge3A_173 : i32
        %not3A_175 = arith.constant true
        %not3A_176 = arith.xori %ge3A_174, %not3A_175 : i1
        %and3A_177 = arith.andi %or3A_172, %not3A_176 : i1
        %ne3A_178 = arith.cmpi ne, %add3A_131, %add3A_140 : i32
        %or3A_179 = arith.constant false
        %or3A_180 = arith.ori %or3A_179, %ne3A_178 : i1
        %or3A_181 = arith.ori %or3A_180, %eq3A_128 : i1
        %convert_element_type3A_182 = arith.extui %or3A_181 : i1 to i32
        %cond3A_183 = arith.constant 0 : i32
        %cond3A_184 = arith.cmpi ne, %convert_element_type3A_182, %cond3A_183 : i32
        scf.if %cond3A_184 {
          "tpu.trace_start"() <{level = 10 : i32, message = "ep_wait_in"}> : () -> ()
          %mul3A_264 = arith.constant 128 : i32
          %mul3A_265 = arith.muli %mul3A_264, %add3A_131 : i32
          %rem3A_266 = arith.constant 2 : i32
          %rem3A_267 = arith.remui %scan3A_123, %rem3A_266 : i32
          %dma_wait3A_268 = arith.constant 0 : i32
          %dma_wait3A_269 = arith.constant 0 : i32
          %dma_wait3A_270 = tpu.memref_slice %run_scoped3A[%rem3A_267, %dma_wait3A_268, %dma_wait3A_269] : memref<2x1x128xi32, #tpu.memory_space<vmem>> -> memref<1x1x128xi32, #tpu.memory_space<vmem>>
          %dma_wait3A_271 = tpu.memref_squeeze %dma_wait3A_270 : memref<1x1x128xi32, #tpu.memory_space<vmem>> -> memref<1x128xi32, #tpu.memory_space<vmem>>
          %dma_wait3A_272 = arith.constant 0 : i32
          %dma_wait3A_273 = tpu.memref_slice %arg3[%dma_wait3A_272, %mul3A_265] : memref<1x81920xi32, #tpu.memory_space<hbm>> -> memref<1x128xi32, #tpu.memory_space<hbm>>
          %dma_wait3A_274 = tpu.memref_slice %run_scoped3A_7[%rem3A_267] : memref<2x!tpu.dma_semaphore, #tpu.memory_space<semaphore_mem>> -> memref<1x!tpu.dma_semaphore, #tpu.memory_space<semaphore_mem>>
          %dma_wait3A_275 = tpu.memref_squeeze %dma_wait3A_274 : memref<1x!tpu.dma_semaphore, #tpu.memory_space<semaphore_mem>> -> memref<!tpu.dma_semaphore, #tpu.memory_space<semaphore_mem>>
          %dma_wait3A_276 = arith.constant 0 : i32
          %dma_wait3A_277 = arith.constant 0 : i32
          %dma_wait3A_278 = tpu.memref_slice %run_scoped3A[%rem3A_267, %dma_wait3A_276, %dma_wait3A_277] : memref<2x1x128xi32, #tpu.memory_space<vmem>> -> memref<1x1x128xi32, #tpu.memory_space<vmem>>
          %dma_wait3A_279 = tpu.memref_squeeze %dma_wait3A_278 : memref<1x1x128xi32, #tpu.memory_space<vmem>> -> memref<1x128xi32, #tpu.memory_space<vmem>>
          %dma_wait3A_280 = arith.constant 0 : i32
          %dma_wait3A_281 = tpu.memref_slice %arg3[%dma_wait3A_280, %mul3A_265] : memref<1x81920xi32, #tpu.memory_space<hbm>> -> memref<1x128xi32, #tpu.memory_space<hbm>>
          tpu.wait_dma2 semaphore(%dma_wait3A_275 : memref<!tpu.dma_semaphore, #tpu.memory_space<semaphore_mem>>) src(%dma_wait3A_281 : memref<1x128xi32, #tpu.memory_space<hbm>>) dst(%dma_wait3A_279 : memref<1x128xi32, #tpu.memory_space<vmem>>)
          "tpu.trace_stop"() : () -> ()
        } else {
        }
        %ne3A_185 = arith.cmpi ne, %add3A_131, %add3A_140 : i32
        %or3A_186 = arith.constant false
        %or3A_187 = arith.ori %or3A_186, %ne3A_185 : i1
        %or3A_188 = arith.constant false
        %or3A_189 = arith.ori %or3A_187, %or3A_188 : i1
        %or3A_190 = arith.ori %or3A_189, %eq3A_128 : i1
        %convert_element_type3A_191 = arith.extui %or3A_190 : i1 to i32
        %cond3A_192 = arith.constant 0 : i32
        %cond3A_193 = arith.cmpi ne, %convert_element_type3A_191, %cond3A_192 : i32
        scf.if %cond3A_193 {
        } else {
        }
        %rem3A_194 = arith.constant 2 : i32
        %rem3A_195 = arith.remui %scan3A_123, %rem3A_194 : i32
        %rem3A_196 = arith.constant 2 : i32
        %rem3A_197 = arith.remui %scan3A_124, %rem3A_196 : i32
        %run_scoped3A_198 = arith.constant 0 : i32
        "tpu.trace_start"() <{level = 10 : i32, message = "ep_run_kernel"}> : () -> ()
        "tpu.region"() ({
          %run_scoped3A_264 = tpu.sem_alloc : memref<!tpu.dma_semaphore, #tpu.memory_space<semaphore_mem>>
          %dma_start3A_265 = arith.constant 0 : i32
          %dma_start3A_266 = arith.constant 0 : i32
          %dma_start3A_267 = tpu.memref_slice %run_scoped3A_8[%rem3A_197, %dma_start3A_265, %dma_start3A_266] : memref<2x128x32xf32, #tpu.memory_space<vmem>> -> memref<1x128x32xf32, #tpu.memory_space<vmem>>
          %dma_start3A_268 = tpu.memref_squeeze %dma_start3A_267 : memref<1x128x32xf32, #tpu.memory_space<vmem>> -> memref<128x32xf32, #tpu.memory_space<vmem>>
          %dma_start3A_269 = arith.constant 0 : i32
          %dma_start3A_270 = arith.constant 0 : i32
          %dma_start3A_271 = tpu.memref_slice %run_scoped3A[%rem3A_195, %dma_start3A_269, %dma_start3A_270] : memref<2x1x128xi32, #tpu.memory_space<vmem>> -> memref<1x1x128xi32, #tpu.memory_space<vmem>>
          %dma_start3A_272 = tpu.memref_squeeze %dma_start3A_271 : memref<1x1x128xi32, #tpu.memory_space<vmem>> -> memref<1x128xi32, #tpu.memory_space<vmem>>
          %dma_start3A_273 = arith.constant 0 : i32
          %dma_start3A_274 = tpu.memref_slice %dma_start3A_272[%run_scoped3A_198, %dma_start3A_273] : memref<1x128xi32, #tpu.memory_space<vmem>> -> memref<1x128xi32, #tpu.memory_space<vmem>>
          %dma_start3A_275 = tpu.memref_squeeze %dma_start3A_274 : memref<1x128xi32, #tpu.memory_space<vmem>> -> memref<128xi32, #tpu.memory_space<vmem>>
          %dma_start3A_276 = arith.constant 0 : i32
          %dma_start3A_277 = arith.constant 0 : i32
          %dma_start3A_278 = tpu.memref_slice %arg2[%dma_start3A_276, %dma_start3A_277] : memref<10000x32xf32, #tpu.memory_space<hbm>> -> memref<10000x32xf32, #tpu.memory_space<hbm>>
          tpu.enqueue_indirect_dma source(%dma_start3A_278 : memref<10000x32xf32, #tpu.memory_space<hbm>>) target(%dma_start3A_268 : memref<128x32xf32, #tpu.memory_space<vmem>>) offsets(%dma_start3A_275 : memref<128xi32, #tpu.memory_space<vmem>>) semaphore(%run_scoped3A_264 : memref<!tpu.dma_semaphore, #tpu.memory_space<semaphore_mem>>)
          %dma_wait3A_279 = arith.constant 0 : i32
          %dma_wait3A_280 = arith.constant 0 : i32
          %dma_wait3A_281 = tpu.memref_slice %run_scoped3A_8[%rem3A_197, %dma_wait3A_279, %dma_wait3A_280] : memref<2x128x32xf32, #tpu.memory_space<vmem>> -> memref<1x128x32xf32, #tpu.memory_space<vmem>>
          %dma_wait3A_282 = tpu.memref_squeeze %dma_wait3A_281 : memref<1x128x32xf32, #tpu.memory_space<vmem>> -> memref<128x32xf32, #tpu.memory_space<vmem>>
          %dma_wait3A_283 = arith.constant 0 : i32
          %dma_wait3A_284 = arith.constant 0 : i32
          %dma_wait3A_285 = tpu.memref_slice %run_scoped3A[%rem3A_195, %dma_wait3A_283, %dma_wait3A_284] : memref<2x1x128xi32, #tpu.memory_space<vmem>> -> memref<1x1x128xi32, #tpu.memory_space<vmem>>
          %dma_wait3A_286 = tpu.memref_squeeze %dma_wait3A_285 : memref<1x1x128xi32, #tpu.memory_space<vmem>> -> memref<1x128xi32, #tpu.memory_space<vmem>>
          %dma_wait3A_287 = arith.constant 0 : i32
          %dma_wait3A_288 = tpu.memref_slice %dma_wait3A_286[%run_scoped3A_198, %dma_wait3A_287] : memref<1x128xi32, #tpu.memory_space<vmem>> -> memref<1x128xi32, #tpu.memory_space<vmem>>
          %dma_wait3A_289 = tpu.memref_squeeze %dma_wait3A_288 : memref<1x128xi32, #tpu.memory_space<vmem>> -> memref<128xi32, #tpu.memory_space<vmem>>
          %dma_wait3A_290 = arith.constant 0 : i32
          %dma_wait3A_291 = arith.constant 0 : i32
          %dma_wait3A_292 = tpu.memref_slice %arg2[%dma_wait3A_290, %dma_wait3A_291] : memref<10000x32xf32, #tpu.memory_space<hbm>> -> memref<10000x32xf32, #tpu.memory_space<hbm>>
          tpu.wait_indirect_dma semaphore(%run_scoped3A_264 : memref<!tpu.dma_semaphore, #tpu.memory_space<semaphore_mem>>) src(%dma_wait3A_292 : memref<10000x32xf32, #tpu.memory_space<hbm>>) dst(%dma_wait3A_282 : memref<128x32xf32, #tpu.memory_space<vmem>>)
          tpu.yield
        }) : () -> ()
        "tpu.trace_stop"() : () -> ()
        %ne3A_199 = arith.cmpi ne, %add3A_131, %add3A_149 : i32
        %or3A_200 = arith.constant false
        %or3A_201 = arith.ori %or3A_200, %ne3A_199 : i1
        %or3A_202 = arith.ori %or3A_201, %eq3A_130 : i1
        %convert_element_type3A_203 = arith.extui %or3A_202 : i1 to i32
        %cond3A_204 = arith.constant 0 : i32
        %cond3A_205 = arith.cmpi ne, %convert_element_type3A_203, %cond3A_204 : i32
        scf.if %cond3A_205 {
        } else {
        }
        %and3A_206 = arith.constant false
        %and3A_207 = arith.andi %or3A_202, %and3A_206 : i1
        %ne3A_208 = arith.cmpi ne, %add3A_131, %add3A_149 : i32
        %or3A_209 = arith.constant false
        %or3A_210 = arith.ori %or3A_209, %ne3A_208 : i1
        %or3A_211 = arith.constant false
        %or3A_212 = arith.ori %or3A_210, %or3A_211 : i1
        %or3A_213 = arith.ori %or3A_212, %eq3A_130 : i1
        %convert_element_type3A_214 = arith.extui %or3A_213 : i1 to i32
        %cond3A_215 = arith.constant 0 : i32
        %cond3A_216 = arith.cmpi ne, %convert_element_type3A_214, %cond3A_215 : i32
        scf.if %cond3A_216 {
          "tpu.trace_start"() <{level = 10 : i32, message = "ep_copy_out"}> : () -> ()
          %rem3A_264 = arith.constant 2 : i32
          %rem3A_265 = arith.remui %scan3A_124, %rem3A_264 : i32
          %mul3A_266 = arith.constant 128 : i32
          %mul3A_267 = arith.muli %mul3A_266, %add3A_131 : i32
          %dma_start3A_268 = arith.constant 0 : i32
          %dma_start3A_269 = arith.constant 0 : i32
          %dma_start3A_270 = tpu.memref_slice %run_scoped3A_8[%rem3A_265, %dma_start3A_268, %dma_start3A_269] : memref<2x128x32xf32, #tpu.memory_space<vmem>> -> memref<1x128x32xf32, #tpu.memory_space<vmem>>
          %dma_start3A_271 = tpu.memref_squeeze %dma_start3A_270 : memref<1x128x32xf32, #tpu.memory_space<vmem>> -> memref<128x32xf32, #tpu.memory_space<vmem>>
          %dma_start3A_272 = arith.constant 0 : i32
          %dma_start3A_273 = tpu.memref_slice %arg4[%mul3A_267, %dma_start3A_272] : memref<81920x32xf32, #tpu.memory_space<hbm>> -> memref<128x32xf32, #tpu.memory_space<hbm>>
          %dma_start3A_274 = tpu.memref_slice %run_scoped3A_9[%rem3A_265] : memref<2x!tpu.dma_semaphore, #tpu.memory_space<semaphore_mem>> -> memref<1x!tpu.dma_semaphore, #tpu.memory_space<semaphore_mem>>
          %dma_start3A_275 = tpu.memref_squeeze %dma_start3A_274 : memref<1x!tpu.dma_semaphore, #tpu.memory_space<semaphore_mem>> -> memref<!tpu.dma_semaphore, #tpu.memory_space<semaphore_mem>>
          %dma_start3A_276 = arith.constant 0 : i32
          %dma_start3A_277 = tpu.memref_slice %arg4[%mul3A_267, %dma_start3A_276] : memref<81920x32xf32, #tpu.memory_space<hbm>> -> memref<128x32xf32, #tpu.memory_space<hbm>>
          %dma_start3A_278 = arith.constant 0 : i32
          %dma_start3A_279 = arith.constant 0 : i32
          %dma_start3A_280 = tpu.memref_slice %run_scoped3A_8[%rem3A_265, %dma_start3A_278, %dma_start3A_279] : memref<2x128x32xf32, #tpu.memory_space<vmem>> -> memref<1x128x32xf32, #tpu.memory_space<vmem>>
          %dma_start3A_281 = tpu.memref_squeeze %dma_start3A_280 : memref<1x128x32xf32, #tpu.memory_space<vmem>> -> memref<128x32xf32, #tpu.memory_space<vmem>>
          tpu.enqueue_dma source(%dma_start3A_281 : memref<128x32xf32, #tpu.memory_space<vmem>>) target(%dma_start3A_277 : memref<128x32xf32, #tpu.memory_space<hbm>>) target_semaphore(%dma_start3A_275 : memref<!tpu.dma_semaphore, #tpu.memory_space<semaphore_mem>>)
          "tpu.trace_stop"() : () -> ()
        } else {
        }
        %and3A_217 = arith.constant true
        %and3A_218 = arith.andi %or3A_213, %and3A_217 : i1
        %add3A_219 = arith.constant 1 : i32
        %add3A_220 = arith.addi %scan3A_124, %add3A_219 : i32
        %select_n3A_221 = arith.select %and3A_218, %add3A_220, %scan3A_124 : i32
        %ne3A_222 = arith.cmpi ne, %add3A_131, %add3A_140 : i32
        %or3A_223 = arith.constant false
        %or3A_224 = arith.ori %or3A_223, %ne3A_222 : i1
        %not3A_225 = arith.constant true
        %not3A_226 = arith.xori %eq3A_128, %not3A_225 : i1
        %and3A_227 = arith.andi %or3A_224, %not3A_226 : i1
        %convert_element_type3A_228 = arith.extui %and3A_227 : i1 to i32
        %cond3A_229 = arith.constant 0 : i32
        %cond3A_230 = arith.cmpi ne, %convert_element_type3A_228, %cond3A_229 : i32
        scf.if %cond3A_230 {
        } else {
        }
        %and3A_231 = arith.constant false
        %and3A_232 = arith.andi %and3A_227, %and3A_231 : i1
        %ne3A_233 = arith.cmpi ne, %add3A_131, %add3A_140 : i32
        %or3A_234 = arith.constant false
        %or3A_235 = arith.ori %or3A_234, %ne3A_233 : i1
        %or3A_236 = arith.constant false
        %or3A_237 = arith.ori %or3A_235, %or3A_236 : i1
        %not3A_238 = arith.constant true
        %not3A_239 = arith.xori %eq3A_128, %not3A_238 : i1
        %and3A_240 = arith.andi %or3A_237, %not3A_239 : i1
        %convert_element_type3A_241 = arith.extui %and3A_240 : i1 to i32
        %cond3A_242 = arith.constant 0 : i32
        %cond3A_243 = arith.cmpi ne, %convert_element_type3A_241, %cond3A_242 : i32
        scf.if %cond3A_243 {
          "tpu.trace_start"() <{level = 10 : i32, message = "ep_wait_out"}> : () -> ()
          %rem3A_264 = arith.constant 2 : i32
          %rem3A_265 = arith.remui %scan3A_125, %rem3A_264 : i32
          %mul3A_266 = arith.constant 128 : i32
          %mul3A_267 = arith.muli %mul3A_266, %add3A_140 : i32
          %dma_wait3A_268 = arith.constant 0 : i32
          %dma_wait3A_269 = arith.constant 0 : i32
          %dma_wait3A_270 = tpu.memref_slice %run_scoped3A_8[%rem3A_265, %dma_wait3A_268, %dma_wait3A_269] : memref<2x128x32xf32, #tpu.memory_space<vmem>> -> memref<1x128x32xf32, #tpu.memory_space<vmem>>
          %dma_wait3A_271 = tpu.memref_squeeze %dma_wait3A_270 : memref<1x128x32xf32, #tpu.memory_space<vmem>> -> memref<128x32xf32, #tpu.memory_space<vmem>>
          %dma_wait3A_272 = arith.constant 0 : i32
          %dma_wait3A_273 = tpu.memref_slice %arg4[%mul3A_267, %dma_wait3A_272] : memref<81920x32xf32, #tpu.memory_space<hbm>> -> memref<128x32xf32, #tpu.memory_space<hbm>>
          %dma_wait3A_274 = tpu.memref_slice %run_scoped3A_9[%rem3A_265] : memref<2x!tpu.dma_semaphore, #tpu.memory_space<semaphore_mem>> -> memref<1x!tpu.dma_semaphore, #tpu.memory_space<semaphore_mem>>
          %dma_wait3A_275 = tpu.memref_squeeze %dma_wait3A_274 : memref<1x!tpu.dma_semaphore, #tpu.memory_space<semaphore_mem>> -> memref<!tpu.dma_semaphore, #tpu.memory_space<semaphore_mem>>
          %dma_wait3A_276 = arith.constant 0 : i32
          %dma_wait3A_277 = tpu.memref_slice %arg4[%mul3A_267, %dma_wait3A_276] : memref<81920x32xf32, #tpu.memory_space<hbm>> -> memref<128x32xf32, #tpu.memory_space<hbm>>
          %dma_wait3A_278 = arith.constant 0 : i32
          %dma_wait3A_279 = arith.constant 0 : i32
          %dma_wait3A_280 = tpu.memref_slice %run_scoped3A_8[%rem3A_265, %dma_wait3A_278, %dma_wait3A_279] : memref<2x128x32xf32, #tpu.memory_space<vmem>> -> memref<1x128x32xf32, #tpu.memory_space<vmem>>
          %dma_wait3A_281 = tpu.memref_squeeze %dma_wait3A_280 : memref<1x128x32xf32, #tpu.memory_space<vmem>> -> memref<128x32xf32, #tpu.memory_space<vmem>>
          tpu.wait_dma2 semaphore(%dma_wait3A_275 : memref<!tpu.dma_semaphore, #tpu.memory_space<semaphore_mem>>) src(%dma_wait3A_281 : memref<128x32xf32, #tpu.memory_space<vmem>>) dst(%dma_wait3A_277 : memref<128x32xf32, #tpu.memory_space<hbm>>)
          "tpu.trace_stop"() : () -> ()
        } else {
        }
        %and3A_244 = arith.constant true
        %and3A_245 = arith.andi %and3A_240, %and3A_244 : i1
        %add3A_246 = arith.constant 1 : i32
        %add3A_247 = arith.addi %scan3A_125, %add3A_246 : i32
        %select_n3A_248 = arith.select %and3A_245, %add3A_247, %scan3A_125 : i32
        %ne3A_249 = arith.cmpi ne, %add3A_131, %add3A_149 : i32
        %or3A_250 = arith.constant false
        %or3A_251 = arith.ori %or3A_250, %ne3A_249 : i1
        %or3A_252 = arith.ori %or3A_251, %eq3A_130 : i1
        %add3A_253 = arith.constant 1 : i32
        %add3A_254 = arith.addi %scan3A_123, %add3A_253 : i32
        %select_n3A_255 = arith.select %or3A_252, %add3A_254, %scan3A_123 : i32
        %add3A_256 = arith.constant 1 : i32
        %add3A_257 = arith.addi %scan3A_126, %add3A_256 : i32
        %select_n3A_258 = arith.constant true
        %select_n3A_259 = arith.select %select_n3A_258, %add3A_257, %scan3A_126 : i32
        %eq3A_260 = arith.constant 20 : i32
        %eq3A_261 = arith.cmpi eq, %select_n3A_259, %eq3A_260 : i32
        %select_n3A_262 = arith.constant 0 : i32
        %select_n3A_263 = arith.select %eq3A_261, %select_n3A_262, %select_n3A_259 : i32
        scf.yield %select_n3A_167, %select_n3A_255, %select_n3A_221, %select_n3A_248, %select_n3A_263 : i32, i32, i32, i32, i32
      }
      %scan3A_68 = arith.constant 20 : i32
      %sub3A = arith.constant 1 : i32
      %sub3A_69 = arith.subi %scan3A_67#4, %sub3A : i32
      %select_n3A_70 = arith.constant true
      %select_n3A_71 = arith.select %select_n3A_70, %sub3A_69, %scan3A_67#4 : i32
      %eq3A_72 = arith.constant -1 : i32
      %eq3A_73 = arith.cmpi eq, %select_n3A_71, %eq3A_72 : i32
      %select_n3A_74 = arith.constant 19 : i32
      %select_n3A_75 = arith.select %eq3A_73, %select_n3A_74, %select_n3A_71 : i32
      %add3A_76 = arith.addi %select_n3A_75, %mul3A_6 : i32
      %sub3A_77 = arith.constant 1 : i32
      %sub3A_78 = arith.subi %select_n3A_75, %sub3A_77 : i32
      %select_n3A_79 = arith.constant true
      %select_n3A_80 = arith.select %select_n3A_79, %sub3A_78, %select_n3A_75 : i32
      %eq3A_81 = arith.constant -1 : i32
      %eq3A_82 = arith.cmpi eq, %select_n3A_80, %eq3A_81 : i32
      %select_n3A_83 = arith.constant 19 : i32
      %select_n3A_84 = arith.select %eq3A_82, %select_n3A_83, %select_n3A_80 : i32
      %add3A_85 = arith.addi %select_n3A_84, %mul3A_6 : i32
      %add3A_86 = arith.constant 1 : i32
      %add3A_87 = arith.addi %select_n3A_75, %add3A_86 : i32
      %select_n3A_88 = arith.constant true
      %select_n3A_89 = arith.select %select_n3A_88, %add3A_87, %select_n3A_75 : i32
      %eq3A_90 = arith.constant 20 : i32
      %eq3A_91 = arith.cmpi eq, %select_n3A_89, %eq3A_90 : i32
      %select_n3A_92 = arith.constant 0 : i32
      %select_n3A_93 = arith.select %eq3A_91, %select_n3A_92, %select_n3A_89 : i32
      %add3A_94 = arith.addi %select_n3A_93, %mul3A_6 : i32
      %add3A_95 = arith.constant 1 : i32
      %add3A_96 = arith.addi %select_n3A_93, %add3A_95 : i32
      %select_n3A_97 = arith.constant true
      %select_n3A_98 = arith.select %select_n3A_97, %add3A_96, %select_n3A_93 : i32
      %eq3A_99 = arith.constant 20 : i32
      %eq3A_100 = arith.cmpi eq, %select_n3A_98, %eq3A_99 : i32
      %select_n3A_101 = arith.constant 0 : i32
      %select_n3A_102 = arith.select %eq3A_100, %select_n3A_101, %select_n3A_98 : i32
      %add3A_103 = arith.addi %select_n3A_102, %mul3A_6 : i32
      "tpu.trace_start"() <{level = 10 : i32, message = "ep_finalize"}> : () -> ()
      %rem3A_104 = arith.constant 2 : i32
      %rem3A_105 = arith.remui %scan3A_67#3, %rem3A_104 : i32
      %mul3A_106 = arith.constant 128 : i32
      %mul3A_107 = arith.muli %mul3A_106, %add3A_76 : i32
      %dma_wait3A = arith.constant 0 : i32
      %dma_wait3A_108 = arith.constant 0 : i32
      %dma_wait3A_109 = tpu.memref_slice %run_scoped3A_8[%rem3A_105, %dma_wait3A, %dma_wait3A_108] : memref<2x128x32xf32, #tpu.memory_space<vmem>> -> memref<1x128x32xf32, #tpu.memory_space<vmem>>
      %dma_wait3A_110 = tpu.memref_squeeze %dma_wait3A_109 : memref<1x128x32xf32, #tpu.memory_space<vmem>> -> memref<128x32xf32, #tpu.memory_space<vmem>>
      %dma_wait3A_111 = arith.constant 0 : i32
      %dma_wait3A_112 = tpu.memref_slice %arg4[%mul3A_107, %dma_wait3A_111] : memref<81920x32xf32, #tpu.memory_space<hbm>> -> memref<128x32xf32, #tpu.memory_space<hbm>>
      %dma_wait3A_113 = tpu.memref_slice %run_scoped3A_9[%rem3A_105] : memref<2x!tpu.dma_semaphore, #tpu.memory_space<semaphore_mem>> -> memref<1x!tpu.dma_semaphore, #tpu.memory_space<semaphore_mem>>
      %dma_wait3A_114 = tpu.memref_squeeze %dma_wait3A_113 : memref<1x!tpu.dma_semaphore, #tpu.memory_space<semaphore_mem>> -> memref<!tpu.dma_semaphore, #tpu.memory_space<semaphore_mem>>
      %dma_wait3A_115 = arith.constant 0 : i32
      %dma_wait3A_116 = tpu.memref_slice %arg4[%mul3A_107, %dma_wait3A_115] : memref<81920x32xf32, #tpu.memory_space<hbm>> -> memref<128x32xf32, #tpu.memory_space<hbm>>
      %dma_wait3A_117 = arith.constant 0 : i32
      %dma_wait3A_118 = arith.constant 0 : i32
      %dma_wait3A_119 = tpu.memref_slice %run_scoped3A_8[%rem3A_105, %dma_wait3A_117, %dma_wait3A_118] : memref<2x128x32xf32, #tpu.memory_space<vmem>> -> memref<1x128x32xf32, #tpu.memory_space<vmem>>
      %dma_wait3A_120 = tpu.memref_squeeze %dma_wait3A_119 : memref<1x128x32xf32, #tpu.memory_space<vmem>> -> memref<128x32xf32, #tpu.memory_space<vmem>>
      tpu.wait_dma2 semaphore(%dma_wait3A_114 : memref<!tpu.dma_semaphore, #tpu.memory_space<semaphore_mem>>) src(%dma_wait3A_120 : memref<128x32xf32, #tpu.memory_space<vmem>>) dst(%dma_wait3A_116 : memref<128x32xf32, #tpu.memory_space<hbm>>)
      "tpu.trace_stop"() : () -> ()
      tpu.yield
    }) : () -> ()
    return
  }
}

#map = affine_map<(d0, d1) -> (0, 0)>
module attributes {stable_mosaic.version = 14 : i64} {
  func.func @gather_kernel(%arg0: i32, %arg1: i32, %arg2: memref<10000x32xf32, #tpu.memory_space<hbm>>, %arg3: memref<1x81920xi32, #tpu.memory_space<hbm>>, %arg4: memref<81920x32xf32, #tpu.memory_space<hbm>>) attributes {dimension_semantics = [#tpu.dimension_semantics<core_parallel>, #tpu.dimension_semantics<subcore_parallel>], iteration_bounds = array<i64: 2, 16>, scalar_prefetch = 0 : i64, scratch_operands = 0 : i64, tpu.core_type = #tpu.core_type<sc_vector_subcore>, window_params = [{transform_indices = #map}, {transform_indices = #map}, {transform_indices = #map}]} {
    %mul3A = arith.constant 1 : i32
    %mul3A_0 = arith.muli %arg1, %mul3A : i32
    %add3A = arith.constant 0 : i32
    %add3A_1 = arith.addi %add3A, %mul3A_0 : i32
    %mul3A_2 = arith.constant 16 : i32
    %mul3A_3 = arith.muli %arg0, %mul3A_2 : i32
    %add3A_4 = arith.addi %add3A_1, %mul3A_3 : i32
    %mul3A_5 = arith.constant 20 : i32
    %mul3A_6 = arith.muli %add3A_4, %mul3A_5 : i32
    "tpu.region"() ({
      %run_scoped3A = memref.alloca() : memref<2x1x128xi32, #tpu.memory_space<vmem>>
      %run_scoped3A_7 = tpu.sem_alloc : memref<2x!tpu.dma_semaphore, #tpu.memory_space<semaphore_mem>>
      %run_scoped3A_8 = memref.alloca() : memref<2x128x32xf32, #tpu.memory_space<vmem>>
      %run_scoped3A_9 = tpu.sem_alloc : memref<2x!tpu.dma_semaphore, #tpu.memory_space<semaphore_mem>>
      %add3A_10 = arith.constant 0 : i32
      %add3A_11 = arith.addi %add3A_10, %mul3A_6 : i32
      %select_n3A = arith.constant true
      %select_n3A_12 = arith.constant 0 : i32
      %select_n3A_13 = arith.constant -1 : i32
      %select_n3A_14 = arith.select %select_n3A, %select_n3A_13, %select_n3A_12 : i32
      %eq3A = arith.constant -1 : i32
      %eq3A_15 = arith.cmpi eq, %select_n3A_14, %eq3A : i32
      %select_n3A_16 = arith.constant 19 : i32
      %select_n3A_17 = arith.select %eq3A_15, %select_n3A_16, %select_n3A_14 : i32
      %add3A_18 = arith.addi %select_n3A_17, %mul3A_6 : i32
      %select_n3A_19 = arith.constant true
      %select_n3A_20 = arith.constant 0 : i32
      %select_n3A_21 = arith.constant 1 : i32
      %select_n3A_22 = arith.select %select_n3A_19, %select_n3A_21, %select_n3A_20 : i32
      %eq3A_23 = arith.constant 20 : i32
      %eq3A_24 = arith.cmpi eq, %select_n3A_22, %eq3A_23 : i32
      %select_n3A_25 = arith.constant 0 : i32
      %select_n3A_26 = arith.select %eq3A_24, %select_n3A_25, %select_n3A_22 : i32
      %add3A_27 = arith.addi %select_n3A_26, %mul3A_6 : i32
      %add3A_28 = arith.constant 1 : i32
      %add3A_29 = arith.addi %select_n3A_26, %add3A_28 : i32
      %select_n3A_30 = arith.constant true
      %select_n3A_31 = arith.select %select_n3A_30, %add3A_29, %select_n3A_26 : i32
      %eq3A_32 = arith.constant 20 : i32
      %eq3A_33 = arith.cmpi eq, %select_n3A_31, %eq3A_32 : i32
      %select_n3A_34 = arith.constant 0 : i32
      %select_n3A_35 = arith.select %eq3A_33, %select_n3A_34, %select_n3A_31 : i32
      %add3A_36 = arith.addi %select_n3A_35, %mul3A_6 : i32
      "tpu.trace_start"() <{level = 10 : i32, message = "ep_initialize_0"}> : () -> ()
      %rem3A = arith.constant 0 : i32
      %rem3A_37 = arith.constant 2 : i32
      %rem3A_38 = arith.remui %rem3A, %rem3A_37 : i32
      %mul3A_39 = arith.constant 128 : i32
      %mul3A_40 = arith.muli %mul3A_39, %add3A_11 : i32
      %dma_start3A = arith.constant 0 : i32
      %dma_start3A_41 = arith.constant 0 : i32
      %dma_start3A_42 = tpu.memref_slice %run_scoped3A[%rem3A_38, %dma_start3A, %dma_start3A_41] : memref<2x1x128xi32, #tpu.memory_space<vmem>> -> memref<1x1x128xi32, #tpu.memory_space<vmem>>
      %dma_start3A_43 = tpu.memref_squeeze %dma_start3A_42 : memref<1x1x128xi32, #tpu.memory_space<vmem>> -> memref<1x128xi32, #tpu.memory_space<vmem>>
      %dma_start3A_44 = arith.constant 0 : i32
      %dma_start3A_45 = tpu.memref_slice %arg3[%dma_start3A_44, %mul3A_40] : memref<1x81920xi32, #tpu.memory_space<hbm>> -> memref<1x128xi32, #tpu.memory_space<hbm>>
      %dma_start3A_46 = tpu.memref_slice %run_scoped3A_7[%rem3A_38] : memref<2x!tpu.dma_semaphore, #tpu.memory_space<semaphore_mem>> -> memref<1x!tpu.dma_semaphore, #tpu.memory_space<semaphore_mem>>
      %dma_start3A_47 = tpu.memref_squeeze %dma_start3A_46 : memref<1x!tpu.dma_semaphore, #tpu.memory_space<semaphore_mem>> -> memref<!tpu.dma_semaphore, #tpu.memory_space<semaphore_mem>>
      %dma_start3A_48 = arith.constant 0 : i32
      %dma_start3A_49 = arith.constant 0 : i32
      %dma_start3A_50 = tpu.memref_slice %run_scoped3A[%rem3A_38, %dma_start3A_48, %dma_start3A_49] : memref<2x1x128xi32, #tpu.memory_space<vmem>> -> memref<1x1x128xi32, #tpu.memory_space<vmem>>
      %dma_start3A_51 = tpu.memref_squeeze %dma_start3A_50 : memref<1x1x128xi32, #tpu.memory_space<vmem>> -> memref<1x128xi32, #tpu.memory_space<vmem>>
      %dma_start3A_52 = arith.constant 0 : i32
      %dma_start3A_53 = tpu.memref_slice %arg3[%dma_start3A_52, %mul3A_40] : memref<1x81920xi32, #tpu.memory_space<hbm>> -> memref<1x128xi32, #tpu.memory_space<hbm>>
      tpu.enqueue_dma source(%dma_start3A_53 : memref<1x128xi32, #tpu.memory_space<hbm>>) target(%dma_start3A_51 : memref<1x128xi32, #tpu.memory_space<vmem>>) target_semaphore(%dma_start3A_47 : memref<!tpu.dma_semaphore, #tpu.memory_space<semaphore_mem>>)
      %add3A_54 = arith.constant 0 : i32
      %add3A_55 = arith.constant 1 : i32
      %add3A_56 = arith.addi %add3A_54, %add3A_55 : i32
      %select_n3A_57 = arith.constant true
      %select_n3A_58 = arith.constant 0 : i32
      %select_n3A_59 = arith.select %select_n3A_57, %add3A_56, %select_n3A_58 : i32
      "tpu.trace_stop"() : () -> ()
      %scan3A = arith.constant 0 : i32
      %scan3A_60 = arith.constant 0 : i32
      %scan3A_61 = arith.constant 0 : i32
      %scan3A_62 = arith.constant 0 : i32
      %scan3A_63 = arith.constant 0 : i32
      %scan3A_64 = arith.constant 20 : i32
      %scan3A_65 = arith.addi %scan3A_63, %scan3A_64 : i32
      %scan3A_66 = arith.constant 1 : i32
      %scan3A_67:5 = scf.for %scan3A_121 = %scan3A_63 to %scan3A_65 step %scan3A_66 iter_args(%scan3A_122 = %select_n3A_59, %scan3A_123 = %scan3A, %scan3A_124 = %scan3A_60, %scan3A_125 = %scan3A_61, %scan3A_126 = %scan3A_62) -> (i32, i32, i32, i32, i32)  : i32 {
        %eq3A_127 = arith.constant 0 : i32
        %eq3A_128 = arith.cmpi eq, %scan3A_121, %eq3A_127 : i32
        %eq3A_129 = arith.constant 19 : i32
        %eq3A_130 = arith.cmpi eq, %scan3A_121, %eq3A_129 : i32
        %add3A_131 = arith.addi %scan3A_126, %mul3A_6 : i32
        %sub3A_132 = arith.constant 1 : i32
        %sub3A_133 = arith.subi %scan3A_126, %sub3A_132 : i32
        %select_n3A_134 = arith.constant true
        %select_n3A_135 = arith.select %select_n3A_134, %sub3A_133, %scan3A_126 : i32
        %eq3A_136 = arith.constant -1 : i32
        %eq3A_137 = arith.cmpi eq, %select_n3A_135, %eq3A_136 : i32
        %select_n3A_138 = arith.constant 19 : i32
        %select_n3A_139 = arith.select %eq3A_137, %select_n3A_138, %select_n3A_135 : i32
        %add3A_140 = arith.addi %select_n3A_139, %mul3A_6 : i32
        %add3A_141 = arith.constant 1 : i32
        %add3A_142 = arith.addi %scan3A_126, %add3A_141 : i32
        %select_n3A_143 = arith.constant true
        %select_n3A_144 = arith.select %select_n3A_143, %add3A_142, %scan3A_126 : i32
        %eq3A_145 = arith.constant 20 : i32
        %eq3A_146 = arith.cmpi eq, %select_n3A_144, %eq3A_145 : i32
        %select_n3A_147 = arith.constant 0 : i32
        %select_n3A_148 = arith.select %eq3A_146, %select_n3A_147, %select_n3A_144 : i32
        %add3A_149 = arith.addi %select_n3A_148, %mul3A_6 : i32
        %add3A_150 = arith.constant 1 : i32
        %add3A_151 = arith.addi %select_n3A_148, %add3A_150 : i32
        %select_n3A_152 = arith.constant true
        %select_n3A_153 = arith.select %select_n3A_152, %add3A_151, %select_n3A_148 : i32
        %eq3A_154 = arith.constant 20 : i32
        %eq3A_155 = arith.cmpi eq, %select_n3A_153, %eq3A_154 : i32
        %select_n3A_156 = arith.constant 0 : i32
        %select_n3A_157 = arith.select %eq3A_155, %select_n3A_156, %select_n3A_153 : i32
        %add3A_158 = arith.addi %select_n3A_157, %mul3A_6 : i32
        %ne3A = arith.cmpi ne, %add3A_131, %add3A_149 : i32
        %or3A = arith.constant false
        %or3A_159 = arith.ori %or3A, %ne3A : i1
        %ge3A = arith.constant 19 : i32
        %ge3A_160 = arith.cmpi sge, %scan3A_121, %ge3A : i32
        %not3A = arith.constant true
        %not3A_161 = arith.xori %ge3A_160, %not3A : i1
        %and3A = arith.andi %or3A_159, %not3A_161 : i1
        %convert_element_type3A = arith.extui %and3A : i1 to i32
        %cond3A = arith.constant 0 : i32
        %cond3A_162 = arith.cmpi ne, %convert_element_type3A, %cond3A : i32
        scf.if %cond3A_162 {
          "tpu.trace_start"() <{level = 10 : i32, message = "ep_copy_in"}> : () -> ()
          %rem3A_264 = arith.constant 2 : i32
          %rem3A_265 = arith.remui %scan3A_122, %rem3A_264 : i32
          %mul3A_266 = arith.constant 128 : i32
          %mul3A_267 = arith.muli %mul3A_266, %add3A_149 : i32
          %dma_start3A_268 = arith.constant 0 : i32
          %dma_start3A_269 = arith.constant 0 : i32
          %dma_start3A_270 = tpu.memref_slice %run_scoped3A[%rem3A_265, %dma_start3A_268, %dma_start3A_269] : memref<2x1x128xi32, #tpu.memory_space<vmem>> -> memref<1x1x128xi32, #tpu.memory_space<vmem>>
          %dma_start3A_271 = tpu.memref_squeeze %dma_start3A_270 : memref<1x1x128xi32, #tpu.memory_space<vmem>> -> memref<1x128xi32, #tpu.memory_space<vmem>>
          %dma_start3A_272 = arith.constant 0 : i32
          %dma_start3A_273 = tpu.memref_slice %arg3[%dma_start3A_272, %mul3A_267] : memref<1x81920xi32, #tpu.memory_space<hbm>> -> memref<1x128xi32, #tpu.memory_space<hbm>>
          %dma_start3A_274 = tpu.memref_slice %run_scoped3A_7[%rem3A_265] : memref<2x!tpu.dma_semaphore, #tpu.memory_space<semaphore_mem>> -> memref<1x!tpu.dma_semaphore, #tpu.memory_space<semaphore_mem>>
          %dma_start3A_275 = tpu.memref_squeeze %dma_start3A_274 : memref<1x!tpu.dma_semaphore, #tpu.memory_space<semaphore_mem>> -> memref<!tpu.dma_semaphore, #tpu.memory_space<semaphore_mem>>
          %dma_start3A_276 = arith.constant 0 : i32
          %dma_start3A_277 = arith.constant 0 : i32
          %dma_start3A_278 = tpu.memref_slice %run_scoped3A[%rem3A_265, %dma_start3A_276, %dma_start3A_277] : memref<2x1x128xi32, #tpu.memory_space<vmem>> -> memref<1x1x128xi32, #tpu.memory_space<vmem>>
          %dma_start3A_279 = tpu.memref_squeeze %dma_start3A_278 : memref<1x1x128xi32, #tpu.memory_space<vmem>> -> memref<1x128xi32, #tpu.memory_space<vmem>>
          %dma_start3A_280 = arith.constant 0 : i32
          %dma_start3A_281 = tpu.memref_slice %arg3[%dma_start3A_280, %mul3A_267] : memref<1x81920xi32, #tpu.memory_space<hbm>> -> memref<1x128xi32, #tpu.memory_space<hbm>>
          tpu.enqueue_dma source(%dma_start3A_281 : memref<1x128xi32, #tpu.memory_space<hbm>>) target(%dma_start3A_279 : memref<1x128xi32, #tpu.memory_space<vmem>>) target_semaphore(%dma_start3A_275 : memref<!tpu.dma_semaphore, #tpu.memory_space<semaphore_mem>>)
          "tpu.trace_stop"() : () -> ()
        } else {
        }
        %and3A_163 = arith.constant true
        %and3A_164 = arith.andi %and3A, %and3A_163 : i1
        %add3A_165 = arith.constant 1 : i32
        %add3A_166 = arith.addi %scan3A_122, %add3A_165 : i32
        %select_n3A_167 = arith.select %and3A_164, %add3A_166, %scan3A_122 : i32
        %ne3A_168 = arith.cmpi ne, %add3A_131, %add3A_149 : i32
        %or3A_169 = arith.constant false
        %or3A_170 = arith.ori %or3A_169, %ne3A_168 : i1
        %or3A_171 = arith.constant false
        %or3A_172 = arith.ori %or3A_170, %or3A_171 : i1
        %ge3A_173 = arith.constant 19 : i32
        %ge3A_174 = arith.cmpi sge, %scan3A_121, %ge3A_173 : i32
        %not3A_175 = arith.constant true
        %not3A_176 = arith.xori %ge3A_174, %not3A_175 : i1
        %and3A_177 = arith.andi %or3A_172, %not3A_176 : i1
        %ne3A_178 = arith.cmpi ne, %add3A_131, %add3A_140 : i32
        %or3A_179 = arith.constant false
        %or3A_180 = arith.ori %or3A_179, %ne3A_178 : i1
        %or3A_181 = arith.ori %or3A_180, %eq3A_128 : i1
        %convert_element_type3A_182 = arith.extui %or3A_181 : i1 to i32
        %cond3A_183 = arith.constant 0 : i32
        %cond3A_184 = arith.cmpi ne, %convert_element_type3A_182, %cond3A_183 : i32
        scf.if %cond3A_184 {
          "tpu.trace_start"() <{level = 10 : i32, message = "ep_wait_in"}> : () -> ()
          %mul3A_264 = arith.constant 128 : i32
          %mul3A_265 = arith.muli %mul3A_264, %add3A_131 : i32
          %rem3A_266 = arith.constant 2 : i32
          %rem3A_267 = arith.remui %scan3A_123, %rem3A_266 : i32
          %dma_wait3A_268 = arith.constant 0 : i32
          %dma_wait3A_269 = arith.constant 0 : i32
          %dma_wait3A_270 = tpu.memref_slice %run_scoped3A[%rem3A_267, %dma_wait3A_268, %dma_wait3A_269] : memref<2x1x128xi32, #tpu.memory_space<vmem>> -> memref<1x1x128xi32, #tpu.memory_space<vmem>>
          %dma_wait3A_271 = tpu.memref_squeeze %dma_wait3A_270 : memref<1x1x128xi32, #tpu.memory_space<vmem>> -> memref<1x128xi32, #tpu.memory_space<vmem>>
          %dma_wait3A_272 = arith.constant 0 : i32
          %dma_wait3A_273 = tpu.memref_slice %arg3[%dma_wait3A_272, %mul3A_265] : memref<1x81920xi32, #tpu.memory_space<hbm>> -> memref<1x128xi32, #tpu.memory_space<hbm>>
          %dma_wait3A_274 = tpu.memref_slice %run_scoped3A_7[%rem3A_267] : memref<2x!tpu.dma_semaphore, #tpu.memory_space<semaphore_mem>> -> memref<1x!tpu.dma_semaphore, #tpu.memory_space<semaphore_mem>>
          %dma_wait3A_275 = tpu.memref_squeeze %dma_wait3A_274 : memref<1x!tpu.dma_semaphore, #tpu.memory_space<semaphore_mem>> -> memref<!tpu.dma_semaphore, #tpu.memory_space<semaphore_mem>>
          %dma_wait3A_276 = arith.constant 0 : i32
          %dma_wait3A_277 = arith.constant 0 : i32
          %dma_wait3A_278 = tpu.memref_slice %run_scoped3A[%rem3A_267, %dma_wait3A_276, %dma_wait3A_277] : memref<2x1x128xi32, #tpu.memory_space<vmem>> -> memref<1x1x128xi32, #tpu.memory_space<vmem>>
          %dma_wait3A_279 = tpu.memref_squeeze %dma_wait3A_278 : memref<1x1x128xi32, #tpu.memory_space<vmem>> -> memref<1x128xi32, #tpu.memory_space<vmem>>
          %dma_wait3A_280 = arith.constant 0 : i32
          %dma_wait3A_281 = tpu.memref_slice %arg3[%dma_wait3A_280, %mul3A_265] : memref<1x81920xi32, #tpu.memory_space<hbm>> -> memref<1x128xi32, #tpu.memory_space<hbm>>
          tpu.wait_dma2 semaphore(%dma_wait3A_275 : memref<!tpu.dma_semaphore, #tpu.memory_space<semaphore_mem>>) src(%dma_wait3A_281 : memref<1x128xi32, #tpu.memory_space<hbm>>) dst(%dma_wait3A_279 : memref<1x128xi32, #tpu.memory_space<vmem>>)
          "tpu.trace_stop"() : () -> ()
        } else {
        }
        %ne3A_185 = arith.cmpi ne, %add3A_131, %add3A_140 : i32
        %or3A_186 = arith.constant false
        %or3A_187 = arith.ori %or3A_186, %ne3A_185 : i1
        %or3A_188 = arith.constant false
        %or3A_189 = arith.ori %or3A_187, %or3A_188 : i1
        %or3A_190 = arith.ori %or3A_189, %eq3A_128 : i1
        %convert_element_type3A_191 = arith.extui %or3A_190 : i1 to i32
        %cond3A_192 = arith.constant 0 : i32
        %cond3A_193 = arith.cmpi ne, %convert_element_type3A_191, %cond3A_192 : i32
        scf.if %cond3A_193 {
        } else {
        }
        %rem3A_194 = arith.constant 2 : i32
        %rem3A_195 = arith.remui %scan3A_123, %rem3A_194 : i32
        %rem3A_196 = arith.constant 2 : i32
        %rem3A_197 = arith.remui %scan3A_124, %rem3A_196 : i32
        %run_scoped3A_198 = arith.constant 0 : i32
        "tpu.trace_start"() <{level = 10 : i32, message = "ep_run_kernel"}> : () -> ()
        "tpu.region"() ({
          %run_scoped3A_264 = tpu.sem_alloc : memref<!tpu.dma_semaphore, #tpu.memory_space<semaphore_mem>>
          %dma_start3A_265 = arith.constant 0 : i32
          %dma_start3A_266 = arith.constant 0 : i32
          %dma_start3A_267 = tpu.memref_slice %run_scoped3A_8[%rem3A_197, %dma_start3A_265, %dma_start3A_266] : memref<2x128x32xf32, #tpu.memory_space<vmem>> -> memref<1x128x32xf32, #tpu.memory_space<vmem>>
          %dma_start3A_268 = tpu.memref_squeeze %dma_start3A_267 : memref<1x128x32xf32, #tpu.memory_space<vmem>> -> memref<128x32xf32, #tpu.memory_space<vmem>>
          %dma_start3A_269 = arith.constant 0 : i32
          %dma_start3A_270 = arith.constant 0 : i32
          %dma_start3A_271 = tpu.memref_slice %run_scoped3A[%rem3A_195, %dma_start3A_269, %dma_start3A_270] : memref<2x1x128xi32, #tpu.memory_space<vmem>> -> memref<1x1x128xi32, #tpu.memory_space<vmem>>
          %dma_start3A_272 = tpu.memref_squeeze %dma_start3A_271 : memref<1x1x128xi32, #tpu.memory_space<vmem>> -> memref<1x128xi32, #tpu.memory_space<vmem>>
          %dma_start3A_273 = arith.constant 0 : i32
          %dma_start3A_274 = tpu.memref_slice %dma_start3A_272[%run_scoped3A_198, %dma_start3A_273] : memref<1x128xi32, #tpu.memory_space<vmem>> -> memref<1x128xi32, #tpu.memory_space<vmem>>
          %dma_start3A_275 = tpu.memref_squeeze %dma_start3A_274 : memref<1x128xi32, #tpu.memory_space<vmem>> -> memref<128xi32, #tpu.memory_space<vmem>>
          %dma_start3A_276 = arith.constant 0 : i32
          %dma_start3A_277 = arith.constant 0 : i32
          %dma_start3A_278 = tpu.memref_slice %arg2[%dma_start3A_276, %dma_start3A_277] : memref<10000x32xf32, #tpu.memory_space<hbm>> -> memref<10000x32xf32, #tpu.memory_space<hbm>>
          tpu.enqueue_indirect_dma source(%dma_start3A_278 : memref<10000x32xf32, #tpu.memory_space<hbm>>) target(%dma_start3A_268 : memref<128x32xf32, #tpu.memory_space<vmem>>) offsets(%dma_start3A_275 : memref<128xi32, #tpu.memory_space<vmem>>) semaphore(%run_scoped3A_264 : memref<!tpu.dma_semaphore, #tpu.memory_space<semaphore_mem>>)
          %dma_wait3A_279 = arith.constant 0 : i32
          %dma_wait3A_280 = arith.constant 0 : i32
          %dma_wait3A_281 = tpu.memref_slice %run_scoped3A_8[%rem3A_197, %dma_wait3A_279, %dma_wait3A_280] : memref<2x128x32xf32, #tpu.memory_space<vmem>> -> memref<1x128x32xf32, #tpu.memory_space<vmem>>
          %dma_wait3A_282 = tpu.memref_squeeze %dma_wait3A_281 : memref<1x128x32xf32, #tpu.memory_space<vmem>> -> memref<128x32xf32, #tpu.memory_space<vmem>>
          %dma_wait3A_283 = arith.constant 0 : i32
          %dma_wait3A_284 = arith.constant 0 : i32
          %dma_wait3A_285 = tpu.memref_slice %run_scoped3A[%rem3A_195, %dma_wait3A_283, %dma_wait3A_284] : memref<2x1x128xi32, #tpu.memory_space<vmem>> -> memref<1x1x128xi32, #tpu.memory_space<vmem>>
          %dma_wait3A_286 = tpu.memref_squeeze %dma_wait3A_285 : memref<1x1x128xi32, #tpu.memory_space<vmem>> -> memref<1x128xi32, #tpu.memory_space<vmem>>
          %dma_wait3A_287 = arith.constant 0 : i32
          %dma_wait3A_288 = tpu.memref_slice %dma_wait3A_286[%run_scoped3A_198, %dma_wait3A_287] : memref<1x128xi32, #tpu.memory_space<vmem>> -> memref<1x128xi32, #tpu.memory_space<vmem>>
          %dma_wait3A_289 = tpu.memref_squeeze %dma_wait3A_288 : memref<1x128xi32, #tpu.memory_space<vmem>> -> memref<128xi32, #tpu.memory_space<vmem>>
          %dma_wait3A_290 = arith.constant 0 : i32
          %dma_wait3A_291 = arith.constant 0 : i32
          %dma_wait3A_292 = tpu.memref_slice %arg2[%dma_wait3A_290, %dma_wait3A_291] : memref<10000x32xf32, #tpu.memory_space<hbm>> -> memref<10000x32xf32, #tpu.memory_space<hbm>>
          tpu.wait_indirect_dma semaphore(%run_scoped3A_264 : memref<!tpu.dma_semaphore, #tpu.memory_space<semaphore_mem>>) src(%dma_wait3A_292 : memref<10000x32xf32, #tpu.memory_space<hbm>>) dst(%dma_wait3A_282 : memref<128x32xf32, #tpu.memory_space<vmem>>)
          tpu.yield
        }) : () -> ()
        "tpu.trace_stop"() : () -> ()
        %ne3A_199 = arith.cmpi ne, %add3A_131, %add3A_149 : i32
        %or3A_200 = arith.constant false
        %or3A_201 = arith.ori %or3A_200, %ne3A_199 : i1
        %or3A_202 = arith.ori %or3A_201, %eq3A_130 : i1
        %convert_element_type3A_203 = arith.extui %or3A_202 : i1 to i32
        %cond3A_204 = arith.constant 0 : i32
        %cond3A_205 = arith.cmpi ne, %convert_element_type3A_203, %cond3A_204 : i32
        scf.if %cond3A_205 {
        } else {
        }
        %and3A_206 = arith.constant false
        %and3A_207 = arith.andi %or3A_202, %and3A_206 : i1
        %ne3A_208 = arith.cmpi ne, %add3A_131, %add3A_149 : i32
        %or3A_209 = arith.constant false
        %or3A_210 = arith.ori %or3A_209, %ne3A_208 : i1
        %or3A_211 = arith.constant false
        %or3A_212 = arith.ori %or3A_210, %or3A_211 : i1
        %or3A_213 = arith.ori %or3A_212, %eq3A_130 : i1
        %convert_element_type3A_214 = arith.extui %or3A_213 : i1 to i32
        %cond3A_215 = arith.constant 0 : i32
        %cond3A_216 = arith.cmpi ne, %convert_element_type3A_214, %cond3A_215 : i32
        scf.if %cond3A_216 {
          "tpu.trace_start"() <{level = 10 : i32, message = "ep_copy_out"}> : () -> ()
          %rem3A_264 = arith.constant 2 : i32
          %rem3A_265 = arith.remui %scan3A_124, %rem3A_264 : i32
          %mul3A_266 = arith.constant 128 : i32
          %mul3A_267 = arith.muli %mul3A_266, %add3A_131 : i32
          %dma_start3A_268 = arith.constant 0 : i32
          %dma_start3A_269 = arith.constant 0 : i32
          %dma_start3A_270 = tpu.memref_slice %run_scoped3A_8[%rem3A_265, %dma_start3A_268, %dma_start3A_269] : memref<2x128x32xf32, #tpu.memory_space<vmem>> -> memref<1x128x32xf32, #tpu.memory_space<vmem>>
          %dma_start3A_271 = tpu.memref_squeeze %dma_start3A_270 : memref<1x128x32xf32, #tpu.memory_space<vmem>> -> memref<128x32xf32, #tpu.memory_space<vmem>>
          %dma_start3A_272 = arith.constant 0 : i32
          %dma_start3A_273 = tpu.memref_slice %arg4[%mul3A_267, %dma_start3A_272] : memref<81920x32xf32, #tpu.memory_space<hbm>> -> memref<128x32xf32, #tpu.memory_space<hbm>>
          %dma_start3A_274 = tpu.memref_slice %run_scoped3A_9[%rem3A_265] : memref<2x!tpu.dma_semaphore, #tpu.memory_space<semaphore_mem>> -> memref<1x!tpu.dma_semaphore, #tpu.memory_space<semaphore_mem>>
          %dma_start3A_275 = tpu.memref_squeeze %dma_start3A_274 : memref<1x!tpu.dma_semaphore, #tpu.memory_space<semaphore_mem>> -> memref<!tpu.dma_semaphore, #tpu.memory_space<semaphore_mem>>
          %dma_start3A_276 = arith.constant 0 : i32
          %dma_start3A_277 = tpu.memref_slice %arg4[%mul3A_267, %dma_start3A_276] : memref<81920x32xf32, #tpu.memory_space<hbm>> -> memref<128x32xf32, #tpu.memory_space<hbm>>
          %dma_start3A_278 = arith.constant 0 : i32
          %dma_start3A_279 = arith.constant 0 : i32
          %dma_start3A_280 = tpu.memref_slice %run_scoped3A_8[%rem3A_265, %dma_start3A_278, %dma_start3A_279] : memref<2x128x32xf32, #tpu.memory_space<vmem>> -> memref<1x128x32xf32, #tpu.memory_space<vmem>>
          %dma_start3A_281 = tpu.memref_squeeze %dma_start3A_280 : memref<1x128x32xf32, #tpu.memory_space<vmem>> -> memref<128x32xf32, #tpu.memory_space<vmem>>
          tpu.enqueue_dma source(%dma_start3A_281 : memref<128x32xf32, #tpu.memory_space<vmem>>) target(%dma_start3A_277 : memref<128x32xf32, #tpu.memory_space<hbm>>) target_semaphore(%dma_start3A_275 : memref<!tpu.dma_semaphore, #tpu.memory_space<semaphore_mem>>)
          "tpu.trace_stop"() : () -> ()
        } else {
        }
        %and3A_217 = arith.constant true
        %and3A_218 = arith.andi %or3A_213, %and3A_217 : i1
        %add3A_219 = arith.constant 1 : i32
        %add3A_220 = arith.addi %scan3A_124, %add3A_219 : i32
        %select_n3A_221 = arith.select %and3A_218, %add3A_220, %scan3A_124 : i32
        %ne3A_222 = arith.cmpi ne, %add3A_131, %add3A_140 : i32
        %or3A_223 = arith.constant false
        %or3A_224 = arith.ori %or3A_223, %ne3A_222 : i1
        %not3A_225 = arith.constant true
        %not3A_226 = arith.xori %eq3A_128, %not3A_225 : i1
        %and3A_227 = arith.andi %or3A_224, %not3A_226 : i1
        %convert_element_type3A_228 = arith.extui %and3A_227 : i1 to i32
        %cond3A_229 = arith.constant 0 : i32
        %cond3A_230 = arith.cmpi ne, %convert_element_type3A_228, %cond3A_229 : i32
        scf.if %cond3A_230 {
        } else {
        }
        %and3A_231 = arith.constant false
        %and3A_232 = arith.andi %and3A_227, %and3A_231 : i1
        %ne3A_233 = arith.cmpi ne, %add3A_131, %add3A_140 : i32
        %or3A_234 = arith.constant false
        %or3A_235 = arith.ori %or3A_234, %ne3A_233 : i1
        %or3A_236 = arith.constant false
        %or3A_237 = arith.ori %or3A_235, %or3A_236 : i1
        %not3A_238 = arith.constant true
        %not3A_239 = arith.xori %eq3A_128, %not3A_238 : i1
        %and3A_240 = arith.andi %or3A_237, %not3A_239 : i1
        %convert_element_type3A_241 = arith.extui %and3A_240 : i1 to i32
        %cond3A_242 = arith.constant 0 : i32
        %cond3A_243 = arith.cmpi ne, %convert_element_type3A_241, %cond3A_242 : i32
        scf.if %cond3A_243 {
          "tpu.trace_start"() <{level = 10 : i32, message = "ep_wait_out"}> : () -> ()
          %rem3A_264 = arith.constant 2 : i32
          %rem3A_265 = arith.remui %scan3A_125, %rem3A_264 : i32
          %mul3A_266 = arith.constant 128 : i32
          %mul3A_267 = arith.muli %mul3A_266, %add3A_140 : i32
          %dma_wait3A_268 = arith.constant 0 : i32
          %dma_wait3A_269 = arith.constant 0 : i32
          %dma_wait3A_270 = tpu.memref_slice %run_scoped3A_8[%rem3A_265, %dma_wait3A_268, %dma_wait3A_269] : memref<2x128x32xf32, #tpu.memory_space<vmem>> -> memref<1x128x32xf32, #tpu.memory_space<vmem>>
          %dma_wait3A_271 = tpu.memref_squeeze %dma_wait3A_270 : memref<1x128x32xf32, #tpu.memory_space<vmem>> -> memref<128x32xf32, #tpu.memory_space<vmem>>
          %dma_wait3A_272 = arith.constant 0 : i32
          %dma_wait3A_273 = tpu.memref_slice %arg4[%mul3A_267, %dma_wait3A_272] : memref<81920x32xf32, #tpu.memory_space<hbm>> -> memref<128x32xf32, #tpu.memory_space<hbm>>
          %dma_wait3A_274 = tpu.memref_slice %run_scoped3A_9[%rem3A_265] : memref<2x!tpu.dma_semaphore, #tpu.memory_space<semaphore_mem>> -> memref<1x!tpu.dma_semaphore, #tpu.memory_space<semaphore_mem>>
          %dma_wait3A_275 = tpu.memref_squeeze %dma_wait3A_274 : memref<1x!tpu.dma_semaphore, #tpu.memory_space<semaphore_mem>> -> memref<!tpu.dma_semaphore, #tpu.memory_space<semaphore_mem>>
          %dma_wait3A_276 = arith.constant 0 : i32
          %dma_wait3A_277 = tpu.memref_slice %arg4[%mul3A_267, %dma_wait3A_276] : memref<81920x32xf32, #tpu.memory_space<hbm>> -> memref<128x32xf32, #tpu.memory_space<hbm>>
          %dma_wait3A_278 = arith.constant 0 : i32
          %dma_wait3A_279 = arith.constant 0 : i32
          %dma_wait3A_280 = tpu.memref_slice %run_scoped3A_8[%rem3A_265, %dma_wait3A_278, %dma_wait3A_279] : memref<2x128x32xf32, #tpu.memory_space<vmem>> -> memref<1x128x32xf32, #tpu.memory_space<vmem>>
          %dma_wait3A_281 = tpu.memref_squeeze %dma_wait3A_280 : memref<1x128x32xf32, #tpu.memory_space<vmem>> -> memref<128x32xf32, #tpu.memory_space<vmem>>
          tpu.wait_dma2 semaphore(%dma_wait3A_275 : memref<!tpu.dma_semaphore, #tpu.memory_space<semaphore_mem>>) src(%dma_wait3A_281 : memref<128x32xf32, #tpu.memory_space<vmem>>) dst(%dma_wait3A_277 : memref<128x32xf32, #tpu.memory_space<hbm>>)
          "tpu.trace_stop"() : () -> ()
        } else {
        }
        %and3A_244 = arith.constant true
        %and3A_245 = arith.andi %and3A_240, %and3A_244 : i1
        %add3A_246 = arith.constant 1 : i32
        %add3A_247 = arith.addi %scan3A_125, %add3A_246 : i32
        %select_n3A_248 = arith.select %and3A_245, %add3A_247, %scan3A_125 : i32
        %ne3A_249 = arith.cmpi ne, %add3A_131, %add3A_149 : i32
        %or3A_250 = arith.constant false
        %or3A_251 = arith.ori %or3A_250, %ne3A_249 : i1
        %or3A_252 = arith.ori %or3A_251, %eq3A_130 : i1
        %add3A_253 = arith.constant 1 : i32
        %add3A_254 = arith.addi %scan3A_123, %add3A_253 : i32
        %select_n3A_255 = arith.select %or3A_252, %add3A_254, %scan3A_123 : i32
        %add3A_256 = arith.constant 1 : i32
        %add3A_257 = arith.addi %scan3A_126, %add3A_256 : i32
        %select_n3A_258 = arith.constant true
        %select_n3A_259 = arith.select %select_n3A_258, %add3A_257, %scan3A_126 : i32
        %eq3A_260 = arith.constant 20 : i32
        %eq3A_261 = arith.cmpi eq, %select_n3A_259, %eq3A_260 : i32
        %select_n3A_262 = arith.constant 0 : i32
        %select_n3A_263 = arith.select %eq3A_261, %select_n3A_262, %select_n3A_259 : i32
        scf.yield %select_n3A_167, %select_n3A_255, %select_n3A_221, %select_n3A_248, %select_n3A_263 : i32, i32, i32, i32, i32
      }
      %scan3A_68 = arith.constant 20 : i32
      %sub3A = arith.constant 1 : i32
      %sub3A_69 = arith.subi %scan3A_67#4, %sub3A : i32
      %select_n3A_70 = arith.constant true
      %select_n3A_71 = arith.select %select_n3A_70, %sub3A_69, %scan3A_67#4 : i32
      %eq3A_72 = arith.constant -1 : i32
      %eq3A_73 = arith.cmpi eq, %select_n3A_71, %eq3A_72 : i32
      %select_n3A_74 = arith.constant 19 : i32
      %select_n3A_75 = arith.select %eq3A_73, %select_n3A_74, %select_n3A_71 : i32
      %add3A_76 = arith.addi %select_n3A_75, %mul3A_6 : i32
      %sub3A_77 = arith.constant 1 : i32
      %sub3A_78 = arith.subi %select_n3A_75, %sub3A_77 : i32
      %select_n3A_79 = arith.constant true
      %select_n3A_80 = arith.select %select_n3A_79, %sub3A_78, %select_n3A_75 : i32
      %eq3A_81 = arith.constant -1 : i32
      %eq3A_82 = arith.cmpi eq, %select_n3A_80, %eq3A_81 : i32
      %select_n3A_83 = arith.constant 19 : i32
      %select_n3A_84 = arith.select %eq3A_82, %select_n3A_83, %select_n3A_80 : i32
      %add3A_85 = arith.addi %select_n3A_84, %mul3A_6 : i32
      %add3A_86 = arith.constant 1 : i32
      %add3A_87 = arith.addi %select_n3A_75, %add3A_86 : i32
      %select_n3A_88 = arith.constant true
      %select_n3A_89 = arith.select %select_n3A_88, %add3A_87, %select_n3A_75 : i32
      %eq3A_90 = arith.constant 20 : i32
      %eq3A_91 = arith.cmpi eq, %select_n3A_89, %eq3A_90 : i32
      %select_n3A_92 = arith.constant 0 : i32
      %select_n3A_93 = arith.select %eq3A_91, %select_n3A_92, %select_n3A_89 : i32
      %add3A_94 = arith.addi %select_n3A_93, %mul3A_6 : i32
      %add3A_95 = arith.constant 1 : i32
      %add3A_96 = arith.addi %select_n3A_93, %add3A_95 : i32
      %select_n3A_97 = arith.constant true
      %select_n3A_98 = arith.select %select_n3A_97, %add3A_96, %select_n3A_93 : i32
      %eq3A_99 = arith.constant 20 : i32
      %eq3A_100 = arith.cmpi eq, %select_n3A_98, %eq3A_99 : i32
      %select_n3A_101 = arith.constant 0 : i32
      %select_n3A_102 = arith.select %eq3A_100, %select_n3A_101, %select_n3A_98 : i32
      %add3A_103 = arith.addi %select_n3A_102, %mul3A_6 : i32
      "tpu.trace_start"() <{level = 10 : i32, message = "ep_finalize"}> : () -> ()
      %rem3A_104 = arith.constant 2 : i32
      %rem3A_105 = arith.remui %scan3A_67#3, %rem3A_104 : i32
      %mul3A_106 = arith.constant 128 : i32
      %mul3A_107 = arith.muli %mul3A_106, %add3A_76 : i32
      %dma_wait3A = arith.constant 0 : i32
      %dma_wait3A_108 = arith.constant 0 : i32
      %dma_wait3A_109 = tpu.memref_slice %run_scoped3A_8[%rem3A_105, %dma_wait3A, %dma_wait3A_108] : memref<2x128x32xf32, #tpu.memory_space<vmem>> -> memref<1x128x32xf32, #tpu.memory_space<vmem>>
      %dma_wait3A_110 = tpu.memref_squeeze %dma_wait3A_109 : memref<1x128x32xf32, #tpu.memory_space<vmem>> -> memref<128x32xf32, #tpu.memory_space<vmem>>
      %dma_wait3A_111 = arith.constant 0 : i32
      %dma_wait3A_112 = tpu.memref_slice %arg4[%mul3A_107, %dma_wait3A_111] : memref<81920x32xf32, #tpu.memory_space<hbm>> -> memref<128x32xf32, #tpu.memory_space<hbm>>
      %dma_wait3A_113 = tpu.memref_slice %run_scoped3A_9[%rem3A_105] : memref<2x!tpu.dma_semaphore, #tpu.memory_space<semaphore_mem>> -> memref<1x!tpu.dma_semaphore, #tpu.memory_space<semaphore_mem>>
      %dma_wait3A_114 = tpu.memref_squeeze %dma_wait3A_113 : memref<1x!tpu.dma_semaphore, #tpu.memory_space<semaphore_mem>> -> memref<!tpu.dma_semaphore, #tpu.memory_space<semaphore_mem>>
      %dma_wait3A_115 = arith.constant 0 : i32
      %dma_wait3A_116 = tpu.memref_slice %arg4[%mul3A_107, %dma_wait3A_115] : memref<81920x32xf32, #tpu.memory_space<hbm>> -> memref<128x32xf32, #tpu.memory_space<hbm>>
      %dma_wait3A_117 = arith.constant 0 : i32
      %dma_wait3A_118 = arith.constant 0 : i32
      %dma_wait3A_119 = tpu.memref_slice %run_scoped3A_8[%rem3A_105, %dma_wait3A_117, %dma_wait3A_118] : memref<2x128x32xf32, #tpu.memory_space<vmem>> -> memref<1x128x32xf32, #tpu.memory_space<vmem>>
      %dma_wait3A_120 = tpu.memref_squeeze %dma_wait3A_119 : memref<1x128x32xf32, #tpu.memory_space<vmem>> -> memref<128x32xf32, #tpu.memory_space<vmem>>
      tpu.wait_dma2 semaphore(%dma_wait3A_114 : memref<!tpu.dma_semaphore, #tpu.memory_space<semaphore_mem>>) src(%dma_wait3A_120 : memref<128x32xf32, #tpu.memory_space<vmem>>) dst(%dma_wait3A_116 : memref<128x32xf32, #tpu.memory_space<hbm>>)
      "tpu.trace_stop"() : () -> ()
      tpu.yield
    }) : () -> ()
    return
  }
}

#map = affine_map<(d0, d1) -> (0, 0)>
#map1 = affine_map<(d0, d1) -> (0, 0, 0)>
module attributes {stable_mosaic.version = 14 : i64} {
  func.func @scatter_kernel(%arg0: i32, %arg1: i32, %arg2: memref<81920x32xf32, #tpu.memory_space<hbm>>, %arg3: memref<81920x32xf32, #tpu.memory_space<hbm>>, %arg4: memref<1x81920xi32, #tpu.memory_space<hbm>>, %arg5: memref<1x81920xi32, #tpu.memory_space<hbm>>, %arg6: memref<628x32xf32, #tpu.memory_space<hbm>>, %arg7: memref<628x16xf32, #tpu.memory_space<hbm>>, %arg8: memref<128x16xf32, #tpu.memory_space<hbm>>, %arg9: memref<2x10048x32xf32, #tpu.memory_space<hbm>>, %arg10: memref<2x10048x16xf32, #tpu.memory_space<hbm>>, %arg11: memref<10048x32xf32, #tpu.memory_space<vmem_shared>>, %arg12: memref<10048x16xf32, #tpu.memory_space<vmem_shared>>, %arg13: memref<128x16xf32, #tpu.memory_space<vmem>>) attributes {dimension_semantics = [#tpu.dimension_semantics<core_parallel>, #tpu.dimension_semantics<subcore_parallel>], iteration_bounds = array<i64: 2, 16>, scalar_prefetch = 0 : i64, scratch_operands = 3 : i64, tpu.core_type = #tpu.core_type<sc_vector_subcore>, window_params = [{transform_indices = #map}, {transform_indices = #map}, {transform_indices = #map}, {transform_indices = #map}, {transform_indices = #map}, {transform_indices = #map}, {transform_indices = #map}, {transform_indices = #map1}, {transform_indices = #map1}]} {
    %mul3A = arith.constant 628 : i32
    %mul3A_0 = arith.muli %arg1, %mul3A : i32
    "tpu.region"() ({
      %run_scoped3A = tpu.sem_alloc : memref<!tpu.dma_semaphore, #tpu.memory_space<semaphore_mem>>
      %dma_start3A = arith.constant 0 : i32
      %dma_start3A_19 = tpu.memref_slice %arg11[%mul3A_0, %dma_start3A] : memref<10048x32xf32, #tpu.memory_space<vmem_shared>> -> memref<628x32xf32, #tpu.memory_space<vmem_shared>>
      tpu.enqueue_dma source(%arg6 : memref<628x32xf32, #tpu.memory_space<hbm>>) target(%dma_start3A_19 : memref<628x32xf32, #tpu.memory_space<vmem_shared>>) target_semaphore(%run_scoped3A : memref<!tpu.dma_semaphore, #tpu.memory_space<semaphore_mem>>)
      %dma_wait3A = arith.constant 0 : i32
      %dma_wait3A_20 = tpu.memref_slice %arg11[%mul3A_0, %dma_wait3A] : memref<10048x32xf32, #tpu.memory_space<vmem_shared>> -> memref<628x32xf32, #tpu.memory_space<vmem_shared>>
      tpu.wait_dma2 semaphore(%run_scoped3A : memref<!tpu.dma_semaphore, #tpu.memory_space<semaphore_mem>>) src(%arg6 : memref<628x32xf32, #tpu.memory_space<hbm>>) dst(%dma_wait3A_20 : memref<628x32xf32, #tpu.memory_space<vmem_shared>>)
      tpu.yield
    }) : () -> ()
    "tpu.region"() ({
      %run_scoped3A = tpu.sem_alloc : memref<!tpu.dma_semaphore, #tpu.memory_space<semaphore_mem>>
      %dma_start3A = arith.constant 0 : i32
      %dma_start3A_19 = tpu.memref_slice %arg12[%mul3A_0, %dma_start3A] : memref<10048x16xf32, #tpu.memory_space<vmem_shared>> -> memref<628x16xf32, #tpu.memory_space<vmem_shared>>
      tpu.enqueue_dma source(%arg7 : memref<628x16xf32, #tpu.memory_space<hbm>>) target(%dma_start3A_19 : memref<628x16xf32, #tpu.memory_space<vmem_shared>>) target_semaphore(%run_scoped3A : memref<!tpu.dma_semaphore, #tpu.memory_space<semaphore_mem>>)
      %dma_wait3A = arith.constant 0 : i32
      %dma_wait3A_20 = tpu.memref_slice %arg12[%mul3A_0, %dma_wait3A] : memref<10048x16xf32, #tpu.memory_space<vmem_shared>> -> memref<628x16xf32, #tpu.memory_space<vmem_shared>>
      tpu.wait_dma2 semaphore(%run_scoped3A : memref<!tpu.dma_semaphore, #tpu.memory_space<semaphore_mem>>) src(%arg7 : memref<628x16xf32, #tpu.memory_space<hbm>>) dst(%dma_wait3A_20 : memref<628x16xf32, #tpu.memory_space<vmem_shared>>)
      tpu.yield
    }) : () -> ()
    "tpu.region"() ({
      %run_scoped3A = tpu.sem_alloc : memref<!tpu.dma_semaphore, #tpu.memory_space<semaphore_mem>>
      tpu.enqueue_dma source(%arg8 : memref<128x16xf32, #tpu.memory_space<hbm>>) target(%arg13 : memref<128x16xf32, #tpu.memory_space<vmem>>) target_semaphore(%run_scoped3A : memref<!tpu.dma_semaphore, #tpu.memory_space<semaphore_mem>>)
      tpu.wait_dma2 semaphore(%run_scoped3A : memref<!tpu.dma_semaphore, #tpu.memory_space<semaphore_mem>>) src(%arg8 : memref<128x16xf32, #tpu.memory_space<hbm>>) dst(%arg13 : memref<128x16xf32, #tpu.memory_space<vmem>>)
      tpu.yield
    }) : () -> ()
    %barrier3A = arith.constant 0 : index
    tpu.barrier barrier_id(%barrier3A)
    %mul3A_1 = arith.constant 1 : i32
    %mul3A_2 = arith.muli %arg1, %mul3A_1 : i32
    %add3A = arith.constant 0 : i32
    %add3A_3 = arith.addi %add3A, %mul3A_2 : i32
    %mul3A_4 = arith.constant 16 : i32
    %mul3A_5 = arith.muli %arg0, %mul3A_4 : i32
    %add3A_6 = arith.addi %add3A_3, %mul3A_5 : i32
    %mul3A_7 = arith.constant 20 : i32
    %mul3A_8 = arith.muli %add3A_6, %mul3A_7 : i32
    "tpu.region"() ({
      %run_scoped3A = memref.alloca() : memref<2x128x32xf32, #tpu.memory_space<vmem>>
      %run_scoped3A_19 = tpu.sem_alloc : memref<2x!tpu.dma_semaphore, #tpu.memory_space<semaphore_mem>>
      %run_scoped3A_20 = memref.alloca() : memref<2x1x128xi32, #tpu.memory_space<vmem>>
      %run_scoped3A_21 = tpu.sem_alloc : memref<2x!tpu.dma_semaphore, #tpu.memory_space<semaphore_mem>>
      %add3A_22 = arith.constant 0 : i32
      %add3A_23 = arith.addi %add3A_22, %mul3A_8 : i32
      %select_n3A = arith.constant true
      %select_n3A_24 = arith.constant 0 : i32
      %select_n3A_25 = arith.constant -1 : i32
      %select_n3A_26 = arith.select %select_n3A, %select_n3A_25, %select_n3A_24 : i32
      %eq3A = arith.constant -1 : i32
      %eq3A_27 = arith.cmpi eq, %select_n3A_26, %eq3A : i32
      %select_n3A_28 = arith.constant 19 : i32
      %select_n3A_29 = arith.select %eq3A_27, %select_n3A_28, %select_n3A_26 : i32
      %add3A_30 = arith.addi %select_n3A_29, %mul3A_8 : i32
      %select_n3A_31 = arith.constant true
      %select_n3A_32 = arith.constant 0 : i32
      %select_n3A_33 = arith.constant 1 : i32
      %select_n3A_34 = arith.select %select_n3A_31, %select_n3A_33, %select_n3A_32 : i32
      %eq3A_35 = arith.constant 20 : i32
      %eq3A_36 = arith.cmpi eq, %select_n3A_34, %eq3A_35 : i32
      %select_n3A_37 = arith.constant 0 : i32
      %select_n3A_38 = arith.select %eq3A_36, %select_n3A_37, %select_n3A_34 : i32
      %add3A_39 = arith.addi %select_n3A_38, %mul3A_8 : i32
      %add3A_40 = arith.constant 1 : i32
      %add3A_41 = arith.addi %select_n3A_38, %add3A_40 : i32
      %select_n3A_42 = arith.constant true
      %select_n3A_43 = arith.select %select_n3A_42, %add3A_41, %select_n3A_38 : i32
      %eq3A_44 = arith.constant 20 : i32
      %eq3A_45 = arith.cmpi eq, %select_n3A_43, %eq3A_44 : i32
      %select_n3A_46 = arith.constant 0 : i32
      %select_n3A_47 = arith.select %eq3A_45, %select_n3A_46, %select_n3A_43 : i32
      %add3A_48 = arith.addi %select_n3A_47, %mul3A_8 : i32
      "tpu.trace_start"() <{level = 10 : i32, message = "ep_initialize_0"}> : () -> ()
      %rem3A = arith.constant 0 : i32
      %rem3A_49 = arith.constant 2 : i32
      %rem3A_50 = arith.remui %rem3A, %rem3A_49 : i32
      %mul3A_51 = arith.constant 128 : i32
      %mul3A_52 = arith.muli %mul3A_51, %add3A_23 : i32
      %dma_start3A = arith.constant 0 : i32
      %dma_start3A_53 = arith.constant 0 : i32
      %dma_start3A_54 = tpu.memref_slice %run_scoped3A[%rem3A_50, %dma_start3A, %dma_start3A_53] : memref<2x128x32xf32, #tpu.memory_space<vmem>> -> memref<1x128x32xf32, #tpu.memory_space<vmem>>
      %dma_start3A_55 = tpu.memref_squeeze %dma_start3A_54 : memref<1x128x32xf32, #tpu.memory_space<vmem>> -> memref<128x32xf32, #tpu.memory_space<vmem>>
      %dma_start3A_56 = arith.constant 0 : i32
      %dma_start3A_57 = tpu.memref_slice %arg2[%mul3A_52, %dma_start3A_56] : memref<81920x32xf32, #tpu.memory_space<hbm>> -> memref<128x32xf32, #tpu.memory_space<hbm>>
      %dma_start3A_58 = tpu.memref_slice %run_scoped3A_19[%rem3A_50] : memref<2x!tpu.dma_semaphore, #tpu.memory_space<semaphore_mem>> -> memref<1x!tpu.dma_semaphore, #tpu.memory_space<semaphore_mem>>
      %dma_start3A_59 = tpu.memref_squeeze %dma_start3A_58 : memref<1x!tpu.dma_semaphore, #tpu.memory_space<semaphore_mem>> -> memref<!tpu.dma_semaphore, #tpu.memory_space<semaphore_mem>>
      %dma_start3A_60 = arith.constant 0 : i32
      %dma_start3A_61 = arith.constant 0 : i32
      %dma_start3A_62 = tpu.memref_slice %run_scoped3A[%rem3A_50, %dma_start3A_60, %dma_start3A_61] : memref<2x128x32xf32, #tpu.memory_space<vmem>> -> memref<1x128x32xf32, #tpu.memory_space<vmem>>
      %dma_start3A_63 = tpu.memref_squeeze %dma_start3A_62 : memref<1x128x32xf32, #tpu.memory_space<vmem>> -> memref<128x32xf32, #tpu.memory_space<vmem>>
      %dma_start3A_64 = arith.constant 0 : i32
      %dma_start3A_65 = tpu.memref_slice %arg2[%mul3A_52, %dma_start3A_64] : memref<81920x32xf32, #tpu.memory_space<hbm>> -> memref<128x32xf32, #tpu.memory_space<hbm>>
      tpu.enqueue_dma source(%dma_start3A_65 : memref<128x32xf32, #tpu.memory_space<hbm>>) target(%dma_start3A_63 : memref<128x32xf32, #tpu.memory_space<vmem>>) target_semaphore(%dma_start3A_59 : memref<!tpu.dma_semaphore, #tpu.memory_space<semaphore_mem>>)
      %add3A_66 = arith.constant 0 : i32
      %add3A_67 = arith.constant 1 : i32
      %add3A_68 = arith.addi %add3A_66, %add3A_67 : i32
      %select_n3A_69 = arith.constant true
      %select_n3A_70 = arith.constant 0 : i32
      %select_n3A_71 = arith.select %select_n3A_69, %add3A_68, %select_n3A_70 : i32
      %rem3A_72 = arith.constant 0 : i32
      %rem3A_73 = arith.constant 2 : i32
      %rem3A_74 = arith.remui %rem3A_72, %rem3A_73 : i32
      %mul3A_75 = arith.constant 128 : i32
      %mul3A_76 = arith.muli %mul3A_75, %add3A_23 : i32
      %dma_start3A_77 = arith.constant 0 : i32
      %dma_start3A_78 = arith.constant 0 : i32
      %dma_start3A_79 = tpu.memref_slice %run_scoped3A_20[%rem3A_74, %dma_start3A_77, %dma_start3A_78] : memref<2x1x128xi32, #tpu.memory_space<vmem>> -> memref<1x1x128xi32, #tpu.memory_space<vmem>>
      %dma_start3A_80 = tpu.memref_squeeze %dma_start3A_79 : memref<1x1x128xi32, #tpu.memory_space<vmem>> -> memref<1x128xi32, #tpu.memory_space<vmem>>
      %dma_start3A_81 = arith.constant 0 : i32
      %dma_start3A_82 = tpu.memref_slice %arg4[%dma_start3A_81, %mul3A_76] : memref<1x81920xi32, #tpu.memory_space<hbm>> -> memref<1x128xi32, #tpu.memory_space<hbm>>
      %dma_start3A_83 = tpu.memref_slice %run_scoped3A_21[%rem3A_74] : memref<2x!tpu.dma_semaphore, #tpu.memory_space<semaphore_mem>> -> memref<1x!tpu.dma_semaphore, #tpu.memory_space<semaphore_mem>>
      %dma_start3A_84 = tpu.memref_squeeze %dma_start3A_83 : memref<1x!tpu.dma_semaphore, #tpu.memory_space<semaphore_mem>> -> memref<!tpu.dma_semaphore, #tpu.memory_space<semaphore_mem>>
      %dma_start3A_85 = arith.constant 0 : i32
      %dma_start3A_86 = arith.constant 0 : i32
      %dma_start3A_87 = tpu.memref_slice %run_scoped3A_20[%rem3A_74, %dma_start3A_85, %dma_start3A_86] : memref<2x1x128xi32, #tpu.memory_space<vmem>> -> memref<1x1x128xi32, #tpu.memory_space<vmem>>
      %dma_start3A_88 = tpu.memref_squeeze %dma_start3A_87 : memref<1x1x128xi32, #tpu.memory_space<vmem>> -> memref<1x128xi32, #tpu.memory_space<vmem>>
      %dma_start3A_89 = arith.constant 0 : i32
      %dma_start3A_90 = tpu.memref_slice %arg4[%dma_start3A_89, %mul3A_76] : memref<1x81920xi32, #tpu.memory_space<hbm>> -> memref<1x128xi32, #tpu.memory_space<hbm>>
      tpu.enqueue_dma source(%dma_start3A_90 : memref<1x128xi32, #tpu.memory_space<hbm>>) target(%dma_start3A_88 : memref<1x128xi32, #tpu.memory_space<vmem>>) target_semaphore(%dma_start3A_84 : memref<!tpu.dma_semaphore, #tpu.memory_space<semaphore_mem>>)
      %add3A_91 = arith.constant 0 : i32
      %add3A_92 = arith.constant 1 : i32
      %add3A_93 = arith.addi %add3A_91, %add3A_92 : i32
      %select_n3A_94 = arith.constant true
      %select_n3A_95 = arith.constant 0 : i32
      %select_n3A_96 = arith.select %select_n3A_94, %add3A_93, %select_n3A_95 : i32
      "tpu.trace_stop"() : () -> ()
      %scan3A = arith.constant 0 : i32
      %scan3A_97 = arith.constant 0 : i32
      %scan3A_98 = arith.constant 0 : i32
      %scan3A_99 = arith.constant 0 : i32
      %scan3A_100 = arith.constant 20 : i32
      %scan3A_101 = arith.addi %scan3A_99, %scan3A_100 : i32
      %scan3A_102 = arith.constant 1 : i32
      %scan3A_103:5 = scf.for %scan3A_140 = %scan3A_99 to %scan3A_101 step %scan3A_102 iter_args(%scan3A_141 = %select_n3A_71, %scan3A_142 = %scan3A, %scan3A_143 = %select_n3A_96, %scan3A_144 = %scan3A_97, %scan3A_145 = %scan3A_98) -> (i32, i32, i32, i32, i32)  : i32 {
        %eq3A_146 = arith.constant 0 : i32
        %eq3A_147 = arith.cmpi eq, %scan3A_140, %eq3A_146 : i32
        %eq3A_148 = arith.constant 19 : i32
        %eq3A_149 = arith.cmpi eq, %scan3A_140, %eq3A_148 : i32
        %add3A_150 = arith.addi %scan3A_145, %mul3A_8 : i32
        %sub3A_151 = arith.constant 1 : i32
        %sub3A_152 = arith.subi %scan3A_145, %sub3A_151 : i32
        %select_n3A_153 = arith.constant true
        %select_n3A_154 = arith.select %select_n3A_153, %sub3A_152, %scan3A_145 : i32
        %eq3A_155 = arith.constant -1 : i32
        %eq3A_156 = arith.cmpi eq, %select_n3A_154, %eq3A_155 : i32
        %select_n3A_157 = arith.constant 19 : i32
        %select_n3A_158 = arith.select %eq3A_156, %select_n3A_157, %select_n3A_154 : i32
        %add3A_159 = arith.addi %select_n3A_158, %mul3A_8 : i32
        %add3A_160 = arith.constant 1 : i32
        %add3A_161 = arith.addi %scan3A_145, %add3A_160 : i32
        %select_n3A_162 = arith.constant true
        %select_n3A_163 = arith.select %select_n3A_162, %add3A_161, %scan3A_145 : i32
        %eq3A_164 = arith.constant 20 : i32
        %eq3A_165 = arith.cmpi eq, %select_n3A_163, %eq3A_164 : i32
        %select_n3A_166 = arith.constant 0 : i32
        %select_n3A_167 = arith.select %eq3A_165, %select_n3A_166, %select_n3A_163 : i32
        %add3A_168 = arith.addi %select_n3A_167, %mul3A_8 : i32
        %add3A_169 = arith.constant 1 : i32
        %add3A_170 = arith.addi %select_n3A_167, %add3A_169 : i32
        %select_n3A_171 = arith.constant true
        %select_n3A_172 = arith.select %select_n3A_171, %add3A_170, %select_n3A_167 : i32
        %eq3A_173 = arith.constant 20 : i32
        %eq3A_174 = arith.cmpi eq, %select_n3A_172, %eq3A_173 : i32
        %select_n3A_175 = arith.constant 0 : i32
        %select_n3A_176 = arith.select %eq3A_174, %select_n3A_175, %select_n3A_172 : i32
        %add3A_177 = arith.addi %select_n3A_176, %mul3A_8 : i32
        %ne3A = arith.cmpi ne, %add3A_150, %add3A_168 : i32
        %or3A = arith.constant false
        %or3A_178 = arith.ori %or3A, %ne3A : i1
        %or3A_179 = arith.constant false
        %or3A_180 = arith.ori %or3A_178, %or3A_179 : i1
        %ge3A = arith.constant 19 : i32
        %ge3A_181 = arith.cmpi sge, %scan3A_140, %ge3A : i32
        %not3A = arith.constant true
        %not3A_182 = arith.xori %ge3A_181, %not3A : i1
        %and3A = arith.andi %or3A_180, %not3A_182 : i1
        %convert_element_type3A = arith.extui %and3A : i1 to i32
        %cond3A = arith.constant 0 : i32
        %cond3A_183 = arith.cmpi ne, %convert_element_type3A, %cond3A : i32
        scf.if %cond3A_183 {
          "tpu.trace_start"() <{level = 10 : i32, message = "ep_copy_in"}> : () -> ()
          %rem3A_295 = arith.constant 2 : i32
          %rem3A_296 = arith.remui %scan3A_141, %rem3A_295 : i32
          %mul3A_297 = arith.constant 128 : i32
          %mul3A_298 = arith.muli %mul3A_297, %add3A_168 : i32
          %dma_start3A_299 = arith.constant 0 : i32
          %dma_start3A_300 = arith.constant 0 : i32
          %dma_start3A_301 = tpu.memref_slice %run_scoped3A[%rem3A_296, %dma_start3A_299, %dma_start3A_300] : memref<2x128x32xf32, #tpu.memory_space<vmem>> -> memref<1x128x32xf32, #tpu.memory_space<vmem>>
          %dma_start3A_302 = tpu.memref_squeeze %dma_start3A_301 : memref<1x128x32xf32, #tpu.memory_space<vmem>> -> memref<128x32xf32, #tpu.memory_space<vmem>>
          %dma_start3A_303 = arith.constant 0 : i32
          %dma_start3A_304 = tpu.memref_slice %arg2[%mul3A_298, %dma_start3A_303] : memref<81920x32xf32, #tpu.memory_space<hbm>> -> memref<128x32xf32, #tpu.memory_space<hbm>>
          %dma_start3A_305 = tpu.memref_slice %run_scoped3A_19[%rem3A_296] : memref<2x!tpu.dma_semaphore, #tpu.memory_space<semaphore_mem>> -> memref<1x!tpu.dma_semaphore, #tpu.memory_space<semaphore_mem>>
          %dma_start3A_306 = tpu.memref_squeeze %dma_start3A_305 : memref<1x!tpu.dma_semaphore, #tpu.memory_space<semaphore_mem>> -> memref<!tpu.dma_semaphore, #tpu.memory_space<semaphore_mem>>
          %dma_start3A_307 = arith.constant 0 : i32
          %dma_start3A_308 = arith.constant 0 : i32
          %dma_start3A_309 = tpu.memref_slice %run_scoped3A[%rem3A_296, %dma_start3A_307, %dma_start3A_308] : memref<2x128x32xf32, #tpu.memory_space<vmem>> -> memref<1x128x32xf32, #tpu.memory_space<vmem>>
          %dma_start3A_310 = tpu.memref_squeeze %dma_start3A_309 : memref<1x128x32xf32, #tpu.memory_space<vmem>> -> memref<128x32xf32, #tpu.memory_space<vmem>>
          %dma_start3A_311 = arith.constant 0 : i32
          %dma_start3A_312 = tpu.memref_slice %arg2[%mul3A_298, %dma_start3A_311] : memref<81920x32xf32, #tpu.memory_space<hbm>> -> memref<128x32xf32, #tpu.memory_space<hbm>>
          tpu.enqueue_dma source(%dma_start3A_312 : memref<128x32xf32, #tpu.memory_space<hbm>>) target(%dma_start3A_310 : memref<128x32xf32, #tpu.memory_space<vmem>>) target_semaphore(%dma_start3A_306 : memref<!tpu.dma_semaphore, #tpu.memory_space<semaphore_mem>>)
          "tpu.trace_stop"() : () -> ()
        } else {
        }
        %and3A_184 = arith.constant true
        %and3A_185 = arith.andi %and3A, %and3A_184 : i1
        %add3A_186 = arith.constant 1 : i32
        %add3A_187 = arith.addi %scan3A_141, %add3A_186 : i32
        %select_n3A_188 = arith.select %and3A_185, %add3A_187, %scan3A_141 : i32
        %ne3A_189 = arith.cmpi ne, %add3A_150, %add3A_168 : i32
        %or3A_190 = arith.constant false
        %or3A_191 = arith.ori %or3A_190, %ne3A_189 : i1
        %ge3A_192 = arith.constant 19 : i32
        %ge3A_193 = arith.cmpi sge, %scan3A_140, %ge3A_192 : i32
        %not3A_194 = arith.constant true
        %not3A_195 = arith.xori %ge3A_193, %not3A_194 : i1
        %and3A_196 = arith.andi %or3A_191, %not3A_195 : i1
        %convert_element_type3A_197 = arith.extui %and3A_196 : i1 to i32
        %cond3A_198 = arith.constant 0 : i32
        %cond3A_199 = arith.cmpi ne, %convert_element_type3A_197, %cond3A_198 : i32
        scf.if %cond3A_199 {
          "tpu.trace_start"() <{level = 10 : i32, message = "ep_copy_in"}> : () -> ()
          %rem3A_295 = arith.constant 2 : i32
          %rem3A_296 = arith.remui %scan3A_143, %rem3A_295 : i32
          %mul3A_297 = arith.constant 128 : i32
          %mul3A_298 = arith.muli %mul3A_297, %add3A_168 : i32
          %dma_start3A_299 = arith.constant 0 : i32
          %dma_start3A_300 = arith.constant 0 : i32
          %dma_start3A_301 = tpu.memref_slice %run_scoped3A_20[%rem3A_296, %dma_start3A_299, %dma_start3A_300] : memref<2x1x128xi32, #tpu.memory_space<vmem>> -> memref<1x1x128xi32, #tpu.memory_space<vmem>>
          %dma_start3A_302 = tpu.memref_squeeze %dma_start3A_301 : memref<1x1x128xi32, #tpu.memory_space<vmem>> -> memref<1x128xi32, #tpu.memory_space<vmem>>
          %dma_start3A_303 = arith.constant 0 : i32
          %dma_start3A_304 = tpu.memref_slice %arg4[%dma_start3A_303, %mul3A_298] : memref<1x81920xi32, #tpu.memory_space<hbm>> -> memref<1x128xi32, #tpu.memory_space<hbm>>
          %dma_start3A_305 = tpu.memref_slice %run_scoped3A_21[%rem3A_296] : memref<2x!tpu.dma_semaphore, #tpu.memory_space<semaphore_mem>> -> memref<1x!tpu.dma_semaphore, #tpu.memory_space<semaphore_mem>>
          %dma_start3A_306 = tpu.memref_squeeze %dma_start3A_305 : memref<1x!tpu.dma_semaphore, #tpu.memory_space<semaphore_mem>> -> memref<!tpu.dma_semaphore, #tpu.memory_space<semaphore_mem>>
          %dma_start3A_307 = arith.constant 0 : i32
          %dma_start3A_308 = arith.constant 0 : i32
          %dma_start3A_309 = tpu.memref_slice %run_scoped3A_20[%rem3A_296, %dma_start3A_307, %dma_start3A_308] : memref<2x1x128xi32, #tpu.memory_space<vmem>> -> memref<1x1x128xi32, #tpu.memory_space<vmem>>
          %dma_start3A_310 = tpu.memref_squeeze %dma_start3A_309 : memref<1x1x128xi32, #tpu.memory_space<vmem>> -> memref<1x128xi32, #tpu.memory_space<vmem>>
          %dma_start3A_311 = arith.constant 0 : i32
          %dma_start3A_312 = tpu.memref_slice %arg4[%dma_start3A_311, %mul3A_298] : memref<1x81920xi32, #tpu.memory_space<hbm>> -> memref<1x128xi32, #tpu.memory_space<hbm>>
          tpu.enqueue_dma source(%dma_start3A_312 : memref<1x128xi32, #tpu.memory_space<hbm>>) target(%dma_start3A_310 : memref<1x128xi32, #tpu.memory_space<vmem>>) target_semaphore(%dma_start3A_306 : memref<!tpu.dma_semaphore, #tpu.memory_space<semaphore_mem>>)
          "tpu.trace_stop"() : () -> ()
        } else {
        }
        %and3A_200 = arith.constant true
        %and3A_201 = arith.andi %and3A_196, %and3A_200 : i1
        %add3A_202 = arith.constant 1 : i32
        %add3A_203 = arith.addi %scan3A_143, %add3A_202 : i32
        %select_n3A_204 = arith.select %and3A_201, %add3A_203, %scan3A_143 : i32
        %ne3A_205 = arith.cmpi ne, %add3A_150, %add3A_159 : i32
        %or3A_206 = arith.constant false
        %or3A_207 = arith.ori %or3A_206, %ne3A_205 : i1
        %or3A_208 = arith.constant false
        %or3A_209 = arith.ori %or3A_207, %or3A_208 : i1
        %or3A_210 = arith.ori %or3A_209, %eq3A_147 : i1
        %convert_element_type3A_211 = arith.extui %or3A_210 : i1 to i32
        %cond3A_212 = arith.constant 0 : i32
        %cond3A_213 = arith.cmpi ne, %convert_element_type3A_211, %cond3A_212 : i32
        scf.if %cond3A_213 {
          "tpu.trace_start"() <{level = 10 : i32, message = "ep_wait_in"}> : () -> ()
          %mul3A_295 = arith.constant 128 : i32
          %mul3A_296 = arith.muli %mul3A_295, %add3A_150 : i32
          %rem3A_297 = arith.constant 2 : i32
          %rem3A_298 = arith.remui %scan3A_142, %rem3A_297 : i32
          %dma_wait3A = arith.constant 0 : i32
          %dma_wait3A_299 = arith.constant 0 : i32
          %dma_wait3A_300 = tpu.memref_slice %run_scoped3A[%rem3A_298, %dma_wait3A, %dma_wait3A_299] : memref<2x128x32xf32, #tpu.memory_space<vmem>> -> memref<1x128x32xf32, #tpu.memory_space<vmem>>
          %dma_wait3A_301 = tpu.memref_squeeze %dma_wait3A_300 : memref<1x128x32xf32, #tpu.memory_space<vmem>> -> memref<128x32xf32, #tpu.memory_space<vmem>>
          %dma_wait3A_302 = arith.constant 0 : i32
          %dma_wait3A_303 = tpu.memref_slice %arg2[%mul3A_296, %dma_wait3A_302] : memref<81920x32xf32, #tpu.memory_space<hbm>> -> memref<128x32xf32, #tpu.memory_space<hbm>>
          %dma_wait3A_304 = tpu.memref_slice %run_scoped3A_19[%rem3A_298] : memref<2x!tpu.dma_semaphore, #tpu.memory_space<semaphore_mem>> -> memref<1x!tpu.dma_semaphore, #tpu.memory_space<semaphore_mem>>
          %dma_wait3A_305 = tpu.memref_squeeze %dma_wait3A_304 : memref<1x!tpu.dma_semaphore, #tpu.memory_space<semaphore_mem>> -> memref<!tpu.dma_semaphore, #tpu.memory_space<semaphore_mem>>
          %dma_wait3A_306 = arith.constant 0 : i32
          %dma_wait3A_307 = arith.constant 0 : i32
          %dma_wait3A_308 = tpu.memref_slice %run_scoped3A[%rem3A_298, %dma_wait3A_306, %dma_wait3A_307] : memref<2x128x32xf32, #tpu.memory_space<vmem>> -> memref<1x128x32xf32, #tpu.memory_space<vmem>>
          %dma_wait3A_309 = tpu.memref_squeeze %dma_wait3A_308 : memref<1x128x32xf32, #tpu.memory_space<vmem>> -> memref<128x32xf32, #tpu.memory_space<vmem>>
          %dma_wait3A_310 = arith.constant 0 : i32
          %dma_wait3A_311 = tpu.memref_slice %arg2[%mul3A_296, %dma_wait3A_310] : memref<81920x32xf32, #tpu.memory_space<hbm>> -> memref<128x32xf32, #tpu.memory_space<hbm>>
          tpu.wait_dma2 semaphore(%dma_wait3A_305 : memref<!tpu.dma_semaphore, #tpu.memory_space<semaphore_mem>>) src(%dma_wait3A_311 : memref<128x32xf32, #tpu.memory_space<hbm>>) dst(%dma_wait3A_309 : memref<128x32xf32, #tpu.memory_space<vmem>>)
          "tpu.trace_stop"() : () -> ()
        } else {
        }
        %ne3A_214 = arith.cmpi ne, %add3A_150, %add3A_159 : i32
        %or3A_215 = arith.constant false
        %or3A_216 = arith.ori %or3A_215, %ne3A_214 : i1
        %or3A_217 = arith.ori %or3A_216, %eq3A_147 : i1
        %convert_element_type3A_218 = arith.extui %or3A_217 : i1 to i32
        %cond3A_219 = arith.constant 0 : i32
        %cond3A_220 = arith.cmpi ne, %convert_element_type3A_218, %cond3A_219 : i32
        scf.if %cond3A_220 {
          "tpu.trace_start"() <{level = 10 : i32, message = "ep_wait_in"}> : () -> ()
          %mul3A_295 = arith.constant 128 : i32
          %mul3A_296 = arith.muli %mul3A_295, %add3A_150 : i32
          %rem3A_297 = arith.constant 2 : i32
          %rem3A_298 = arith.remui %scan3A_144, %rem3A_297 : i32
          %dma_wait3A = arith.constant 0 : i32
          %dma_wait3A_299 = arith.constant 0 : i32
          %dma_wait3A_300 = tpu.memref_slice %run_scoped3A_20[%rem3A_298, %dma_wait3A, %dma_wait3A_299] : memref<2x1x128xi32, #tpu.memory_space<vmem>> -> memref<1x1x128xi32, #tpu.memory_space<vmem>>
          %dma_wait3A_301 = tpu.memref_squeeze %dma_wait3A_300 : memref<1x1x128xi32, #tpu.memory_space<vmem>> -> memref<1x128xi32, #tpu.memory_space<vmem>>
          %dma_wait3A_302 = arith.constant 0 : i32
          %dma_wait3A_303 = tpu.memref_slice %arg4[%dma_wait3A_302, %mul3A_296] : memref<1x81920xi32, #tpu.memory_space<hbm>> -> memref<1x128xi32, #tpu.memory_space<hbm>>
          %dma_wait3A_304 = tpu.memref_slice %run_scoped3A_21[%rem3A_298] : memref<2x!tpu.dma_semaphore, #tpu.memory_space<semaphore_mem>> -> memref<1x!tpu.dma_semaphore, #tpu.memory_space<semaphore_mem>>
          %dma_wait3A_305 = tpu.memref_squeeze %dma_wait3A_304 : memref<1x!tpu.dma_semaphore, #tpu.memory_space<semaphore_mem>> -> memref<!tpu.dma_semaphore, #tpu.memory_space<semaphore_mem>>
          %dma_wait3A_306 = arith.constant 0 : i32
          %dma_wait3A_307 = arith.constant 0 : i32
          %dma_wait3A_308 = tpu.memref_slice %run_scoped3A_20[%rem3A_298, %dma_wait3A_306, %dma_wait3A_307] : memref<2x1x128xi32, #tpu.memory_space<vmem>> -> memref<1x1x128xi32, #tpu.memory_space<vmem>>
          %dma_wait3A_309 = tpu.memref_squeeze %dma_wait3A_308 : memref<1x1x128xi32, #tpu.memory_space<vmem>> -> memref<1x128xi32, #tpu.memory_space<vmem>>
          %dma_wait3A_310 = arith.constant 0 : i32
          %dma_wait3A_311 = tpu.memref_slice %arg4[%dma_wait3A_310, %mul3A_296] : memref<1x81920xi32, #tpu.memory_space<hbm>> -> memref<1x128xi32, #tpu.memory_space<hbm>>
          tpu.wait_dma2 semaphore(%dma_wait3A_305 : memref<!tpu.dma_semaphore, #tpu.memory_space<semaphore_mem>>) src(%dma_wait3A_311 : memref<1x128xi32, #tpu.memory_space<hbm>>) dst(%dma_wait3A_309 : memref<1x128xi32, #tpu.memory_space<vmem>>)
          "tpu.trace_stop"() : () -> ()
        } else {
        }
        %rem3A_221 = arith.constant 2 : i32
        %rem3A_222 = arith.remui %scan3A_142, %rem3A_221 : i32
        %rem3A_223 = arith.constant 2 : i32
        %rem3A_224 = arith.remui %scan3A_144, %rem3A_223 : i32
        %run_scoped3A_225 = arith.constant 0 : i32
        "tpu.trace_start"() <{level = 10 : i32, message = "ep_run_kernel"}> : () -> ()
        "tpu.region"() ({
          %run_scoped3A_295 = tpu.sem_alloc : memref<!tpu.dma_semaphore, #tpu.memory_space<semaphore_mem>>
          %dma_start3A_296 = arith.constant 0 : i32
          %dma_start3A_297 = arith.constant 0 : i32
          %dma_start3A_298 = tpu.memref_slice %run_scoped3A[%rem3A_222, %dma_start3A_296, %dma_start3A_297] : memref<2x128x32xf32, #tpu.memory_space<vmem>> -> memref<1x128x32xf32, #tpu.memory_space<vmem>>
          %dma_start3A_299 = tpu.memref_squeeze %dma_start3A_298 : memref<1x128x32xf32, #tpu.memory_space<vmem>> -> memref<128x32xf32, #tpu.memory_space<vmem>>
          %dma_start3A_300 = arith.constant 0 : i32
          %dma_start3A_301 = arith.constant 0 : i32
          %dma_start3A_302 = tpu.memref_slice %run_scoped3A_20[%rem3A_224, %dma_start3A_300, %dma_start3A_301] : memref<2x1x128xi32, #tpu.memory_space<vmem>> -> memref<1x1x128xi32, #tpu.memory_space<vmem>>
          %dma_start3A_303 = tpu.memref_squeeze %dma_start3A_302 : memref<1x1x128xi32, #tpu.memory_space<vmem>> -> memref<1x128xi32, #tpu.memory_space<vmem>>
          %dma_start3A_304 = arith.constant 0 : i32
          %dma_start3A_305 = tpu.memref_slice %dma_start3A_303[%run_scoped3A_225, %dma_start3A_304] : memref<1x128xi32, #tpu.memory_space<vmem>> -> memref<1x128xi32, #tpu.memory_space<vmem>>
          %dma_start3A_306 = tpu.memref_squeeze %dma_start3A_305 : memref<1x128xi32, #tpu.memory_space<vmem>> -> memref<128xi32, #tpu.memory_space<vmem>>
          %dma_start3A_307 = arith.constant 0 : i32
          %dma_start3A_308 = arith.constant 0 : i32
          %dma_start3A_309 = tpu.memref_slice %arg11[%dma_start3A_307, %dma_start3A_308] : memref<10048x32xf32, #tpu.memory_space<vmem_shared>> -> memref<10048x32xf32, #tpu.memory_space<vmem_shared>>
          tpu.enqueue_indirect_dma source(%dma_start3A_299 : memref<128x32xf32, #tpu.memory_space<vmem>>) target(%dma_start3A_309 : memref<10048x32xf32, #tpu.memory_space<vmem_shared>>) offsets(%dma_start3A_306 : memref<128xi32, #tpu.memory_space<vmem>>) semaphore(%run_scoped3A_295 : memref<!tpu.dma_semaphore, #tpu.memory_space<semaphore_mem>>) {add = true}
          %dma_wait3A = arith.constant 0 : i32
          %dma_wait3A_310 = arith.constant 0 : i32
          %dma_wait3A_311 = tpu.memref_slice %run_scoped3A[%rem3A_222, %dma_wait3A, %dma_wait3A_310] : memref<2x128x32xf32, #tpu.memory_space<vmem>> -> memref<1x128x32xf32, #tpu.memory_space<vmem>>
          %dma_wait3A_312 = tpu.memref_squeeze %dma_wait3A_311 : memref<1x128x32xf32, #tpu.memory_space<vmem>> -> memref<128x32xf32, #tpu.memory_space<vmem>>
          %dma_wait3A_313 = arith.constant 0 : i32
          %dma_wait3A_314 = arith.constant 0 : i32
          %dma_wait3A_315 = tpu.memref_slice %run_scoped3A_20[%rem3A_224, %dma_wait3A_313, %dma_wait3A_314] : memref<2x1x128xi32, #tpu.memory_space<vmem>> -> memref<1x1x128xi32, #tpu.memory_space<vmem>>
          %dma_wait3A_316 = tpu.memref_squeeze %dma_wait3A_315 : memref<1x1x128xi32, #tpu.memory_space<vmem>> -> memref<1x128xi32, #tpu.memory_space<vmem>>
          %dma_wait3A_317 = arith.constant 0 : i32
          %dma_wait3A_318 = tpu.memref_slice %dma_wait3A_316[%run_scoped3A_225, %dma_wait3A_317] : memref<1x128xi32, #tpu.memory_space<vmem>> -> memref<1x128xi32, #tpu.memory_space<vmem>>
          %dma_wait3A_319 = tpu.memref_squeeze %dma_wait3A_318 : memref<1x128xi32, #tpu.memory_space<vmem>> -> memref<128xi32, #tpu.memory_space<vmem>>
          %dma_wait3A_320 = arith.constant 0 : i32
          %dma_wait3A_321 = arith.constant 0 : i32
          %dma_wait3A_322 = tpu.memref_slice %arg11[%dma_wait3A_320, %dma_wait3A_321] : memref<10048x32xf32, #tpu.memory_space<vmem_shared>> -> memref<10048x32xf32, #tpu.memory_space<vmem_shared>>
          tpu.wait_indirect_dma semaphore(%run_scoped3A_295 : memref<!tpu.dma_semaphore, #tpu.memory_space<semaphore_mem>>) src(%dma_wait3A_312 : memref<128x32xf32, #tpu.memory_space<vmem>>) dst(%dma_wait3A_322 : memref<10048x32xf32, #tpu.memory_space<vmem_shared>>)
          tpu.yield
        }) : () -> ()
        %run_scoped3A_226 = arith.constant 0 : i32
        "tpu.region"() ({
          %run_scoped3A_295 = tpu.sem_alloc : memref<!tpu.dma_semaphore, #tpu.memory_space<semaphore_mem>>
          %dma_start3A_296 = arith.constant 0 : i32
          %dma_start3A_297 = arith.constant 0 : i32
          %dma_start3A_298 = tpu.memref_slice %run_scoped3A_20[%rem3A_224, %dma_start3A_296, %dma_start3A_297] : memref<2x1x128xi32, #tpu.memory_space<vmem>> -> memref<1x1x128xi32, #tpu.memory_space<vmem>>
          %dma_start3A_299 = tpu.memref_squeeze %dma_start3A_298 : memref<1x1x128xi32, #tpu.memory_space<vmem>> -> memref<1x128xi32, #tpu.memory_space<vmem>>
          %dma_start3A_300 = arith.constant 0 : i32
          %dma_start3A_301 = tpu.memref_slice %dma_start3A_299[%run_scoped3A_226, %dma_start3A_300] : memref<1x128xi32, #tpu.memory_space<vmem>> -> memref<1x128xi32, #tpu.memory_space<vmem>>
          %dma_start3A_302 = tpu.memref_squeeze %dma_start3A_301 : memref<1x128xi32, #tpu.memory_space<vmem>> -> memref<128xi32, #tpu.memory_space<vmem>>
          %dma_start3A_303 = arith.constant 0 : i32
          %dma_start3A_304 = arith.constant 0 : i32
          %dma_start3A_305 = tpu.memref_slice %arg12[%dma_start3A_303, %dma_start3A_304] : memref<10048x16xf32, #tpu.memory_space<vmem_shared>> -> memref<10048x16xf32, #tpu.memory_space<vmem_shared>>
          tpu.enqueue_indirect_dma source(%arg13 : memref<128x16xf32, #tpu.memory_space<vmem>>) target(%dma_start3A_305 : memref<10048x16xf32, #tpu.memory_space<vmem_shared>>) offsets(%dma_start3A_302 : memref<128xi32, #tpu.memory_space<vmem>>) semaphore(%run_scoped3A_295 : memref<!tpu.dma_semaphore, #tpu.memory_space<semaphore_mem>>) {add = true}
          %dma_wait3A = arith.constant 0 : i32
          %dma_wait3A_306 = arith.constant 0 : i32
          %dma_wait3A_307 = tpu.memref_slice %run_scoped3A_20[%rem3A_224, %dma_wait3A, %dma_wait3A_306] : memref<2x1x128xi32, #tpu.memory_space<vmem>> -> memref<1x1x128xi32, #tpu.memory_space<vmem>>
          %dma_wait3A_308 = tpu.memref_squeeze %dma_wait3A_307 : memref<1x1x128xi32, #tpu.memory_space<vmem>> -> memref<1x128xi32, #tpu.memory_space<vmem>>
          %dma_wait3A_309 = arith.constant 0 : i32
          %dma_wait3A_310 = tpu.memref_slice %dma_wait3A_308[%run_scoped3A_226, %dma_wait3A_309] : memref<1x128xi32, #tpu.memory_space<vmem>> -> memref<1x128xi32, #tpu.memory_space<vmem>>
          %dma_wait3A_311 = tpu.memref_squeeze %dma_wait3A_310 : memref<1x128xi32, #tpu.memory_space<vmem>> -> memref<128xi32, #tpu.memory_space<vmem>>
          %dma_wait3A_312 = arith.constant 0 : i32
          %dma_wait3A_313 = arith.constant 0 : i32
          %dma_wait3A_314 = tpu.memref_slice %arg12[%dma_wait3A_312, %dma_wait3A_313] : memref<10048x16xf32, #tpu.memory_space<vmem_shared>> -> memref<10048x16xf32, #tpu.memory_space<vmem_shared>>
          tpu.wait_indirect_dma semaphore(%run_scoped3A_295 : memref<!tpu.dma_semaphore, #tpu.memory_space<semaphore_mem>>) src(%arg13 : memref<128x16xf32, #tpu.memory_space<vmem>>) dst(%dma_wait3A_314 : memref<10048x16xf32, #tpu.memory_space<vmem_shared>>)
          tpu.yield
        }) : () -> ()
        "tpu.trace_stop"() : () -> ()
        %ne3A_227 = arith.cmpi ne, %add3A_150, %add3A_168 : i32
        %or3A_228 = arith.constant false
        %or3A_229 = arith.ori %or3A_228, %ne3A_227 : i1
        %or3A_230 = arith.constant false
        %or3A_231 = arith.ori %or3A_229, %or3A_230 : i1
        %or3A_232 = arith.ori %or3A_231, %eq3A_149 : i1
        %convert_element_type3A_233 = arith.extui %or3A_232 : i1 to i32
        %cond3A_234 = arith.constant 0 : i32
        %cond3A_235 = arith.cmpi ne, %convert_element_type3A_233, %cond3A_234 : i32
        scf.if %cond3A_235 {
        } else {
        }
        %and3A_236 = arith.constant false
        %and3A_237 = arith.andi %or3A_232, %and3A_236 : i1
        %ne3A_238 = arith.cmpi ne, %add3A_150, %add3A_168 : i32
        %or3A_239 = arith.constant false
        %or3A_240 = arith.ori %or3A_239, %ne3A_238 : i1
        %or3A_241 = arith.ori %or3A_240, %eq3A_149 : i1
        %convert_element_type3A_242 = arith.extui %or3A_241 : i1 to i32
        %cond3A_243 = arith.constant 0 : i32
        %cond3A_244 = arith.cmpi ne, %convert_element_type3A_242, %cond3A_243 : i32
        scf.if %cond3A_244 {
        } else {
        }
        %and3A_245 = arith.constant false
        %and3A_246 = arith.andi %or3A_241, %and3A_245 : i1
        %ne3A_247 = arith.cmpi ne, %add3A_150, %add3A_159 : i32
        %or3A_248 = arith.constant false
        %or3A_249 = arith.ori %or3A_248, %ne3A_247 : i1
        %or3A_250 = arith.constant false
        %or3A_251 = arith.ori %or3A_249, %or3A_250 : i1
        %not3A_252 = arith.constant true
        %not3A_253 = arith.xori %eq3A_147, %not3A_252 : i1
        %and3A_254 = arith.andi %or3A_251, %not3A_253 : i1
        %convert_element_type3A_255 = arith.extui %and3A_254 : i1 to i32
        %cond3A_256 = arith.constant 0 : i32
        %cond3A_257 = arith.cmpi ne, %convert_element_type3A_255, %cond3A_256 : i32
        scf.if %cond3A_257 {
        } else {
        }
        %and3A_258 = arith.constant false
        %and3A_259 = arith.andi %and3A_254, %and3A_258 : i1
        %ne3A_260 = arith.cmpi ne, %add3A_150, %add3A_159 : i32
        %or3A_261 = arith.constant false
        %or3A_262 = arith.ori %or3A_261, %ne3A_260 : i1
        %not3A_263 = arith.constant true
        %not3A_264 = arith.xori %eq3A_147, %not3A_263 : i1
        %and3A_265 = arith.andi %or3A_262, %not3A_264 : i1
        %convert_element_type3A_266 = arith.extui %and3A_265 : i1 to i32
        %cond3A_267 = arith.constant 0 : i32
        %cond3A_268 = arith.cmpi ne, %convert_element_type3A_266, %cond3A_267 : i32
        scf.if %cond3A_268 {
        } else {
        }
        %and3A_269 = arith.constant false
        %and3A_270 = arith.andi %and3A_265, %and3A_269 : i1
        %ne3A_271 = arith.cmpi ne, %add3A_150, %add3A_168 : i32
        %or3A_272 = arith.constant false
        %or3A_273 = arith.ori %or3A_272, %ne3A_271 : i1
        %or3A_274 = arith.constant false
        %or3A_275 = arith.ori %or3A_273, %or3A_274 : i1
        %or3A_276 = arith.ori %or3A_275, %eq3A_149 : i1
        %add3A_277 = arith.constant 1 : i32
        %add3A_278 = arith.addi %scan3A_142, %add3A_277 : i32
        %select_n3A_279 = arith.select %or3A_276, %add3A_278, %scan3A_142 : i32
        %ne3A_280 = arith.cmpi ne, %add3A_150, %add3A_168 : i32
        %or3A_281 = arith.constant false
        %or3A_282 = arith.ori %or3A_281, %ne3A_280 : i1
        %or3A_283 = arith.ori %or3A_282, %eq3A_149 : i1
        %add3A_284 = arith.constant 1 : i32
        %add3A_285 = arith.addi %scan3A_144, %add3A_284 : i32
        %select_n3A_286 = arith.select %or3A_283, %add3A_285, %scan3A_144 : i32
        %add3A_287 = arith.constant 1 : i32
        %add3A_288 = arith.addi %scan3A_145, %add3A_287 : i32
        %select_n3A_289 = arith.constant true
        %select_n3A_290 = arith.select %select_n3A_289, %add3A_288, %scan3A_145 : i32
        %eq3A_291 = arith.constant 20 : i32
        %eq3A_292 = arith.cmpi eq, %select_n3A_290, %eq3A_291 : i32
        %select_n3A_293 = arith.constant 0 : i32
        %select_n3A_294 = arith.select %eq3A_292, %select_n3A_293, %select_n3A_290 : i32
        scf.yield %select_n3A_188, %select_n3A_279, %select_n3A_204, %select_n3A_286, %select_n3A_294 : i32, i32, i32, i32, i32
      }
      %scan3A_104 = arith.constant 20 : i32
      %sub3A = arith.constant 1 : i32
      %sub3A_105 = arith.subi %scan3A_103#4, %sub3A : i32
      %select_n3A_106 = arith.constant true
      %select_n3A_107 = arith.select %select_n3A_106, %sub3A_105, %scan3A_103#4 : i32
      %eq3A_108 = arith.constant -1 : i32
      %eq3A_109 = arith.cmpi eq, %select_n3A_107, %eq3A_108 : i32
      %select_n3A_110 = arith.constant 19 : i32
      %select_n3A_111 = arith.select %eq3A_109, %select_n3A_110, %select_n3A_107 : i32
      %add3A_112 = arith.addi %select_n3A_111, %mul3A_8 : i32
      %sub3A_113 = arith.constant 1 : i32
      %sub3A_114 = arith.subi %select_n3A_111, %sub3A_113 : i32
      %select_n3A_115 = arith.constant true
      %select_n3A_116 = arith.select %select_n3A_115, %sub3A_114, %select_n3A_111 : i32
      %eq3A_117 = arith.constant -1 : i32
      %eq3A_118 = arith.cmpi eq, %select_n3A_116, %eq3A_117 : i32
      %select_n3A_119 = arith.constant 19 : i32
      %select_n3A_120 = arith.select %eq3A_118, %select_n3A_119, %select_n3A_116 : i32
      %add3A_121 = arith.addi %select_n3A_120, %mul3A_8 : i32
      %add3A_122 = arith.constant 1 : i32
      %add3A_123 = arith.addi %select_n3A_111, %add3A_122 : i32
      %select_n3A_124 = arith.constant true
      %select_n3A_125 = arith.select %select_n3A_124, %add3A_123, %select_n3A_111 : i32
      %eq3A_126 = arith.constant 20 : i32
      %eq3A_127 = arith.cmpi eq, %select_n3A_125, %eq3A_126 : i32
      %select_n3A_128 = arith.constant 0 : i32
      %select_n3A_129 = arith.select %eq3A_127, %select_n3A_128, %select_n3A_125 : i32
      %add3A_130 = arith.addi %select_n3A_129, %mul3A_8 : i32
      %add3A_131 = arith.constant 1 : i32
      %add3A_132 = arith.addi %select_n3A_129, %add3A_131 : i32
      %select_n3A_133 = arith.constant true
      %select_n3A_134 = arith.select %select_n3A_133, %add3A_132, %select_n3A_129 : i32
      %eq3A_135 = arith.constant 20 : i32
      %eq3A_136 = arith.cmpi eq, %select_n3A_134, %eq3A_135 : i32
      %select_n3A_137 = arith.constant 0 : i32
      %select_n3A_138 = arith.select %eq3A_136, %select_n3A_137, %select_n3A_134 : i32
      %add3A_139 = arith.addi %select_n3A_138, %mul3A_8 : i32
      tpu.yield
    }) : () -> ()
    %mul3A_9 = arith.constant 1 : i32
    %mul3A_10 = arith.muli %arg1, %mul3A_9 : i32
    %add3A_11 = arith.constant 0 : i32
    %add3A_12 = arith.addi %add3A_11, %mul3A_10 : i32
    %mul3A_13 = arith.constant 16 : i32
    %mul3A_14 = arith.muli %arg0, %mul3A_13 : i32
    %add3A_15 = arith.addi %add3A_12, %mul3A_14 : i32
    %mul3A_16 = arith.constant 20 : i32
    %mul3A_17 = arith.muli %add3A_15, %mul3A_16 : i32
    "tpu.region"() ({
      %run_scoped3A = memref.alloca() : memref<2x128x32xf32, #tpu.memory_space<vmem>>
      %run_scoped3A_19 = tpu.sem_alloc : memref<2x!tpu.dma_semaphore, #tpu.memory_space<semaphore_mem>>
      %run_scoped3A_20 = memref.alloca() : memref<2x1x128xi32, #tpu.memory_space<vmem>>
      %run_scoped3A_21 = tpu.sem_alloc : memref<2x!tpu.dma_semaphore, #tpu.memory_space<semaphore_mem>>
      %add3A_22 = arith.constant 0 : i32
      %add3A_23 = arith.addi %add3A_22, %mul3A_17 : i32
      %select_n3A = arith.constant true
      %select_n3A_24 = arith.constant 0 : i32
      %select_n3A_25 = arith.constant -1 : i32
      %select_n3A_26 = arith.select %select_n3A, %select_n3A_25, %select_n3A_24 : i32
      %eq3A = arith.constant -1 : i32
      %eq3A_27 = arith.cmpi eq, %select_n3A_26, %eq3A : i32
      %select_n3A_28 = arith.constant 19 : i32
      %select_n3A_29 = arith.select %eq3A_27, %select_n3A_28, %select_n3A_26 : i32
      %add3A_30 = arith.addi %select_n3A_29, %mul3A_17 : i32
      %select_n3A_31 = arith.constant true
      %select_n3A_32 = arith.constant 0 : i32
      %select_n3A_33 = arith.constant 1 : i32
      %select_n3A_34 = arith.select %select_n3A_31, %select_n3A_33, %select_n3A_32 : i32
      %eq3A_35 = arith.constant 20 : i32
      %eq3A_36 = arith.cmpi eq, %select_n3A_34, %eq3A_35 : i32
      %select_n3A_37 = arith.constant 0 : i32
      %select_n3A_38 = arith.select %eq3A_36, %select_n3A_37, %select_n3A_34 : i32
      %add3A_39 = arith.addi %select_n3A_38, %mul3A_17 : i32
      %add3A_40 = arith.constant 1 : i32
      %add3A_41 = arith.addi %select_n3A_38, %add3A_40 : i32
      %select_n3A_42 = arith.constant true
      %select_n3A_43 = arith.select %select_n3A_42, %add3A_41, %select_n3A_38 : i32
      %eq3A_44 = arith.constant 20 : i32
      %eq3A_45 = arith.cmpi eq, %select_n3A_43, %eq3A_44 : i32
      %select_n3A_46 = arith.constant 0 : i32
      %select_n3A_47 = arith.select %eq3A_45, %select_n3A_46, %select_n3A_43 : i32
      %add3A_48 = arith.addi %select_n3A_47, %mul3A_17 : i32
      "tpu.trace_start"() <{level = 10 : i32, message = "ep_initialize_0"}> : () -> ()
      %rem3A = arith.constant 0 : i32
      %rem3A_49 = arith.constant 2 : i32
      %rem3A_50 = arith.remui %rem3A, %rem3A_49 : i32
      %mul3A_51 = arith.constant 128 : i32
      %mul3A_52 = arith.muli %mul3A_51, %add3A_23 : i32
      %dma_start3A = arith.constant 0 : i32
      %dma_start3A_53 = arith.constant 0 : i32
      %dma_start3A_54 = tpu.memref_slice %run_scoped3A[%rem3A_50, %dma_start3A, %dma_start3A_53] : memref<2x128x32xf32, #tpu.memory_space<vmem>> -> memref<1x128x32xf32, #tpu.memory_space<vmem>>
      %dma_start3A_55 = tpu.memref_squeeze %dma_start3A_54 : memref<1x128x32xf32, #tpu.memory_space<vmem>> -> memref<128x32xf32, #tpu.memory_space<vmem>>
      %dma_start3A_56 = arith.constant 0 : i32
      %dma_start3A_57 = tpu.memref_slice %arg3[%mul3A_52, %dma_start3A_56] : memref<81920x32xf32, #tpu.memory_space<hbm>> -> memref<128x32xf32, #tpu.memory_space<hbm>>
      %dma_start3A_58 = tpu.memref_slice %run_scoped3A_19[%rem3A_50] : memref<2x!tpu.dma_semaphore, #tpu.memory_space<semaphore_mem>> -> memref<1x!tpu.dma_semaphore, #tpu.memory_space<semaphore_mem>>
      %dma_start3A_59 = tpu.memref_squeeze %dma_start3A_58 : memref<1x!tpu.dma_semaphore, #tpu.memory_space<semaphore_mem>> -> memref<!tpu.dma_semaphore, #tpu.memory_space<semaphore_mem>>
      %dma_start3A_60 = arith.constant 0 : i32
      %dma_start3A_61 = arith.constant 0 : i32
      %dma_start3A_62 = tpu.memref_slice %run_scoped3A[%rem3A_50, %dma_start3A_60, %dma_start3A_61] : memref<2x128x32xf32, #tpu.memory_space<vmem>> -> memref<1x128x32xf32, #tpu.memory_space<vmem>>
      %dma_start3A_63 = tpu.memref_squeeze %dma_start3A_62 : memref<1x128x32xf32, #tpu.memory_space<vmem>> -> memref<128x32xf32, #tpu.memory_space<vmem>>
      %dma_start3A_64 = arith.constant 0 : i32
      %dma_start3A_65 = tpu.memref_slice %arg3[%mul3A_52, %dma_start3A_64] : memref<81920x32xf32, #tpu.memory_space<hbm>> -> memref<128x32xf32, #tpu.memory_space<hbm>>
      tpu.enqueue_dma source(%dma_start3A_65 : memref<128x32xf32, #tpu.memory_space<hbm>>) target(%dma_start3A_63 : memref<128x32xf32, #tpu.memory_space<vmem>>) target_semaphore(%dma_start3A_59 : memref<!tpu.dma_semaphore, #tpu.memory_space<semaphore_mem>>)
      %add3A_66 = arith.constant 0 : i32
      %add3A_67 = arith.constant 1 : i32
      %add3A_68 = arith.addi %add3A_66, %add3A_67 : i32
      %select_n3A_69 = arith.constant true
      %select_n3A_70 = arith.constant 0 : i32
      %select_n3A_71 = arith.select %select_n3A_69, %add3A_68, %select_n3A_70 : i32
      %rem3A_72 = arith.constant 0 : i32
      %rem3A_73 = arith.constant 2 : i32
      %rem3A_74 = arith.remui %rem3A_72, %rem3A_73 : i32
      %mul3A_75 = arith.constant 128 : i32
      %mul3A_76 = arith.muli %mul3A_75, %add3A_23 : i32
      %dma_start3A_77 = arith.constant 0 : i32
      %dma_start3A_78 = arith.constant 0 : i32
      %dma_start3A_79 = tpu.memref_slice %run_scoped3A_20[%rem3A_74, %dma_start3A_77, %dma_start3A_78] : memref<2x1x128xi32, #tpu.memory_space<vmem>> -> memref<1x1x128xi32, #tpu.memory_space<vmem>>
      %dma_start3A_80 = tpu.memref_squeeze %dma_start3A_79 : memref<1x1x128xi32, #tpu.memory_space<vmem>> -> memref<1x128xi32, #tpu.memory_space<vmem>>
      %dma_start3A_81 = arith.constant 0 : i32
      %dma_start3A_82 = tpu.memref_slice %arg5[%dma_start3A_81, %mul3A_76] : memref<1x81920xi32, #tpu.memory_space<hbm>> -> memref<1x128xi32, #tpu.memory_space<hbm>>
      %dma_start3A_83 = tpu.memref_slice %run_scoped3A_21[%rem3A_74] : memref<2x!tpu.dma_semaphore, #tpu.memory_space<semaphore_mem>> -> memref<1x!tpu.dma_semaphore, #tpu.memory_space<semaphore_mem>>
      %dma_start3A_84 = tpu.memref_squeeze %dma_start3A_83 : memref<1x!tpu.dma_semaphore, #tpu.memory_space<semaphore_mem>> -> memref<!tpu.dma_semaphore, #tpu.memory_space<semaphore_mem>>
      %dma_start3A_85 = arith.constant 0 : i32
      %dma_start3A_86 = arith.constant 0 : i32
      %dma_start3A_87 = tpu.memref_slice %run_scoped3A_20[%rem3A_74, %dma_start3A_85, %dma_start3A_86] : memref<2x1x128xi32, #tpu.memory_space<vmem>> -> memref<1x1x128xi32, #tpu.memory_space<vmem>>
      %dma_start3A_88 = tpu.memref_squeeze %dma_start3A_87 : memref<1x1x128xi32, #tpu.memory_space<vmem>> -> memref<1x128xi32, #tpu.memory_space<vmem>>
      %dma_start3A_89 = arith.constant 0 : i32
      %dma_start3A_90 = tpu.memref_slice %arg5[%dma_start3A_89, %mul3A_76] : memref<1x81920xi32, #tpu.memory_space<hbm>> -> memref<1x128xi32, #tpu.memory_space<hbm>>
      tpu.enqueue_dma source(%dma_start3A_90 : memref<1x128xi32, #tpu.memory_space<hbm>>) target(%dma_start3A_88 : memref<1x128xi32, #tpu.memory_space<vmem>>) target_semaphore(%dma_start3A_84 : memref<!tpu.dma_semaphore, #tpu.memory_space<semaphore_mem>>)
      %add3A_91 = arith.constant 0 : i32
      %add3A_92 = arith.constant 1 : i32
      %add3A_93 = arith.addi %add3A_91, %add3A_92 : i32
      %select_n3A_94 = arith.constant true
      %select_n3A_95 = arith.constant 0 : i32
      %select_n3A_96 = arith.select %select_n3A_94, %add3A_93, %select_n3A_95 : i32
      "tpu.trace_stop"() : () -> ()
      %scan3A = arith.constant 0 : i32
      %scan3A_97 = arith.constant 0 : i32
      %scan3A_98 = arith.constant 0 : i32
      %scan3A_99 = arith.constant 0 : i32
      %scan3A_100 = arith.constant 20 : i32
      %scan3A_101 = arith.addi %scan3A_99, %scan3A_100 : i32
      %scan3A_102 = arith.constant 1 : i32
      %scan3A_103:5 = scf.for %scan3A_140 = %scan3A_99 to %scan3A_101 step %scan3A_102 iter_args(%scan3A_141 = %select_n3A_71, %scan3A_142 = %scan3A, %scan3A_143 = %select_n3A_96, %scan3A_144 = %scan3A_97, %scan3A_145 = %scan3A_98) -> (i32, i32, i32, i32, i32)  : i32 {
        %eq3A_146 = arith.constant 0 : i32
        %eq3A_147 = arith.cmpi eq, %scan3A_140, %eq3A_146 : i32
        %eq3A_148 = arith.constant 19 : i32
        %eq3A_149 = arith.cmpi eq, %scan3A_140, %eq3A_148 : i32
        %add3A_150 = arith.addi %scan3A_145, %mul3A_17 : i32
        %sub3A_151 = arith.constant 1 : i32
        %sub3A_152 = arith.subi %scan3A_145, %sub3A_151 : i32
        %select_n3A_153 = arith.constant true
        %select_n3A_154 = arith.select %select_n3A_153, %sub3A_152, %scan3A_145 : i32
        %eq3A_155 = arith.constant -1 : i32
        %eq3A_156 = arith.cmpi eq, %select_n3A_154, %eq3A_155 : i32
        %select_n3A_157 = arith.constant 19 : i32
        %select_n3A_158 = arith.select %eq3A_156, %select_n3A_157, %select_n3A_154 : i32
        %add3A_159 = arith.addi %select_n3A_158, %mul3A_17 : i32
        %add3A_160 = arith.constant 1 : i32
        %add3A_161 = arith.addi %scan3A_145, %add3A_160 : i32
        %select_n3A_162 = arith.constant true
        %select_n3A_163 = arith.select %select_n3A_162, %add3A_161, %scan3A_145 : i32
        %eq3A_164 = arith.constant 20 : i32
        %eq3A_165 = arith.cmpi eq, %select_n3A_163, %eq3A_164 : i32
        %select_n3A_166 = arith.constant 0 : i32
        %select_n3A_167 = arith.select %eq3A_165, %select_n3A_166, %select_n3A_163 : i32
        %add3A_168 = arith.addi %select_n3A_167, %mul3A_17 : i32
        %add3A_169 = arith.constant 1 : i32
        %add3A_170 = arith.addi %select_n3A_167, %add3A_169 : i32
        %select_n3A_171 = arith.constant true
        %select_n3A_172 = arith.select %select_n3A_171, %add3A_170, %select_n3A_167 : i32
        %eq3A_173 = arith.constant 20 : i32
        %eq3A_174 = arith.cmpi eq, %select_n3A_172, %eq3A_173 : i32
        %select_n3A_175 = arith.constant 0 : i32
        %select_n3A_176 = arith.select %eq3A_174, %select_n3A_175, %select_n3A_172 : i32
        %add3A_177 = arith.addi %select_n3A_176, %mul3A_17 : i32
        %ne3A = arith.cmpi ne, %add3A_150, %add3A_168 : i32
        %or3A = arith.constant false
        %or3A_178 = arith.ori %or3A, %ne3A : i1
        %or3A_179 = arith.constant false
        %or3A_180 = arith.ori %or3A_178, %or3A_179 : i1
        %ge3A = arith.constant 19 : i32
        %ge3A_181 = arith.cmpi sge, %scan3A_140, %ge3A : i32
        %not3A = arith.constant true
        %not3A_182 = arith.xori %ge3A_181, %not3A : i1
        %and3A = arith.andi %or3A_180, %not3A_182 : i1
        %convert_element_type3A = arith.extui %and3A : i1 to i32
        %cond3A = arith.constant 0 : i32
        %cond3A_183 = arith.cmpi ne, %convert_element_type3A, %cond3A : i32
        scf.if %cond3A_183 {
          "tpu.trace_start"() <{level = 10 : i32, message = "ep_copy_in"}> : () -> ()
          %rem3A_295 = arith.constant 2 : i32
          %rem3A_296 = arith.remui %scan3A_141, %rem3A_295 : i32
          %mul3A_297 = arith.constant 128 : i32
          %mul3A_298 = arith.muli %mul3A_297, %add3A_168 : i32
          %dma_start3A_299 = arith.constant 0 : i32
          %dma_start3A_300 = arith.constant 0 : i32
          %dma_start3A_301 = tpu.memref_slice %run_scoped3A[%rem3A_296, %dma_start3A_299, %dma_start3A_300] : memref<2x128x32xf32, #tpu.memory_space<vmem>> -> memref<1x128x32xf32, #tpu.memory_space<vmem>>
          %dma_start3A_302 = tpu.memref_squeeze %dma_start3A_301 : memref<1x128x32xf32, #tpu.memory_space<vmem>> -> memref<128x32xf32, #tpu.memory_space<vmem>>
          %dma_start3A_303 = arith.constant 0 : i32
          %dma_start3A_304 = tpu.memref_slice %arg3[%mul3A_298, %dma_start3A_303] : memref<81920x32xf32, #tpu.memory_space<hbm>> -> memref<128x32xf32, #tpu.memory_space<hbm>>
          %dma_start3A_305 = tpu.memref_slice %run_scoped3A_19[%rem3A_296] : memref<2x!tpu.dma_semaphore, #tpu.memory_space<semaphore_mem>> -> memref<1x!tpu.dma_semaphore, #tpu.memory_space<semaphore_mem>>
          %dma_start3A_306 = tpu.memref_squeeze %dma_start3A_305 : memref<1x!tpu.dma_semaphore, #tpu.memory_space<semaphore_mem>> -> memref<!tpu.dma_semaphore, #tpu.memory_space<semaphore_mem>>
          %dma_start3A_307 = arith.constant 0 : i32
          %dma_start3A_308 = arith.constant 0 : i32
          %dma_start3A_309 = tpu.memref_slice %run_scoped3A[%rem3A_296, %dma_start3A_307, %dma_start3A_308] : memref<2x128x32xf32, #tpu.memory_space<vmem>> -> memref<1x128x32xf32, #tpu.memory_space<vmem>>
          %dma_start3A_310 = tpu.memref_squeeze %dma_start3A_309 : memref<1x128x32xf32, #tpu.memory_space<vmem>> -> memref<128x32xf32, #tpu.memory_space<vmem>>
          %dma_start3A_311 = arith.constant 0 : i32
          %dma_start3A_312 = tpu.memref_slice %arg3[%mul3A_298, %dma_start3A_311] : memref<81920x32xf32, #tpu.memory_space<hbm>> -> memref<128x32xf32, #tpu.memory_space<hbm>>
          tpu.enqueue_dma source(%dma_start3A_312 : memref<128x32xf32, #tpu.memory_space<hbm>>) target(%dma_start3A_310 : memref<128x32xf32, #tpu.memory_space<vmem>>) target_semaphore(%dma_start3A_306 : memref<!tpu.dma_semaphore, #tpu.memory_space<semaphore_mem>>)
          "tpu.trace_stop"() : () -> ()
        } else {
        }
        %and3A_184 = arith.constant true
        %and3A_185 = arith.andi %and3A, %and3A_184 : i1
        %add3A_186 = arith.constant 1 : i32
        %add3A_187 = arith.addi %scan3A_141, %add3A_186 : i32
        %select_n3A_188 = arith.select %and3A_185, %add3A_187, %scan3A_141 : i32
        %ne3A_189 = arith.cmpi ne, %add3A_150, %add3A_168 : i32
        %or3A_190 = arith.constant false
        %or3A_191 = arith.ori %or3A_190, %ne3A_189 : i1
        %ge3A_192 = arith.constant 19 : i32
        %ge3A_193 = arith.cmpi sge, %scan3A_140, %ge3A_192 : i32
        %not3A_194 = arith.constant true
        %not3A_195 = arith.xori %ge3A_193, %not3A_194 : i1
        %and3A_196 = arith.andi %or3A_191, %not3A_195 : i1
        %convert_element_type3A_197 = arith.extui %and3A_196 : i1 to i32
        %cond3A_198 = arith.constant 0 : i32
        %cond3A_199 = arith.cmpi ne, %convert_element_type3A_197, %cond3A_198 : i32
        scf.if %cond3A_199 {
          "tpu.trace_start"() <{level = 10 : i32, message = "ep_copy_in"}> : () -> ()
          %rem3A_295 = arith.constant 2 : i32
          %rem3A_296 = arith.remui %scan3A_143, %rem3A_295 : i32
          %mul3A_297 = arith.constant 128 : i32
          %mul3A_298 = arith.muli %mul3A_297, %add3A_168 : i32
          %dma_start3A_299 = arith.constant 0 : i32
          %dma_start3A_300 = arith.constant 0 : i32
          %dma_start3A_301 = tpu.memref_slice %run_scoped3A_20[%rem3A_296, %dma_start3A_299, %dma_start3A_300] : memref<2x1x128xi32, #tpu.memory_space<vmem>> -> memref<1x1x128xi32, #tpu.memory_space<vmem>>
          %dma_start3A_302 = tpu.memref_squeeze %dma_start3A_301 : memref<1x1x128xi32, #tpu.memory_space<vmem>> -> memref<1x128xi32, #tpu.memory_space<vmem>>
          %dma_start3A_303 = arith.constant 0 : i32
          %dma_start3A_304 = tpu.memref_slice %arg5[%dma_start3A_303, %mul3A_298] : memref<1x81920xi32, #tpu.memory_space<hbm>> -> memref<1x128xi32, #tpu.memory_space<hbm>>
          %dma_start3A_305 = tpu.memref_slice %run_scoped3A_21[%rem3A_296] : memref<2x!tpu.dma_semaphore, #tpu.memory_space<semaphore_mem>> -> memref<1x!tpu.dma_semaphore, #tpu.memory_space<semaphore_mem>>
          %dma_start3A_306 = tpu.memref_squeeze %dma_start3A_305 : memref<1x!tpu.dma_semaphore, #tpu.memory_space<semaphore_mem>> -> memref<!tpu.dma_semaphore, #tpu.memory_space<semaphore_mem>>
          %dma_start3A_307 = arith.constant 0 : i32
          %dma_start3A_308 = arith.constant 0 : i32
          %dma_start3A_309 = tpu.memref_slice %run_scoped3A_20[%rem3A_296, %dma_start3A_307, %dma_start3A_308] : memref<2x1x128xi32, #tpu.memory_space<vmem>> -> memref<1x1x128xi32, #tpu.memory_space<vmem>>
          %dma_start3A_310 = tpu.memref_squeeze %dma_start3A_309 : memref<1x1x128xi32, #tpu.memory_space<vmem>> -> memref<1x128xi32, #tpu.memory_space<vmem>>
          %dma_start3A_311 = arith.constant 0 : i32
          %dma_start3A_312 = tpu.memref_slice %arg5[%dma_start3A_311, %mul3A_298] : memref<1x81920xi32, #tpu.memory_space<hbm>> -> memref<1x128xi32, #tpu.memory_space<hbm>>
          tpu.enqueue_dma source(%dma_start3A_312 : memref<1x128xi32, #tpu.memory_space<hbm>>) target(%dma_start3A_310 : memref<1x128xi32, #tpu.memory_space<vmem>>) target_semaphore(%dma_start3A_306 : memref<!tpu.dma_semaphore, #tpu.memory_space<semaphore_mem>>)
          "tpu.trace_stop"() : () -> ()
        } else {
        }
        %and3A_200 = arith.constant true
        %and3A_201 = arith.andi %and3A_196, %and3A_200 : i1
        %add3A_202 = arith.constant 1 : i32
        %add3A_203 = arith.addi %scan3A_143, %add3A_202 : i32
        %select_n3A_204 = arith.select %and3A_201, %add3A_203, %scan3A_143 : i32
        %ne3A_205 = arith.cmpi ne, %add3A_150, %add3A_159 : i32
        %or3A_206 = arith.constant false
        %or3A_207 = arith.ori %or3A_206, %ne3A_205 : i1
        %or3A_208 = arith.constant false
        %or3A_209 = arith.ori %or3A_207, %or3A_208 : i1
        %or3A_210 = arith.ori %or3A_209, %eq3A_147 : i1
        %convert_element_type3A_211 = arith.extui %or3A_210 : i1 to i32
        %cond3A_212 = arith.constant 0 : i32
        %cond3A_213 = arith.cmpi ne, %convert_element_type3A_211, %cond3A_212 : i32
        scf.if %cond3A_213 {
          "tpu.trace_start"() <{level = 10 : i32, message = "ep_wait_in"}> : () -> ()
          %mul3A_295 = arith.constant 128 : i32
          %mul3A_296 = arith.muli %mul3A_295, %add3A_150 : i32
          %rem3A_297 = arith.constant 2 : i32
          %rem3A_298 = arith.remui %scan3A_142, %rem3A_297 : i32
          %dma_wait3A = arith.constant 0 : i32
          %dma_wait3A_299 = arith.constant 0 : i32
          %dma_wait3A_300 = tpu.memref_slice %run_scoped3A[%rem3A_298, %dma_wait3A, %dma_wait3A_299] : memref<2x128x32xf32, #tpu.memory_space<vmem>> -> memref<1x128x32xf32, #tpu.memory_space<vmem>>
          %dma_wait3A_301 = tpu.memref_squeeze %dma_wait3A_300 : memref<1x128x32xf32, #tpu.memory_space<vmem>> -> memref<128x32xf32, #tpu.memory_space<vmem>>
          %dma_wait3A_302 = arith.constant 0 : i32
          %dma_wait3A_303 = tpu.memref_slice %arg3[%mul3A_296, %dma_wait3A_302] : memref<81920x32xf32, #tpu.memory_space<hbm>> -> memref<128x32xf32, #tpu.memory_space<hbm>>
          %dma_wait3A_304 = tpu.memref_slice %run_scoped3A_19[%rem3A_298] : memref<2x!tpu.dma_semaphore, #tpu.memory_space<semaphore_mem>> -> memref<1x!tpu.dma_semaphore, #tpu.memory_space<semaphore_mem>>
          %dma_wait3A_305 = tpu.memref_squeeze %dma_wait3A_304 : memref<1x!tpu.dma_semaphore, #tpu.memory_space<semaphore_mem>> -> memref<!tpu.dma_semaphore, #tpu.memory_space<semaphore_mem>>
          %dma_wait3A_306 = arith.constant 0 : i32
          %dma_wait3A_307 = arith.constant 0 : i32
          %dma_wait3A_308 = tpu.memref_slice %run_scoped3A[%rem3A_298, %dma_wait3A_306, %dma_wait3A_307] : memref<2x128x32xf32, #tpu.memory_space<vmem>> -> memref<1x128x32xf32, #tpu.memory_space<vmem>>
          %dma_wait3A_309 = tpu.memref_squeeze %dma_wait3A_308 : memref<1x128x32xf32, #tpu.memory_space<vmem>> -> memref<128x32xf32, #tpu.memory_space<vmem>>
          %dma_wait3A_310 = arith.constant 0 : i32
          %dma_wait3A_311 = tpu.memref_slice %arg3[%mul3A_296, %dma_wait3A_310] : memref<81920x32xf32, #tpu.memory_space<hbm>> -> memref<128x32xf32, #tpu.memory_space<hbm>>
          tpu.wait_dma2 semaphore(%dma_wait3A_305 : memref<!tpu.dma_semaphore, #tpu.memory_space<semaphore_mem>>) src(%dma_wait3A_311 : memref<128x32xf32, #tpu.memory_space<hbm>>) dst(%dma_wait3A_309 : memref<128x32xf32, #tpu.memory_space<vmem>>)
          "tpu.trace_stop"() : () -> ()
        } else {
        }
        %ne3A_214 = arith.cmpi ne, %add3A_150, %add3A_159 : i32
        %or3A_215 = arith.constant false
        %or3A_216 = arith.ori %or3A_215, %ne3A_214 : i1
        %or3A_217 = arith.ori %or3A_216, %eq3A_147 : i1
        %convert_element_type3A_218 = arith.extui %or3A_217 : i1 to i32
        %cond3A_219 = arith.constant 0 : i32
        %cond3A_220 = arith.cmpi ne, %convert_element_type3A_218, %cond3A_219 : i32
        scf.if %cond3A_220 {
          "tpu.trace_start"() <{level = 10 : i32, message = "ep_wait_in"}> : () -> ()
          %mul3A_295 = arith.constant 128 : i32
          %mul3A_296 = arith.muli %mul3A_295, %add3A_150 : i32
          %rem3A_297 = arith.constant 2 : i32
          %rem3A_298 = arith.remui %scan3A_144, %rem3A_297 : i32
          %dma_wait3A = arith.constant 0 : i32
          %dma_wait3A_299 = arith.constant 0 : i32
          %dma_wait3A_300 = tpu.memref_slice %run_scoped3A_20[%rem3A_298, %dma_wait3A, %dma_wait3A_299] : memref<2x1x128xi32, #tpu.memory_space<vmem>> -> memref<1x1x128xi32, #tpu.memory_space<vmem>>
          %dma_wait3A_301 = tpu.memref_squeeze %dma_wait3A_300 : memref<1x1x128xi32, #tpu.memory_space<vmem>> -> memref<1x128xi32, #tpu.memory_space<vmem>>
          %dma_wait3A_302 = arith.constant 0 : i32
          %dma_wait3A_303 = tpu.memref_slice %arg5[%dma_wait3A_302, %mul3A_296] : memref<1x81920xi32, #tpu.memory_space<hbm>> -> memref<1x128xi32, #tpu.memory_space<hbm>>
          %dma_wait3A_304 = tpu.memref_slice %run_scoped3A_21[%rem3A_298] : memref<2x!tpu.dma_semaphore, #tpu.memory_space<semaphore_mem>> -> memref<1x!tpu.dma_semaphore, #tpu.memory_space<semaphore_mem>>
          %dma_wait3A_305 = tpu.memref_squeeze %dma_wait3A_304 : memref<1x!tpu.dma_semaphore, #tpu.memory_space<semaphore_mem>> -> memref<!tpu.dma_semaphore, #tpu.memory_space<semaphore_mem>>
          %dma_wait3A_306 = arith.constant 0 : i32
          %dma_wait3A_307 = arith.constant 0 : i32
          %dma_wait3A_308 = tpu.memref_slice %run_scoped3A_20[%rem3A_298, %dma_wait3A_306, %dma_wait3A_307] : memref<2x1x128xi32, #tpu.memory_space<vmem>> -> memref<1x1x128xi32, #tpu.memory_space<vmem>>
          %dma_wait3A_309 = tpu.memref_squeeze %dma_wait3A_308 : memref<1x1x128xi32, #tpu.memory_space<vmem>> -> memref<1x128xi32, #tpu.memory_space<vmem>>
          %dma_wait3A_310 = arith.constant 0 : i32
          %dma_wait3A_311 = tpu.memref_slice %arg5[%dma_wait3A_310, %mul3A_296] : memref<1x81920xi32, #tpu.memory_space<hbm>> -> memref<1x128xi32, #tpu.memory_space<hbm>>
          tpu.wait_dma2 semaphore(%dma_wait3A_305 : memref<!tpu.dma_semaphore, #tpu.memory_space<semaphore_mem>>) src(%dma_wait3A_311 : memref<1x128xi32, #tpu.memory_space<hbm>>) dst(%dma_wait3A_309 : memref<1x128xi32, #tpu.memory_space<vmem>>)
          "tpu.trace_stop"() : () -> ()
        } else {
        }
        %rem3A_221 = arith.constant 2 : i32
        %rem3A_222 = arith.remui %scan3A_142, %rem3A_221 : i32
        %rem3A_223 = arith.constant 2 : i32
        %rem3A_224 = arith.remui %scan3A_144, %rem3A_223 : i32
        %run_scoped3A_225 = arith.constant 0 : i32
        "tpu.trace_start"() <{level = 10 : i32, message = "ep_run_kernel"}> : () -> ()
        "tpu.region"() ({
          %run_scoped3A_295 = tpu.sem_alloc : memref<!tpu.dma_semaphore, #tpu.memory_space<semaphore_mem>>
          %dma_start3A_296 = arith.constant 0 : i32
          %dma_start3A_297 = arith.constant 0 : i32
          %dma_start3A_298 = tpu.memref_slice %run_scoped3A[%rem3A_222, %dma_start3A_296, %dma_start3A_297] : memref<2x128x32xf32, #tpu.memory_space<vmem>> -> memref<1x128x32xf32, #tpu.memory_space<vmem>>
          %dma_start3A_299 = tpu.memref_squeeze %dma_start3A_298 : memref<1x128x32xf32, #tpu.memory_space<vmem>> -> memref<128x32xf32, #tpu.memory_space<vmem>>
          %dma_start3A_300 = arith.constant 0 : i32
          %dma_start3A_301 = arith.constant 0 : i32
          %dma_start3A_302 = tpu.memref_slice %run_scoped3A_20[%rem3A_224, %dma_start3A_300, %dma_start3A_301] : memref<2x1x128xi32, #tpu.memory_space<vmem>> -> memref<1x1x128xi32, #tpu.memory_space<vmem>>
          %dma_start3A_303 = tpu.memref_squeeze %dma_start3A_302 : memref<1x1x128xi32, #tpu.memory_space<vmem>> -> memref<1x128xi32, #tpu.memory_space<vmem>>
          %dma_start3A_304 = arith.constant 0 : i32
          %dma_start3A_305 = tpu.memref_slice %dma_start3A_303[%run_scoped3A_225, %dma_start3A_304] : memref<1x128xi32, #tpu.memory_space<vmem>> -> memref<1x128xi32, #tpu.memory_space<vmem>>
          %dma_start3A_306 = tpu.memref_squeeze %dma_start3A_305 : memref<1x128xi32, #tpu.memory_space<vmem>> -> memref<128xi32, #tpu.memory_space<vmem>>
          %dma_start3A_307 = arith.constant 0 : i32
          %dma_start3A_308 = arith.constant 0 : i32
          %dma_start3A_309 = tpu.memref_slice %arg11[%dma_start3A_307, %dma_start3A_308] : memref<10048x32xf32, #tpu.memory_space<vmem_shared>> -> memref<10048x32xf32, #tpu.memory_space<vmem_shared>>
          tpu.enqueue_indirect_dma source(%dma_start3A_299 : memref<128x32xf32, #tpu.memory_space<vmem>>) target(%dma_start3A_309 : memref<10048x32xf32, #tpu.memory_space<vmem_shared>>) offsets(%dma_start3A_306 : memref<128xi32, #tpu.memory_space<vmem>>) semaphore(%run_scoped3A_295 : memref<!tpu.dma_semaphore, #tpu.memory_space<semaphore_mem>>) {add = true}
          %dma_wait3A = arith.constant 0 : i32
          %dma_wait3A_310 = arith.constant 0 : i32
          %dma_wait3A_311 = tpu.memref_slice %run_scoped3A[%rem3A_222, %dma_wait3A, %dma_wait3A_310] : memref<2x128x32xf32, #tpu.memory_space<vmem>> -> memref<1x128x32xf32, #tpu.memory_space<vmem>>
          %dma_wait3A_312 = tpu.memref_squeeze %dma_wait3A_311 : memref<1x128x32xf32, #tpu.memory_space<vmem>> -> memref<128x32xf32, #tpu.memory_space<vmem>>
          %dma_wait3A_313 = arith.constant 0 : i32
          %dma_wait3A_314 = arith.constant 0 : i32
          %dma_wait3A_315 = tpu.memref_slice %run_scoped3A_20[%rem3A_224, %dma_wait3A_313, %dma_wait3A_314] : memref<2x1x128xi32, #tpu.memory_space<vmem>> -> memref<1x1x128xi32, #tpu.memory_space<vmem>>
          %dma_wait3A_316 = tpu.memref_squeeze %dma_wait3A_315 : memref<1x1x128xi32, #tpu.memory_space<vmem>> -> memref<1x128xi32, #tpu.memory_space<vmem>>
          %dma_wait3A_317 = arith.constant 0 : i32
          %dma_wait3A_318 = tpu.memref_slice %dma_wait3A_316[%run_scoped3A_225, %dma_wait3A_317] : memref<1x128xi32, #tpu.memory_space<vmem>> -> memref<1x128xi32, #tpu.memory_space<vmem>>
          %dma_wait3A_319 = tpu.memref_squeeze %dma_wait3A_318 : memref<1x128xi32, #tpu.memory_space<vmem>> -> memref<128xi32, #tpu.memory_space<vmem>>
          %dma_wait3A_320 = arith.constant 0 : i32
          %dma_wait3A_321 = arith.constant 0 : i32
          %dma_wait3A_322 = tpu.memref_slice %arg11[%dma_wait3A_320, %dma_wait3A_321] : memref<10048x32xf32, #tpu.memory_space<vmem_shared>> -> memref<10048x32xf32, #tpu.memory_space<vmem_shared>>
          tpu.wait_indirect_dma semaphore(%run_scoped3A_295 : memref<!tpu.dma_semaphore, #tpu.memory_space<semaphore_mem>>) src(%dma_wait3A_312 : memref<128x32xf32, #tpu.memory_space<vmem>>) dst(%dma_wait3A_322 : memref<10048x32xf32, #tpu.memory_space<vmem_shared>>)
          tpu.yield
        }) : () -> ()
        %run_scoped3A_226 = arith.constant 0 : i32
        "tpu.region"() ({
          %run_scoped3A_295 = tpu.sem_alloc : memref<!tpu.dma_semaphore, #tpu.memory_space<semaphore_mem>>
          %dma_start3A_296 = arith.constant 0 : i32
          %dma_start3A_297 = arith.constant 0 : i32
          %dma_start3A_298 = tpu.memref_slice %run_scoped3A_20[%rem3A_224, %dma_start3A_296, %dma_start3A_297] : memref<2x1x128xi32, #tpu.memory_space<vmem>> -> memref<1x1x128xi32, #tpu.memory_space<vmem>>
          %dma_start3A_299 = tpu.memref_squeeze %dma_start3A_298 : memref<1x1x128xi32, #tpu.memory_space<vmem>> -> memref<1x128xi32, #tpu.memory_space<vmem>>
          %dma_start3A_300 = arith.constant 0 : i32
          %dma_start3A_301 = tpu.memref_slice %dma_start3A_299[%run_scoped3A_226, %dma_start3A_300] : memref<1x128xi32, #tpu.memory_space<vmem>> -> memref<1x128xi32, #tpu.memory_space<vmem>>
          %dma_start3A_302 = tpu.memref_squeeze %dma_start3A_301 : memref<1x128xi32, #tpu.memory_space<vmem>> -> memref<128xi32, #tpu.memory_space<vmem>>
          %dma_start3A_303 = arith.constant 0 : i32
          %dma_start3A_304 = arith.constant 0 : i32
          %dma_start3A_305 = tpu.memref_slice %arg12[%dma_start3A_303, %dma_start3A_304] : memref<10048x16xf32, #tpu.memory_space<vmem_shared>> -> memref<10048x16xf32, #tpu.memory_space<vmem_shared>>
          tpu.enqueue_indirect_dma source(%arg13 : memref<128x16xf32, #tpu.memory_space<vmem>>) target(%dma_start3A_305 : memref<10048x16xf32, #tpu.memory_space<vmem_shared>>) offsets(%dma_start3A_302 : memref<128xi32, #tpu.memory_space<vmem>>) semaphore(%run_scoped3A_295 : memref<!tpu.dma_semaphore, #tpu.memory_space<semaphore_mem>>) {add = true}
          %dma_wait3A = arith.constant 0 : i32
          %dma_wait3A_306 = arith.constant 0 : i32
          %dma_wait3A_307 = tpu.memref_slice %run_scoped3A_20[%rem3A_224, %dma_wait3A, %dma_wait3A_306] : memref<2x1x128xi32, #tpu.memory_space<vmem>> -> memref<1x1x128xi32, #tpu.memory_space<vmem>>
          %dma_wait3A_308 = tpu.memref_squeeze %dma_wait3A_307 : memref<1x1x128xi32, #tpu.memory_space<vmem>> -> memref<1x128xi32, #tpu.memory_space<vmem>>
          %dma_wait3A_309 = arith.constant 0 : i32
          %dma_wait3A_310 = tpu.memref_slice %dma_wait3A_308[%run_scoped3A_226, %dma_wait3A_309] : memref<1x128xi32, #tpu.memory_space<vmem>> -> memref<1x128xi32, #tpu.memory_space<vmem>>
          %dma_wait3A_311 = tpu.memref_squeeze %dma_wait3A_310 : memref<1x128xi32, #tpu.memory_space<vmem>> -> memref<128xi32, #tpu.memory_space<vmem>>
          %dma_wait3A_312 = arith.constant 0 : i32
          %dma_wait3A_313 = arith.constant 0 : i32
          %dma_wait3A_314 = tpu.memref_slice %arg12[%dma_wait3A_312, %dma_wait3A_313] : memref<10048x16xf32, #tpu.memory_space<vmem_shared>> -> memref<10048x16xf32, #tpu.memory_space<vmem_shared>>
          tpu.wait_indirect_dma semaphore(%run_scoped3A_295 : memref<!tpu.dma_semaphore, #tpu.memory_space<semaphore_mem>>) src(%arg13 : memref<128x16xf32, #tpu.memory_space<vmem>>) dst(%dma_wait3A_314 : memref<10048x16xf32, #tpu.memory_space<vmem_shared>>)
          tpu.yield
        }) : () -> ()
        "tpu.trace_stop"() : () -> ()
        %ne3A_227 = arith.cmpi ne, %add3A_150, %add3A_168 : i32
        %or3A_228 = arith.constant false
        %or3A_229 = arith.ori %or3A_228, %ne3A_227 : i1
        %or3A_230 = arith.constant false
        %or3A_231 = arith.ori %or3A_229, %or3A_230 : i1
        %or3A_232 = arith.ori %or3A_231, %eq3A_149 : i1
        %convert_element_type3A_233 = arith.extui %or3A_232 : i1 to i32
        %cond3A_234 = arith.constant 0 : i32
        %cond3A_235 = arith.cmpi ne, %convert_element_type3A_233, %cond3A_234 : i32
        scf.if %cond3A_235 {
        } else {
        }
        %and3A_236 = arith.constant false
        %and3A_237 = arith.andi %or3A_232, %and3A_236 : i1
        %ne3A_238 = arith.cmpi ne, %add3A_150, %add3A_168 : i32
        %or3A_239 = arith.constant false
        %or3A_240 = arith.ori %or3A_239, %ne3A_238 : i1
        %or3A_241 = arith.ori %or3A_240, %eq3A_149 : i1
        %convert_element_type3A_242 = arith.extui %or3A_241 : i1 to i32
        %cond3A_243 = arith.constant 0 : i32
        %cond3A_244 = arith.cmpi ne, %convert_element_type3A_242, %cond3A_243 : i32
        scf.if %cond3A_244 {
        } else {
        }
        %and3A_245 = arith.constant false
        %and3A_246 = arith.andi %or3A_241, %and3A_245 : i1
        %ne3A_247 = arith.cmpi ne, %add3A_150, %add3A_159 : i32
        %or3A_248 = arith.constant false
        %or3A_249 = arith.ori %or3A_248, %ne3A_247 : i1
        %or3A_250 = arith.constant false
        %or3A_251 = arith.ori %or3A_249, %or3A_250 : i1
        %not3A_252 = arith.constant true
        %not3A_253 = arith.xori %eq3A_147, %not3A_252 : i1
        %and3A_254 = arith.andi %or3A_251, %not3A_253 : i1
        %convert_element_type3A_255 = arith.extui %and3A_254 : i1 to i32
        %cond3A_256 = arith.constant 0 : i32
        %cond3A_257 = arith.cmpi ne, %convert_element_type3A_255, %cond3A_256 : i32
        scf.if %cond3A_257 {
        } else {
        }
        %and3A_258 = arith.constant false
        %and3A_259 = arith.andi %and3A_254, %and3A_258 : i1
        %ne3A_260 = arith.cmpi ne, %add3A_150, %add3A_159 : i32
        %or3A_261 = arith.constant false
        %or3A_262 = arith.ori %or3A_261, %ne3A_260 : i1
        %not3A_263 = arith.constant true
        %not3A_264 = arith.xori %eq3A_147, %not3A_263 : i1
        %and3A_265 = arith.andi %or3A_262, %not3A_264 : i1
        %convert_element_type3A_266 = arith.extui %and3A_265 : i1 to i32
        %cond3A_267 = arith.constant 0 : i32
        %cond3A_268 = arith.cmpi ne, %convert_element_type3A_266, %cond3A_267 : i32
        scf.if %cond3A_268 {
        } else {
        }
        %and3A_269 = arith.constant false
        %and3A_270 = arith.andi %and3A_265, %and3A_269 : i1
        %ne3A_271 = arith.cmpi ne, %add3A_150, %add3A_168 : i32
        %or3A_272 = arith.constant false
        %or3A_273 = arith.ori %or3A_272, %ne3A_271 : i1
        %or3A_274 = arith.constant false
        %or3A_275 = arith.ori %or3A_273, %or3A_274 : i1
        %or3A_276 = arith.ori %or3A_275, %eq3A_149 : i1
        %add3A_277 = arith.constant 1 : i32
        %add3A_278 = arith.addi %scan3A_142, %add3A_277 : i32
        %select_n3A_279 = arith.select %or3A_276, %add3A_278, %scan3A_142 : i32
        %ne3A_280 = arith.cmpi ne, %add3A_150, %add3A_168 : i32
        %or3A_281 = arith.constant false
        %or3A_282 = arith.ori %or3A_281, %ne3A_280 : i1
        %or3A_283 = arith.ori %or3A_282, %eq3A_149 : i1
        %add3A_284 = arith.constant 1 : i32
        %add3A_285 = arith.addi %scan3A_144, %add3A_284 : i32
        %select_n3A_286 = arith.select %or3A_283, %add3A_285, %scan3A_144 : i32
        %add3A_287 = arith.constant 1 : i32
        %add3A_288 = arith.addi %scan3A_145, %add3A_287 : i32
        %select_n3A_289 = arith.constant true
        %select_n3A_290 = arith.select %select_n3A_289, %add3A_288, %scan3A_145 : i32
        %eq3A_291 = arith.constant 20 : i32
        %eq3A_292 = arith.cmpi eq, %select_n3A_290, %eq3A_291 : i32
        %select_n3A_293 = arith.constant 0 : i32
        %select_n3A_294 = arith.select %eq3A_292, %select_n3A_293, %select_n3A_290 : i32
        scf.yield %select_n3A_188, %select_n3A_279, %select_n3A_204, %select_n3A_286, %select_n3A_294 : i32, i32, i32, i32, i32
      }
      %scan3A_104 = arith.constant 20 : i32
      %sub3A = arith.constant 1 : i32
      %sub3A_105 = arith.subi %scan3A_103#4, %sub3A : i32
      %select_n3A_106 = arith.constant true
      %select_n3A_107 = arith.select %select_n3A_106, %sub3A_105, %scan3A_103#4 : i32
      %eq3A_108 = arith.constant -1 : i32
      %eq3A_109 = arith.cmpi eq, %select_n3A_107, %eq3A_108 : i32
      %select_n3A_110 = arith.constant 19 : i32
      %select_n3A_111 = arith.select %eq3A_109, %select_n3A_110, %select_n3A_107 : i32
      %add3A_112 = arith.addi %select_n3A_111, %mul3A_17 : i32
      %sub3A_113 = arith.constant 1 : i32
      %sub3A_114 = arith.subi %select_n3A_111, %sub3A_113 : i32
      %select_n3A_115 = arith.constant true
      %select_n3A_116 = arith.select %select_n3A_115, %sub3A_114, %select_n3A_111 : i32
      %eq3A_117 = arith.constant -1 : i32
      %eq3A_118 = arith.cmpi eq, %select_n3A_116, %eq3A_117 : i32
      %select_n3A_119 = arith.constant 19 : i32
      %select_n3A_120 = arith.select %eq3A_118, %select_n3A_119, %select_n3A_116 : i32
      %add3A_121 = arith.addi %select_n3A_120, %mul3A_17 : i32
      %add3A_122 = arith.constant 1 : i32
      %add3A_123 = arith.addi %select_n3A_111, %add3A_122 : i32
      %select_n3A_124 = arith.constant true
      %select_n3A_125 = arith.select %select_n3A_124, %add3A_123, %select_n3A_111 : i32
      %eq3A_126 = arith.constant 20 : i32
      %eq3A_127 = arith.cmpi eq, %select_n3A_125, %eq3A_126 : i32
      %select_n3A_128 = arith.constant 0 : i32
      %select_n3A_129 = arith.select %eq3A_127, %select_n3A_128, %select_n3A_125 : i32
      %add3A_130 = arith.addi %select_n3A_129, %mul3A_17 : i32
      %add3A_131 = arith.constant 1 : i32
      %add3A_132 = arith.addi %select_n3A_129, %add3A_131 : i32
      %select_n3A_133 = arith.constant true
      %select_n3A_134 = arith.select %select_n3A_133, %add3A_132, %select_n3A_129 : i32
      %eq3A_135 = arith.constant 20 : i32
      %eq3A_136 = arith.cmpi eq, %select_n3A_134, %eq3A_135 : i32
      %select_n3A_137 = arith.constant 0 : i32
      %select_n3A_138 = arith.select %eq3A_136, %select_n3A_137, %select_n3A_134 : i32
      %add3A_139 = arith.addi %select_n3A_138, %mul3A_17 : i32
      tpu.yield
    }) : () -> ()
    %barrier3A_18 = arith.constant 0 : index
    tpu.barrier barrier_id(%barrier3A_18)
    "tpu.region"() ({
      %run_scoped3A = tpu.sem_alloc : memref<!tpu.dma_semaphore, #tpu.memory_space<semaphore_mem>>
      %dma_start3A = arith.constant 0 : i32
      %dma_start3A_19 = tpu.memref_slice %arg9[%arg0, %mul3A_0, %dma_start3A] : memref<2x10048x32xf32, #tpu.memory_space<hbm>> -> memref<1x628x32xf32, #tpu.memory_space<hbm>>
      %dma_start3A_20 = tpu.memref_squeeze %dma_start3A_19 : memref<1x628x32xf32, #tpu.memory_space<hbm>> -> memref<628x32xf32, #tpu.memory_space<hbm>>
      %dma_start3A_21 = arith.constant 0 : i32
      %dma_start3A_22 = tpu.memref_slice %arg11[%mul3A_0, %dma_start3A_21] : memref<10048x32xf32, #tpu.memory_space<vmem_shared>> -> memref<628x32xf32, #tpu.memory_space<vmem_shared>>
      tpu.enqueue_dma source(%dma_start3A_22 : memref<628x32xf32, #tpu.memory_space<vmem_shared>>) target(%dma_start3A_20 : memref<628x32xf32, #tpu.memory_space<hbm>>) target_semaphore(%run_scoped3A : memref<!tpu.dma_semaphore, #tpu.memory_space<semaphore_mem>>)
      %dma_wait3A = arith.constant 0 : i32
      %dma_wait3A_23 = tpu.memref_slice %arg9[%arg0, %mul3A_0, %dma_wait3A] : memref<2x10048x32xf32, #tpu.memory_space<hbm>> -> memref<1x628x32xf32, #tpu.memory_space<hbm>>
      %dma_wait3A_24 = tpu.memref_squeeze %dma_wait3A_23 : memref<1x628x32xf32, #tpu.memory_space<hbm>> -> memref<628x32xf32, #tpu.memory_space<hbm>>
      %dma_wait3A_25 = arith.constant 0 : i32
      %dma_wait3A_26 = tpu.memref_slice %arg11[%mul3A_0, %dma_wait3A_25] : memref<10048x32xf32, #tpu.memory_space<vmem_shared>> -> memref<628x32xf32, #tpu.memory_space<vmem_shared>>
      tpu.wait_dma2 semaphore(%run_scoped3A : memref<!tpu.dma_semaphore, #tpu.memory_space<semaphore_mem>>) src(%dma_wait3A_26 : memref<628x32xf32, #tpu.memory_space<vmem_shared>>) dst(%dma_wait3A_24 : memref<628x32xf32, #tpu.memory_space<hbm>>)
      tpu.yield
    }) : () -> ()
    "tpu.region"() ({
      %run_scoped3A = tpu.sem_alloc : memref<!tpu.dma_semaphore, #tpu.memory_space<semaphore_mem>>
      %dma_start3A = arith.constant 0 : i32
      %dma_start3A_19 = tpu.memref_slice %arg10[%arg0, %mul3A_0, %dma_start3A] : memref<2x10048x16xf32, #tpu.memory_space<hbm>> -> memref<1x628x16xf32, #tpu.memory_space<hbm>>
      %dma_start3A_20 = tpu.memref_squeeze %dma_start3A_19 : memref<1x628x16xf32, #tpu.memory_space<hbm>> -> memref<628x16xf32, #tpu.memory_space<hbm>>
      %dma_start3A_21 = arith.constant 0 : i32
      %dma_start3A_22 = tpu.memref_slice %arg12[%mul3A_0, %dma_start3A_21] : memref<10048x16xf32, #tpu.memory_space<vmem_shared>> -> memref<628x16xf32, #tpu.memory_space<vmem_shared>>
      tpu.enqueue_dma source(%dma_start3A_22 : memref<628x16xf32, #tpu.memory_space<vmem_shared>>) target(%dma_start3A_20 : memref<628x16xf32, #tpu.memory_space<hbm>>) target_semaphore(%run_scoped3A : memref<!tpu.dma_semaphore, #tpu.memory_space<semaphore_mem>>)
      %dma_wait3A = arith.constant 0 : i32
      %dma_wait3A_23 = tpu.memref_slice %arg10[%arg0, %mul3A_0, %dma_wait3A] : memref<2x10048x16xf32, #tpu.memory_space<hbm>> -> memref<1x628x16xf32, #tpu.memory_space<hbm>>
      %dma_wait3A_24 = tpu.memref_squeeze %dma_wait3A_23 : memref<1x628x16xf32, #tpu.memory_space<hbm>> -> memref<628x16xf32, #tpu.memory_space<hbm>>
      %dma_wait3A_25 = arith.constant 0 : i32
      %dma_wait3A_26 = tpu.memref_slice %arg12[%mul3A_0, %dma_wait3A_25] : memref<10048x16xf32, #tpu.memory_space<vmem_shared>> -> memref<628x16xf32, #tpu.memory_space<vmem_shared>>
      tpu.wait_dma2 semaphore(%run_scoped3A : memref<!tpu.dma_semaphore, #tpu.memory_space<semaphore_mem>>) src(%dma_wait3A_26 : memref<628x16xf32, #tpu.memory_space<vmem_shared>>) dst(%dma_wait3A_24 : memref<628x16xf32, #tpu.memory_space<hbm>>)
      tpu.yield
    }) : () -> ()
    return
  }
}

module attributes {stable_mosaic.version = 14 : i64} {
  func.func @_dense_body(%arg0: i32, %arg1: memref<2048x16xf32, #tpu.memory_space<vmem>>, %arg2: memref<2048x32xf32, #tpu.memory_space<vmem>>, %arg3: memref<16x32xf32, #tpu.memory_space<vmem>>, %arg4: memref<1x32xf32, #tpu.memory_space<vmem>>, %arg5: memref<32x1024xf32, #tpu.memory_space<vmem>>, %arg6: memref<1x1024xf32, #tpu.memory_space<vmem>>, %arg7: memref<1024x32xf32, #tpu.memory_space<vmem>>, %arg8: memref<2048x32xf32, #tpu.memory_space<vmem>>) attributes {dimension_semantics = [#tpu.dimension_semantics<arbitrary>], iteration_bounds = array<i64: 40>, scalar_prefetch = 0 : i64, scratch_operands = 0 : i64, tpu.core_type = #tpu.core_type<tc>, window_params = [{transform_indices = @transform_0, window_bounds = array<i64: 2048, 16>}, {transform_indices = @transform_1, window_bounds = array<i64: 2048, 32>}, {pipeline_mode = #tpu.pipeline_mode<synchronous>, transform_indices = @transform_2, window_bounds = array<i64: 16, 32>}, {pipeline_mode = #tpu.pipeline_mode<synchronous>, transform_indices = @transform_3, window_bounds = array<i64: 1, 32>}, {pipeline_mode = #tpu.pipeline_mode<synchronous>, transform_indices = @transform_4, window_bounds = array<i64: 32, 1024>}, {pipeline_mode = #tpu.pipeline_mode<synchronous>, transform_indices = @transform_5, window_bounds = array<i64: 1, 1024>}, {pipeline_mode = #tpu.pipeline_mode<synchronous>, transform_indices = @transform_6, window_bounds = array<i64: 1024, 32>}, {transform_indices = @transform_7, window_bounds = array<i64: 2048, 32>}]} {
    %get3A = arith.constant 0 : index
    %get3A_0 = arith.constant 0 : index
    %get3A_1 = vector.load %arg1[%get3A, %get3A_0] : memref<2048x16xf32, #tpu.memory_space<vmem>>, vector<2048x16xf32>
    %get3A_2 = arith.constant 0 : index
    %get3A_3 = arith.constant 0 : index
    %get3A_4 = vector.load %arg3[%get3A_2, %get3A_3] : memref<16x32xf32, #tpu.memory_space<vmem>>, vector<16x32xf32>
    %dot_general3A = arith.constant dense<0.000000e+00> : vector<2048x32xf32>
    %dot_general3A_5 = tpu.matmul %get3A_1, %get3A_4, %dot_general3A {dimension_numbers = #tpu.dot_dimension_numbers<[1], [0], [0], [1], [0, 0, 1, 1], [], []>, transpose_lhs_hint = false} : vector<2048x16xf32>, vector<16x32xf32>, vector<2048x32xf32> -> vector<2048x32xf32>
    %get3A_6 = arith.constant 0 : index
    %get3A_7 = arith.constant 0 : index
    %get3A_8 = vector.load %arg4[%get3A_6, %get3A_7] : memref<1x32xf32, #tpu.memory_space<vmem>>, vector<1x32xf32>
    %add3A = vector.broadcast %get3A_8 : vector<1x32xf32> to vector<2048x32xf32>
    %add3A_9 = arith.addf %dot_general3A_5, %add3A : vector<2048x32xf32>
    %max3A = arith.constant 0.000000e+00 : f32
    %max3A_10 = vector.broadcast %max3A : f32 to vector<2048x32xf32>
    %max3A_11 = arith.maximumf %add3A_9, %max3A_10 : vector<2048x32xf32>
    %get3A_12 = arith.constant 0 : index
    %get3A_13 = arith.constant 0 : index
    %get3A_14 = vector.load %arg5[%get3A_12, %get3A_13] : memref<32x1024xf32, #tpu.memory_space<vmem>>, vector<32x1024xf32>
    %dot_general3A_15 = arith.constant dense<0.000000e+00> : vector<2048x1024xf32>
    %dot_general3A_16 = tpu.matmul %max3A_11, %get3A_14, %dot_general3A_15 {dimension_numbers = #tpu.dot_dimension_numbers<[1], [0], [0], [1], [0, 0, 1, 1], [], []>, transpose_lhs_hint = false} : vector<2048x32xf32>, vector<32x1024xf32>, vector<2048x1024xf32> -> vector<2048x1024xf32>
    %get3A_17 = arith.constant 0 : index
    %get3A_18 = arith.constant 0 : index
    %get3A_19 = vector.load %arg6[%get3A_17, %get3A_18] : memref<1x1024xf32, #tpu.memory_space<vmem>>, vector<1x1024xf32>
    %add3A_20 = vector.broadcast %get3A_19 : vector<1x1024xf32> to vector<2048x1024xf32>
    %add3A_21 = arith.addf %dot_general3A_16, %add3A_20 : vector<2048x1024xf32>
    %get3A_22 = arith.constant 0 : index
    %get3A_23 = arith.constant 0 : index
    %get3A_24 = vector.load %arg2[%get3A_22, %get3A_23] : memref<2048x32xf32, #tpu.memory_space<vmem>>, vector<2048x32xf32>
    %concatenate3A = tpu.concatenate %get3A_24, %get3A_24, %get3A_24, %get3A_24, %get3A_24, %get3A_24, %get3A_24, %get3A_24, %get3A_24, %get3A_24, %get3A_24, %get3A_24, %get3A_24, %get3A_24, %get3A_24, %get3A_24, %get3A_24, %get3A_24, %get3A_24, %get3A_24, %get3A_24, %get3A_24, %get3A_24, %get3A_24, %get3A_24, %get3A_24, %get3A_24, %get3A_24, %get3A_24, %get3A_24, %get3A_24, %get3A_24 in 1 : vector<2048x32xf32>, vector<2048x32xf32>, vector<2048x32xf32>, vector<2048x32xf32>, vector<2048x32xf32>, vector<2048x32xf32>, vector<2048x32xf32>, vector<2048x32xf32>, vector<2048x32xf32>, vector<2048x32xf32>, vector<2048x32xf32>, vector<2048x32xf32>, vector<2048x32xf32>, vector<2048x32xf32>, vector<2048x32xf32>, vector<2048x32xf32>, vector<2048x32xf32>, vector<2048x32xf32>, vector<2048x32xf32>, vector<2048x32xf32>, vector<2048x32xf32>, vector<2048x32xf32>, vector<2048x32xf32>, vector<2048x32xf32>, vector<2048x32xf32>, vector<2048x32xf32>, vector<2048x32xf32>, vector<2048x32xf32>, vector<2048x32xf32>, vector<2048x32xf32>, vector<2048x32xf32>, vector<2048x32xf32> -> vector<2048x1024xf32>
    %mul3A = arith.mulf %add3A_21, %concatenate3A : vector<2048x1024xf32>
    %get3A_25 = arith.constant 0 : index
    %get3A_26 = arith.constant 0 : index
    %get3A_27 = vector.load %arg7[%get3A_25, %get3A_26] : memref<1024x32xf32, #tpu.memory_space<vmem>>, vector<1024x32xf32>
    %dot_general3A_28 = arith.constant dense<0.000000e+00> : vector<2048x32xf32>
    %dot_general3A_29 = tpu.matmul %mul3A, %get3A_27, %dot_general3A_28 {dimension_numbers = #tpu.dot_dimension_numbers<[1], [0], [0], [1], [0, 0, 1, 1], [], []>, transpose_lhs_hint = false} : vector<2048x1024xf32>, vector<1024x32xf32>, vector<2048x32xf32> -> vector<2048x32xf32>
    %swap3A = arith.constant 0 : index
    %swap3A_30 = arith.constant 0 : index
    %swap3A_31 = vector.load %arg8[%swap3A, %swap3A_30] : memref<2048x32xf32, #tpu.memory_space<vmem>>, vector<2048x32xf32>
    tpu.vector_store %arg8[%swap3A, %swap3A_30], %dot_general3A_29 {strides = array<i32>} : memref<2048x32xf32, #tpu.memory_space<vmem>>, vector<2048x32xf32>,
    return
  }
  func.func @transform_0(%arg0: i32) -> (i32, i32) {
    %c0_i32 = arith.constant 0 : i32
    %c0_i32_0 = arith.constant 0 : i32
    return %arg0, %c0_i32 : i32, i32
  }
  func.func @transform_1(%arg0: i32) -> (i32, i32) {
    %c0_i32 = arith.constant 0 : i32
    %c0_i32_0 = arith.constant 0 : i32
    return %arg0, %c0_i32 : i32, i32
  }
  func.func @transform_2(%arg0: i32) -> (i32, i32) {
    %c0_i32 = arith.constant 0 : i32
    %c0_i32_0 = arith.constant 0 : i32
    %c0_i32_1 = arith.constant 0 : i32
    return %c0_i32, %c0_i32_0 : i32, i32
  }
  func.func @transform_3(%arg0: i32) -> (i32, i32) {
    %c0_i32 = arith.constant 0 : i32
    %c0_i32_0 = arith.constant 0 : i32
    %c0_i32_1 = arith.constant 0 : i32
    return %c0_i32, %c0_i32_0 : i32, i32
  }
  func.func @transform_4(%arg0: i32) -> (i32, i32) {
    %c0_i32 = arith.constant 0 : i32
    %c0_i32_0 = arith.constant 0 : i32
    %c0_i32_1 = arith.constant 0 : i32
    return %c0_i32, %c0_i32_0 : i32, i32
  }
  func.func @transform_5(%arg0: i32) -> (i32, i32) {
    %c0_i32 = arith.constant 0 : i32
    %c0_i32_0 = arith.constant 0 : i32
    %c0_i32_1 = arith.constant 0 : i32
    return %c0_i32, %c0_i32_0 : i32, i32
  }
  func.func @transform_6(%arg0: i32) -> (i32, i32) {
    %c0_i32 = arith.constant 0 : i32
    %c0_i32_0 = arith.constant 0 : i32
    %c0_i32_1 = arith.constant 0 : i32
    return %c0_i32, %c0_i32_0 : i32, i32
  }
  func.func @transform_7(%arg0: i32) -> (i32, i32) {
    %c0_i32 = arith.constant 0 : i32
    %c0_i32_0 = arith.constant 0 : i32
    return %arg0, %c0_i32 : i32, i32
  }
}

module attributes {stable_mosaic.version = 14 : i64} {
  func.func @_gru_body(%arg0: i32, %arg1: memref<2x10048x32xf32, #tpu.memory_space<vmem>>, %arg2: memref<2x10048x16xf32, #tpu.memory_space<vmem>>, %arg3: memref<32x32xf32, #tpu.memory_space<vmem>>, %arg4: memref<32x32xf32, #tpu.memory_space<vmem>>, %arg5: memref<32x32xf32, #tpu.memory_space<vmem>>, %arg6: memref<32x32xbf16, #tpu.memory_space<vmem>>, %arg7: memref<32x32xbf16, #tpu.memory_space<vmem>>, %arg8: memref<32x32xbf16, #tpu.memory_space<vmem>>, %arg9: memref<1x32xf32, #tpu.memory_space<vmem>>, %arg10: memref<1x32xf32, #tpu.memory_space<vmem>>, %arg11: memref<1x32xf32, #tpu.memory_space<vmem>>, %arg12: memref<1x32xf32, #tpu.memory_space<vmem>>, %arg13: memref<1x32xf32, #tpu.memory_space<vmem>>, %arg14: memref<1x32xf32, #tpu.memory_space<vmem>>, %arg15: memref<10000x32xf32, #tpu.memory_space<vmem>>, %arg16: memref<10000x32xf32, #tpu.memory_space<vmem>>, %arg17: memref<10000x32xf32, #tpu.memory_space<vmem>>) attributes {dimension_semantics = [#tpu.dimension_semantics<arbitrary>], iteration_bounds = array<i64: 1>, scalar_prefetch = 0 : i64, scratch_operands = 3 : i64, tpu.core_type = #tpu.core_type<tc>, window_params = [{pipeline_mode = #tpu.pipeline_mode<synchronous>, transform_indices = @transform_0, window_bounds = array<i64: 2, 10048, 32>}, {pipeline_mode = #tpu.pipeline_mode<synchronous>, transform_indices = @transform_1, window_bounds = array<i64: 2, 10048, 16>}, {pipeline_mode = #tpu.pipeline_mode<synchronous>, transform_indices = @transform_2, window_bounds = array<i64: 32, 32>}, {pipeline_mode = #tpu.pipeline_mode<synchronous>, transform_indices = @transform_3, window_bounds = array<i64: 32, 32>}, {pipeline_mode = #tpu.pipeline_mode<synchronous>, transform_indices = @transform_4, window_bounds = array<i64: 32, 32>}, {pipeline_mode = #tpu.pipeline_mode<synchronous>, transform_indices = @transform_5, window_bounds = array<i64: 32, 32>}, {pipeline_mode = #tpu.pipeline_mode<synchronous>, transform_indices = @transform_6, window_bounds = array<i64: 32, 32>}, {pipeline_mode = #tpu.pipeline_mode<synchronous>, transform_indices = @transform_7, window_bounds = array<i64: 32, 32>}, {pipeline_mode = #tpu.pipeline_mode<synchronous>, transform_indices = @transform_8, window_bounds = array<i64: 1, 32>}, {pipeline_mode = #tpu.pipeline_mode<synchronous>, transform_indices = @transform_9, window_bounds = array<i64: 1, 32>}, {pipeline_mode = #tpu.pipeline_mode<synchronous>, transform_indices = @transform_10, window_bounds = array<i64: 1, 32>}, {pipeline_mode = #tpu.pipeline_mode<synchronous>, transform_indices = @transform_11, window_bounds = array<i64: 1, 32>}, {pipeline_mode = #tpu.pipeline_mode<synchronous>, transform_indices = @transform_12, window_bounds = array<i64: 1, 32>}, {pipeline_mode = #tpu.pipeline_mode<synchronous>, transform_indices = @transform_13, window_bounds = array<i64: 1, 32>}]} {
    %get3A = arith.constant 0 : index
    %get3A_0 = arith.constant 0 : index
    %get3A_1 = arith.constant 0 : index
    %get3A_2 = vector.load %arg1[%get3A, %get3A_0, %get3A_1] : memref<2x10048x32xf32, #tpu.memory_space<vmem>>, vector<1x10000x32xf32>
    %get3A_3 = vector.shape_cast %get3A_2 : vector<1x10000x32xf32> to vector<10000x32xf32>
    %get3A_4 = arith.constant 1 : index
    %get3A_5 = arith.constant 0 : index
    %get3A_6 = arith.constant 0 : index
    %get3A_7 = vector.load %arg1[%get3A_4, %get3A_5, %get3A_6] : memref<2x10048x32xf32, #tpu.memory_space<vmem>>, vector<1x10000x32xf32>
    %get3A_8 = vector.shape_cast %get3A_7 : vector<1x10000x32xf32> to vector<10000x32xf32>
    %add3A = arith.addf %get3A_3, %get3A_8 : vector<10000x32xf32>
    %get3A_9 = arith.constant 0 : index
    %get3A_10 = arith.constant 0 : index
    %get3A_11 = arith.constant 0 : index
    %get3A_12 = vector.load %arg2[%get3A_9, %get3A_10, %get3A_11] : memref<2x10048x16xf32, #tpu.memory_space<vmem>>, vector<1x10000x1xf32>
    %get3A_13 = vector.shape_cast %get3A_12 : vector<1x10000x1xf32> to vector<10000x1xf32>
    %get3A_14 = arith.constant 1 : index
    %get3A_15 = arith.constant 0 : index
    %get3A_16 = arith.constant 0 : index
    %get3A_17 = vector.load %arg2[%get3A_14, %get3A_15, %get3A_16] : memref<2x10048x16xf32, #tpu.memory_space<vmem>>, vector<1x10000x1xf32>
    %get3A_18 = vector.shape_cast %get3A_17 : vector<1x10000x1xf32> to vector<10000x1xf32>
    %add3A_19 = arith.addf %get3A_13, %get3A_18 : vector<10000x1xf32>
    %max3A = arith.constant 1.000000e+00 : f32
    %max3A_20 = vector.broadcast %max3A : f32 to vector<10000x1xf32>
    %max3A_21 = arith.maximumf %add3A_19, %max3A_20 : vector<10000x1xf32>
    %div3A = vector.broadcast %max3A_21 : vector<10000x1xf32> to vector<10000x32xf32>
    %div3A_22 = arith.divf %add3A, %div3A : vector<10000x32xf32>
    %get3A_23 = arith.constant 0 : index
    %get3A_24 = arith.constant 0 : index
    %get3A_25 = vector.load %arg3[%get3A_23, %get3A_24] : memref<32x32xf32, #tpu.memory_space<vmem>>, vector<32x32xf32>
    %dot_general3A = arith.constant dense<0.000000e+00> : vector<10000x32xf32>
    %dot_general3A_26 = tpu.matmul %div3A_22, %get3A_25, %dot_general3A {dimension_numbers = #tpu.dot_dimension_numbers<[1], [0], [0], [1], [0, 0, 1, 1], [], []>, transpose_lhs_hint = false} : vector<10000x32xf32>, vector<32x32xf32>, vector<10000x32xf32> -> vector<10000x32xf32>
    %get3A_27 = arith.constant 0 : index
    %get3A_28 = arith.constant 0 : index
    %get3A_29 = vector.load %arg9[%get3A_27, %get3A_28] : memref<1x32xf32, #tpu.memory_space<vmem>>, vector<1x32xf32>
    %add3A_30 = vector.broadcast %get3A_29 : vector<1x32xf32> to vector<10000x32xf32>
    %add3A_31 = arith.addf %dot_general3A_26, %add3A_30 : vector<10000x32xf32>
    %swap3A = arith.constant 0 : index
    %swap3A_32 = arith.constant 0 : index
    %swap3A_33 = vector.load %arg15[%swap3A, %swap3A_32] : memref<10000x32xf32, #tpu.memory_space<vmem>>, vector<10000x32xf32>
    tpu.vector_store %arg15[%swap3A, %swap3A_32], %add3A_31 {strides = array<i32>} : memref<10000x32xf32, #tpu.memory_space<vmem>>, vector<10000x32xf32>,
    %get3A_34 = arith.constant 0 : index
    %get3A_35 = arith.constant 0 : index
    %get3A_36 = vector.load %arg4[%get3A_34, %get3A_35] : memref<32x32xf32, #tpu.memory_space<vmem>>, vector<32x32xf32>
    %dot_general3A_37 = arith.constant dense<0.000000e+00> : vector<10000x32xf32>
    %dot_general3A_38 = tpu.matmul %div3A_22, %get3A_36, %dot_general3A_37 {dimension_numbers = #tpu.dot_dimension_numbers<[1], [0], [0], [1], [0, 0, 1, 1], [], []>, transpose_lhs_hint = false} : vector<10000x32xf32>, vector<32x32xf32>, vector<10000x32xf32> -> vector<10000x32xf32>
    %get3A_39 = arith.constant 0 : index
    %get3A_40 = arith.constant 0 : index
    %get3A_41 = vector.load %arg10[%get3A_39, %get3A_40] : memref<1x32xf32, #tpu.memory_space<vmem>>, vector<1x32xf32>
    %add3A_42 = vector.broadcast %get3A_41 : vector<1x32xf32> to vector<10000x32xf32>
    %add3A_43 = arith.addf %dot_general3A_38, %add3A_42 : vector<10000x32xf32>
    %swap3A_44 = arith.constant 0 : index
    %swap3A_45 = arith.constant 0 : index
    %swap3A_46 = vector.load %arg16[%swap3A_44, %swap3A_45] : memref<10000x32xf32, #tpu.memory_space<vmem>>, vector<10000x32xf32>
    tpu.vector_store %arg16[%swap3A_44, %swap3A_45], %add3A_43 {strides = array<i32>} : memref<10000x32xf32, #tpu.memory_space<vmem>>, vector<10000x32xf32>,
    %get3A_47 = arith.constant 0 : index
    %get3A_48 = arith.constant 0 : index
    %get3A_49 = vector.load %arg5[%get3A_47, %get3A_48] : memref<32x32xf32, #tpu.memory_space<vmem>>, vector<32x32xf32>
    %dot_general3A_50 = arith.constant dense<0.000000e+00> : vector<10000x32xf32>
    %dot_general3A_51 = tpu.matmul %div3A_22, %get3A_49, %dot_general3A_50 {dimension_numbers = #tpu.dot_dimension_numbers<[1], [0], [0], [1], [0, 0, 1, 1], [], []>, transpose_lhs_hint = false} : vector<10000x32xf32>, vector<32x32xf32>, vector<10000x32xf32> -> vector<10000x32xf32>
    %get3A_52 = arith.constant 0 : index
    %get3A_53 = arith.constant 0 : index
    %get3A_54 = vector.load %arg11[%get3A_52, %get3A_53] : memref<1x32xf32, #tpu.memory_space<vmem>>, vector<1x32xf32>
    %add3A_55 = vector.broadcast %get3A_54 : vector<1x32xf32> to vector<10000x32xf32>
    %add3A_56 = arith.addf %dot_general3A_51, %add3A_55 : vector<10000x32xf32>
    %swap3A_57 = arith.constant 0 : index
    %swap3A_58 = arith.constant 0 : index
    %swap3A_59 = vector.load %arg17[%swap3A_57, %swap3A_58] : memref<10000x32xf32, #tpu.memory_space<vmem>>, vector<10000x32xf32>
    tpu.vector_store %arg17[%swap3A_57, %swap3A_58], %add3A_56 {strides = array<i32>} : memref<10000x32xf32, #tpu.memory_space<vmem>>, vector<10000x32xf32>,
    %get3A_60 = arith.constant 0 : index
    %get3A_61 = arith.constant 0 : index
    %get3A_62 = vector.load %arg12[%get3A_60, %get3A_61] : memref<1x32xf32, #tpu.memory_space<vmem>>, vector<1x32xf32>
    %get3A_63 = arith.constant 0 : index
    %get3A_64 = arith.constant 0 : index
    %get3A_65 = vector.load %arg6[%get3A_63, %get3A_64] : memref<32x32xbf16, #tpu.memory_space<vmem>>, vector<32x32xbf16>
    %get3A_66 = arith.constant 0 : index
    %get3A_67 = arith.constant 0 : index
    %get3A_68 = vector.load %arg7[%get3A_66, %get3A_67] : memref<32x32xbf16, #tpu.memory_space<vmem>>, vector<32x32xbf16>
    %get3A_69 = arith.constant 0 : index
    %get3A_70 = arith.constant 0 : index
    %get3A_71 = vector.load %arg8[%get3A_69, %get3A_70] : memref<32x32xbf16, #tpu.memory_space<vmem>>, vector<32x32xbf16>
    %get3A_72 = arith.constant 0 : index
    %get3A_73 = arith.constant 0 : index
    %get3A_74 = vector.load %arg13[%get3A_72, %get3A_73] : memref<1x32xf32, #tpu.memory_space<vmem>>, vector<1x32xf32>
    %scan3A = arith.constant 0 : i32
    %scan3A_75 = arith.constant 1250 : i32
    %scan3A_76 = arith.addi %scan3A, %scan3A_75 : i32
    %scan3A_77 = arith.constant 1 : i32
    %scan3A_78 = scf.for %scan3A_83 = %scan3A to %scan3A_76 step %scan3A_77 iter_args(%scan3A_84 = %get3A_74) -> (vector<1x32xf32>)  : i32 {
      %mul3A = arith.constant 8 : i32
      %mul3A_85 = arith.muli %scan3A_83, %mul3A : i32
      %add3A_86 = arith.constant 0 : i32
      %add3A_87 = arith.addi %mul3A_85, %add3A_86 : i32
      %get3A_88 = arith.index_cast %add3A_87 : i32 to index
      %get3A_89 = arith.constant 0 : index
      %get3A_90 = vector.load %arg15[%get3A_88, %get3A_89] : memref<10000x32xf32, #tpu.memory_space<vmem>>, vector<1x32xf32>
      %get3A_91 = arith.index_cast %add3A_87 : i32 to index
      %get3A_92 = arith.constant 0 : index
      %get3A_93 = vector.load %arg16[%get3A_91, %get3A_92] : memref<10000x32xf32, #tpu.memory_space<vmem>>, vector<1x32xf32>
      %get3A_94 = arith.index_cast %add3A_87 : i32 to index
      %get3A_95 = arith.constant 0 : index
      %get3A_96 = vector.load %arg17[%get3A_94, %get3A_95] : memref<10000x32xf32, #tpu.memory_space<vmem>>, vector<1x32xf32>
      %convert_element_type3A = arith.truncf %scan3A_84 : vector<1x32xf32> to vector<1x32xbf16>
      %dot_general3A_97 = arith.constant dense<0.000000e+00> : vector<1x32xf32>
      %dot_general3A_98 = tpu.matmul %convert_element_type3A, %get3A_65, %dot_general3A_97 {dimension_numbers = #tpu.dot_dimension_numbers<[1], [0], [0], [1], [0, 0, 1, 1], [], []>, transpose_lhs_hint = false} : vector<1x32xbf16>, vector<32x32xbf16>, vector<1x32xf32> -> vector<1x32xf32>
      %dot_general3A_99 = arith.constant dense<0.000000e+00> : vector<1x32xf32>
      %dot_general3A_100 = tpu.matmul %convert_element_type3A, %get3A_68, %dot_general3A_99 {dimension_numbers = #tpu.dot_dimension_numbers<[1], [0], [0], [1], [0, 0, 1, 1], [], []>, transpose_lhs_hint = false} : vector<1x32xbf16>, vector<32x32xbf16>, vector<1x32xf32> -> vector<1x32xf32>
      %dot_general3A_101 = arith.constant dense<0.000000e+00> : vector<1x32xf32>
      %dot_general3A_102 = tpu.matmul %convert_element_type3A, %get3A_71, %dot_general3A_101 {dimension_numbers = #tpu.dot_dimension_numbers<[1], [0], [0], [1], [0, 0, 1, 1], [], []>, transpose_lhs_hint = false} : vector<1x32xbf16>, vector<32x32xbf16>, vector<1x32xf32> -> vector<1x32xf32>
      %add3A_103 = arith.addf %get3A_90, %dot_general3A_98 : vector<1x32xf32>
      %tanh3A = math.tanh %add3A_103 : vector<1x32xf32>
      %add3A_104 = arith.addf %get3A_93, %dot_general3A_100 : vector<1x32xf32>
      %tanh3A_105 = math.tanh %add3A_104 : vector<1x32xf32>
      %add3A_106 = arith.constant 1.000000e+00 : f32
      %add3A_107 = vector.broadcast %add3A_106 : f32 to vector<1x32xf32>
      %add3A_108 = arith.addf %tanh3A_105, %add3A_107 : vector<1x32xf32>
      %add3A_109 = arith.addf %dot_general3A_102, %get3A_62 : vector<1x32xf32>
      %mul3A_110 = arith.mulf %add3A_108, %add3A_109 : vector<1x32xf32>
      %add3A_111 = arith.addf %get3A_96, %mul3A_110 : vector<1x32xf32>
      %tanh3A_112 = math.tanh %add3A_111 : vector<1x32xf32>
      %add3A_113 = arith.addf %scan3A_84, %tanh3A_112 : vector<1x32xf32>
      %sub3A = arith.subf %scan3A_84, %tanh3A_112 : vector<1x32xf32>
      %mul3A_114 = arith.mulf %tanh3A, %sub3A : vector<1x32xf32>
      %add3A_115 = arith.addf %add3A_113, %mul3A_114 : vector<1x32xf32>
      %mul3A_116 = arith.constant 5.000000e-01 : f32
      %mul3A_117 = vector.broadcast %mul3A_116 : f32 to vector<1x32xf32>
      %mul3A_118 = arith.mulf %mul3A_117, %add3A_115 : vector<1x32xf32>
      %mul3A_119 = arith.constant 8 : i32
      %mul3A_120 = arith.muli %scan3A_83, %mul3A_119 : i32
      %add3A_121 = arith.constant 1 : i32
      %add3A_122 = arith.addi %mul3A_120, %add3A_121 : i32
      %get3A_123 = arith.index_cast %add3A_122 : i32 to index
      %get3A_124 = arith.constant 0 : index
      %get3A_125 = vector.load %arg15[%get3A_123, %get3A_124] : memref<10000x32xf32, #tpu.memory_space<vmem>>, vector<1x32xf32>
      %get3A_126 = arith.index_cast %add3A_122 : i32 to index
      %get3A_127 = arith.constant 0 : index
      %get3A_128 = vector.load %arg16[%get3A_126, %get3A_127] : memref<10000x32xf32, #tpu.memory_space<vmem>>, vector<1x32xf32>
      %get3A_129 = arith.index_cast %add3A_122 : i32 to index
      %get3A_130 = arith.constant 0 : index
      %get3A_131 = vector.load %arg17[%get3A_129, %get3A_130] : memref<10000x32xf32, #tpu.memory_space<vmem>>, vector<1x32xf32>
      %convert_element_type3A_132 = arith.truncf %mul3A_118 : vector<1x32xf32> to vector<1x32xbf16>
      %dot_general3A_133 = arith.constant dense<0.000000e+00> : vector<1x32xf32>
      %dot_general3A_134 = tpu.matmul %convert_element_type3A_132, %get3A_65, %dot_general3A_133 {dimension_numbers = #tpu.dot_dimension_numbers<[1], [0], [0], [1], [0, 0, 1, 1], [], []>, transpose_lhs_hint = false} : vector<1x32xbf16>, vector<32x32xbf16>, vector<1x32xf32> -> vector<1x32xf32>
      %dot_general3A_135 = arith.constant dense<0.000000e+00> : vector<1x32xf32>
      %dot_general3A_136 = tpu.matmul %convert_element_type3A_132, %get3A_68, %dot_general3A_135 {dimension_numbers = #tpu.dot_dimension_numbers<[1], [0], [0], [1], [0, 0, 1, 1], [], []>, transpose_lhs_hint = false} : vector<1x32xbf16>, vector<32x32xbf16>, vector<1x32xf32> -> vector<1x32xf32>
      %dot_general3A_137 = arith.constant dense<0.000000e+00> : vector<1x32xf32>
      %dot_general3A_138 = tpu.matmul %convert_element_type3A_132, %get3A_71, %dot_general3A_137 {dimension_numbers = #tpu.dot_dimension_numbers<[1], [0], [0], [1], [0, 0, 1, 1], [], []>, transpose_lhs_hint = false} : vector<1x32xbf16>, vector<32x32xbf16>, vector<1x32xf32> -> vector<1x32xf32>
      %add3A_139 = arith.addf %get3A_125, %dot_general3A_134 : vector<1x32xf32>
      %tanh3A_140 = math.tanh %add3A_139 : vector<1x32xf32>
      %add3A_141 = arith.addf %get3A_128, %dot_general3A_136 : vector<1x32xf32>
      %tanh3A_142 = math.tanh %add3A_141 : vector<1x32xf32>
      %add3A_143 = arith.constant 1.000000e+00 : f32
      %add3A_144 = vector.broadcast %add3A_143 : f32 to vector<1x32xf32>
      %add3A_145 = arith.addf %tanh3A_142, %add3A_144 : vector<1x32xf32>
      %add3A_146 = arith.addf %dot_general3A_138, %get3A_62 : vector<1x32xf32>
      %mul3A_147 = arith.mulf %add3A_145, %add3A_146 : vector<1x32xf32>
      %add3A_148 = arith.addf %get3A_131, %mul3A_147 : vector<1x32xf32>
      %tanh3A_149 = math.tanh %add3A_148 : vector<1x32xf32>
      %add3A_150 = arith.addf %mul3A_118, %tanh3A_149 : vector<1x32xf32>
      %sub3A_151 = arith.subf %mul3A_118, %tanh3A_149 : vector<1x32xf32>
      %mul3A_152 = arith.mulf %tanh3A_140, %sub3A_151 : vector<1x32xf32>
      %add3A_153 = arith.addf %add3A_150, %mul3A_152 : vector<1x32xf32>
      %mul3A_154 = arith.constant 5.000000e-01 : f32
      %mul3A_155 = vector.broadcast %mul3A_154 : f32 to vector<1x32xf32>
      %mul3A_156 = arith.mulf %mul3A_155, %add3A_153 : vector<1x32xf32>
      %mul3A_157 = arith.constant 8 : i32
      %mul3A_158 = arith.muli %scan3A_83, %mul3A_157 : i32
      %add3A_159 = arith.constant 2 : i32
      %add3A_160 = arith.addi %mul3A_158, %add3A_159 : i32
      %get3A_161 = arith.index_cast %add3A_160 : i32 to index
      %get3A_162 = arith.constant 0 : index
      %get3A_163 = vector.load %arg15[%get3A_161, %get3A_162] : memref<10000x32xf32, #tpu.memory_space<vmem>>, vector<1x32xf32>
      %get3A_164 = arith.index_cast %add3A_160 : i32 to index
      %get3A_165 = arith.constant 0 : index
      %get3A_166 = vector.load %arg16[%get3A_164, %get3A_165] : memref<10000x32xf32, #tpu.memory_space<vmem>>, vector<1x32xf32>
      %get3A_167 = arith.index_cast %add3A_160 : i32 to index
      %get3A_168 = arith.constant 0 : index
      %get3A_169 = vector.load %arg17[%get3A_167, %get3A_168] : memref<10000x32xf32, #tpu.memory_space<vmem>>, vector<1x32xf32>
      %convert_element_type3A_170 = arith.truncf %mul3A_156 : vector<1x32xf32> to vector<1x32xbf16>
      %dot_general3A_171 = arith.constant dense<0.000000e+00> : vector<1x32xf32>
      %dot_general3A_172 = tpu.matmul %convert_element_type3A_170, %get3A_65, %dot_general3A_171 {dimension_numbers = #tpu.dot_dimension_numbers<[1], [0], [0], [1], [0, 0, 1, 1], [], []>, transpose_lhs_hint = false} : vector<1x32xbf16>, vector<32x32xbf16>, vector<1x32xf32> -> vector<1x32xf32>
      %dot_general3A_173 = arith.constant dense<0.000000e+00> : vector<1x32xf32>
      %dot_general3A_174 = tpu.matmul %convert_element_type3A_170, %get3A_68, %dot_general3A_173 {dimension_numbers = #tpu.dot_dimension_numbers<[1], [0], [0], [1], [0, 0, 1, 1], [], []>, transpose_lhs_hint = false} : vector<1x32xbf16>, vector<32x32xbf16>, vector<1x32xf32> -> vector<1x32xf32>
      %dot_general3A_175 = arith.constant dense<0.000000e+00> : vector<1x32xf32>
      %dot_general3A_176 = tpu.matmul %convert_element_type3A_170, %get3A_71, %dot_general3A_175 {dimension_numbers = #tpu.dot_dimension_numbers<[1], [0], [0], [1], [0, 0, 1, 1], [], []>, transpose_lhs_hint = false} : vector<1x32xbf16>, vector<32x32xbf16>, vector<1x32xf32> -> vector<1x32xf32>
      %add3A_177 = arith.addf %get3A_163, %dot_general3A_172 : vector<1x32xf32>
      %tanh3A_178 = math.tanh %add3A_177 : vector<1x32xf32>
      %add3A_179 = arith.addf %get3A_166, %dot_general3A_174 : vector<1x32xf32>
      %tanh3A_180 = math.tanh %add3A_179 : vector<1x32xf32>
      %add3A_181 = arith.constant 1.000000e+00 : f32
      %add3A_182 = vector.broadcast %add3A_181 : f32 to vector<1x32xf32>
      %add3A_183 = arith.addf %tanh3A_180, %add3A_182 : vector<1x32xf32>
      %add3A_184 = arith.addf %dot_general3A_176, %get3A_62 : vector<1x32xf32>
      %mul3A_185 = arith.mulf %add3A_183, %add3A_184 : vector<1x32xf32>
      %add3A_186 = arith.addf %get3A_169, %mul3A_185 : vector<1x32xf32>
      %tanh3A_187 = math.tanh %add3A_186 : vector<1x32xf32>
      %add3A_188 = arith.addf %mul3A_156, %tanh3A_187 : vector<1x32xf32>
      %sub3A_189 = arith.subf %mul3A_156, %tanh3A_187 : vector<1x32xf32>
      %mul3A_190 = arith.mulf %tanh3A_178, %sub3A_189 : vector<1x32xf32>
      %add3A_191 = arith.addf %add3A_188, %mul3A_190 : vector<1x32xf32>
      %mul3A_192 = arith.constant 5.000000e-01 : f32
      %mul3A_193 = vector.broadcast %mul3A_192 : f32 to vector<1x32xf32>
      %mul3A_194 = arith.mulf %mul3A_193, %add3A_191 : vector<1x32xf32>
      %mul3A_195 = arith.constant 8 : i32
      %mul3A_196 = arith.muli %scan3A_83, %mul3A_195 : i32
      %add3A_197 = arith.constant 3 : i32
      %add3A_198 = arith.addi %mul3A_196, %add3A_197 : i32
      %get3A_199 = arith.index_cast %add3A_198 : i32 to index
      %get3A_200 = arith.constant 0 : index
      %get3A_201 = vector.load %arg15[%get3A_199, %get3A_200] : memref<10000x32xf32, #tpu.memory_space<vmem>>, vector<1x32xf32>
      %get3A_202 = arith.index_cast %add3A_198 : i32 to index
      %get3A_203 = arith.constant 0 : index
      %get3A_204 = vector.load %arg16[%get3A_202, %get3A_203] : memref<10000x32xf32, #tpu.memory_space<vmem>>, vector<1x32xf32>
      %get3A_205 = arith.index_cast %add3A_198 : i32 to index
      %get3A_206 = arith.constant 0 : index
      %get3A_207 = vector.load %arg17[%get3A_205, %get3A_206] : memref<10000x32xf32, #tpu.memory_space<vmem>>, vector<1x32xf32>
      %convert_element_type3A_208 = arith.truncf %mul3A_194 : vector<1x32xf32> to vector<1x32xbf16>
      %dot_general3A_209 = arith.constant dense<0.000000e+00> : vector<1x32xf32>
      %dot_general3A_210 = tpu.matmul %convert_element_type3A_208, %get3A_65, %dot_general3A_209 {dimension_numbers = #tpu.dot_dimension_numbers<[1], [0], [0], [1], [0, 0, 1, 1], [], []>, transpose_lhs_hint = false} : vector<1x32xbf16>, vector<32x32xbf16>, vector<1x32xf32> -> vector<1x32xf32>
      %dot_general3A_211 = arith.constant dense<0.000000e+00> : vector<1x32xf32>
      %dot_general3A_212 = tpu.matmul %convert_element_type3A_208, %get3A_68, %dot_general3A_211 {dimension_numbers = #tpu.dot_dimension_numbers<[1], [0], [0], [1], [0, 0, 1, 1], [], []>, transpose_lhs_hint = false} : vector<1x32xbf16>, vector<32x32xbf16>, vector<1x32xf32> -> vector<1x32xf32>
      %dot_general3A_213 = arith.constant dense<0.000000e+00> : vector<1x32xf32>
      %dot_general3A_214 = tpu.matmul %convert_element_type3A_208, %get3A_71, %dot_general3A_213 {dimension_numbers = #tpu.dot_dimension_numbers<[1], [0], [0], [1], [0, 0, 1, 1], [], []>, transpose_lhs_hint = false} : vector<1x32xbf16>, vector<32x32xbf16>, vector<1x32xf32> -> vector<1x32xf32>
      %add3A_215 = arith.addf %get3A_201, %dot_general3A_210 : vector<1x32xf32>
      %tanh3A_216 = math.tanh %add3A_215 : vector<1x32xf32>
      %add3A_217 = arith.addf %get3A_204, %dot_general3A_212 : vector<1x32xf32>
      %tanh3A_218 = math.tanh %add3A_217 : vector<1x32xf32>
      %add3A_219 = arith.constant 1.000000e+00 : f32
      %add3A_220 = vector.broadcast %add3A_219 : f32 to vector<1x32xf32>
      %add3A_221 = arith.addf %tanh3A_218, %add3A_220 : vector<1x32xf32>
      %add3A_222 = arith.addf %dot_general3A_214, %get3A_62 : vector<1x32xf32>
      %mul3A_223 = arith.mulf %add3A_221, %add3A_222 : vector<1x32xf32>
      %add3A_224 = arith.addf %get3A_207, %mul3A_223 : vector<1x32xf32>
      %tanh3A_225 = math.tanh %add3A_224 : vector<1x32xf32>
      %add3A_226 = arith.addf %mul3A_194, %tanh3A_225 : vector<1x32xf32>
      %sub3A_227 = arith.subf %mul3A_194, %tanh3A_225 : vector<1x32xf32>
      %mul3A_228 = arith.mulf %tanh3A_216, %sub3A_227 : vector<1x32xf32>
      %add3A_229 = arith.addf %add3A_226, %mul3A_228 : vector<1x32xf32>
      %mul3A_230 = arith.constant 5.000000e-01 : f32
      %mul3A_231 = vector.broadcast %mul3A_230 : f32 to vector<1x32xf32>
      %mul3A_232 = arith.mulf %mul3A_231, %add3A_229 : vector<1x32xf32>
      %mul3A_233 = arith.constant 8 : i32
      %mul3A_234 = arith.muli %scan3A_83, %mul3A_233 : i32
      %add3A_235 = arith.constant 4 : i32
      %add3A_236 = arith.addi %mul3A_234, %add3A_235 : i32
      %get3A_237 = arith.index_cast %add3A_236 : i32 to index
      %get3A_238 = arith.constant 0 : index
      %get3A_239 = vector.load %arg15[%get3A_237, %get3A_238] : memref<10000x32xf32, #tpu.memory_space<vmem>>, vector<1x32xf32>
      %get3A_240 = arith.index_cast %add3A_236 : i32 to index
      %get3A_241 = arith.constant 0 : index
      %get3A_242 = vector.load %arg16[%get3A_240, %get3A_241] : memref<10000x32xf32, #tpu.memory_space<vmem>>, vector<1x32xf32>
      %get3A_243 = arith.index_cast %add3A_236 : i32 to index
      %get3A_244 = arith.constant 0 : index
      %get3A_245 = vector.load %arg17[%get3A_243, %get3A_244] : memref<10000x32xf32, #tpu.memory_space<vmem>>, vector<1x32xf32>
      %convert_element_type3A_246 = arith.truncf %mul3A_232 : vector<1x32xf32> to vector<1x32xbf16>
      %dot_general3A_247 = arith.constant dense<0.000000e+00> : vector<1x32xf32>
      %dot_general3A_248 = tpu.matmul %convert_element_type3A_246, %get3A_65, %dot_general3A_247 {dimension_numbers = #tpu.dot_dimension_numbers<[1], [0], [0], [1], [0, 0, 1, 1], [], []>, transpose_lhs_hint = false} : vector<1x32xbf16>, vector<32x32xbf16>, vector<1x32xf32> -> vector<1x32xf32>
      %dot_general3A_249 = arith.constant dense<0.000000e+00> : vector<1x32xf32>
      %dot_general3A_250 = tpu.matmul %convert_element_type3A_246, %get3A_68, %dot_general3A_249 {dimension_numbers = #tpu.dot_dimension_numbers<[1], [0], [0], [1], [0, 0, 1, 1], [], []>, transpose_lhs_hint = false} : vector<1x32xbf16>, vector<32x32xbf16>, vector<1x32xf32> -> vector<1x32xf32>
      %dot_general3A_251 = arith.constant dense<0.000000e+00> : vector<1x32xf32>
      %dot_general3A_252 = tpu.matmul %convert_element_type3A_246, %get3A_71, %dot_general3A_251 {dimension_numbers = #tpu.dot_dimension_numbers<[1], [0], [0], [1], [0, 0, 1, 1], [], []>, transpose_lhs_hint = false} : vector<1x32xbf16>, vector<32x32xbf16>, vector<1x32xf32> -> vector<1x32xf32>
      %add3A_253 = arith.addf %get3A_239, %dot_general3A_248 : vector<1x32xf32>
      %tanh3A_254 = math.tanh %add3A_253 : vector<1x32xf32>
      %add3A_255 = arith.addf %get3A_242, %dot_general3A_250 : vector<1x32xf32>
      %tanh3A_256 = math.tanh %add3A_255 : vector<1x32xf32>
      %add3A_257 = arith.constant 1.000000e+00 : f32
      %add3A_258 = vector.broadcast %add3A_257 : f32 to vector<1x32xf32>
      %add3A_259 = arith.addf %tanh3A_256, %add3A_258 : vector<1x32xf32>
      %add3A_260 = arith.addf %dot_general3A_252, %get3A_62 : vector<1x32xf32>
      %mul3A_261 = arith.mulf %add3A_259, %add3A_260 : vector<1x32xf32>
      %add3A_262 = arith.addf %get3A_245, %mul3A_261 : vector<1x32xf32>
      %tanh3A_263 = math.tanh %add3A_262 : vector<1x32xf32>
      %add3A_264 = arith.addf %mul3A_232, %tanh3A_263 : vector<1x32xf32>
      %sub3A_265 = arith.subf %mul3A_232, %tanh3A_263 : vector<1x32xf32>
      %mul3A_266 = arith.mulf %tanh3A_254, %sub3A_265 : vector<1x32xf32>
      %add3A_267 = arith.addf %add3A_264, %mul3A_266 : vector<1x32xf32>
      %mul3A_268 = arith.constant 5.000000e-01 : f32
      %mul3A_269 = vector.broadcast %mul3A_268 : f32 to vector<1x32xf32>
      %mul3A_270 = arith.mulf %mul3A_269, %add3A_267 : vector<1x32xf32>
      %mul3A_271 = arith.constant 8 : i32
      %mul3A_272 = arith.muli %scan3A_83, %mul3A_271 : i32
      %add3A_273 = arith.constant 5 : i32
      %add3A_274 = arith.addi %mul3A_272, %add3A_273 : i32
      %get3A_275 = arith.index_cast %add3A_274 : i32 to index
      %get3A_276 = arith.constant 0 : index
      %get3A_277 = vector.load %arg15[%get3A_275, %get3A_276] : memref<10000x32xf32, #tpu.memory_space<vmem>>, vector<1x32xf32>
      %get3A_278 = arith.index_cast %add3A_274 : i32 to index
      %get3A_279 = arith.constant 0 : index
      %get3A_280 = vector.load %arg16[%get3A_278, %get3A_279] : memref<10000x32xf32, #tpu.memory_space<vmem>>, vector<1x32xf32>
      %get3A_281 = arith.index_cast %add3A_274 : i32 to index
      %get3A_282 = arith.constant 0 : index
      %get3A_283 = vector.load %arg17[%get3A_281, %get3A_282] : memref<10000x32xf32, #tpu.memory_space<vmem>>, vector<1x32xf32>
      %convert_element_type3A_284 = arith.truncf %mul3A_270 : vector<1x32xf32> to vector<1x32xbf16>
      %dot_general3A_285 = arith.constant dense<0.000000e+00> : vector<1x32xf32>
      %dot_general3A_286 = tpu.matmul %convert_element_type3A_284, %get3A_65, %dot_general3A_285 {dimension_numbers = #tpu.dot_dimension_numbers<[1], [0], [0], [1], [0, 0, 1, 1], [], []>, transpose_lhs_hint = false} : vector<1x32xbf16>, vector<32x32xbf16>, vector<1x32xf32> -> vector<1x32xf32>
      %dot_general3A_287 = arith.constant dense<0.000000e+00> : vector<1x32xf32>
      %dot_general3A_288 = tpu.matmul %convert_element_type3A_284, %get3A_68, %dot_general3A_287 {dimension_numbers = #tpu.dot_dimension_numbers<[1], [0], [0], [1], [0, 0, 1, 1], [], []>, transpose_lhs_hint = false} : vector<1x32xbf16>, vector<32x32xbf16>, vector<1x32xf32> -> vector<1x32xf32>
      %dot_general3A_289 = arith.constant dense<0.000000e+00> : vector<1x32xf32>
      %dot_general3A_290 = tpu.matmul %convert_element_type3A_284, %get3A_71, %dot_general3A_289 {dimension_numbers = #tpu.dot_dimension_numbers<[1], [0], [0], [1], [0, 0, 1, 1], [], []>, transpose_lhs_hint = false} : vector<1x32xbf16>, vector<32x32xbf16>, vector<1x32xf32> -> vector<1x32xf32>
      %add3A_291 = arith.addf %get3A_277, %dot_general3A_286 : vector<1x32xf32>
      %tanh3A_292 = math.tanh %add3A_291 : vector<1x32xf32>
      %add3A_293 = arith.addf %get3A_280, %dot_general3A_288 : vector<1x32xf32>
      %tanh3A_294 = math.tanh %add3A_293 : vector<1x32xf32>
      %add3A_295 = arith.constant 1.000000e+00 : f32
      %add3A_296 = vector.broadcast %add3A_295 : f32 to vector<1x32xf32>
      %add3A_297 = arith.addf %tanh3A_294, %add3A_296 : vector<1x32xf32>
      %add3A_298 = arith.addf %dot_general3A_290, %get3A_62 : vector<1x32xf32>
      %mul3A_299 = arith.mulf %add3A_297, %add3A_298 : vector<1x32xf32>
      %add3A_300 = arith.addf %get3A_283, %mul3A_299 : vector<1x32xf32>
      %tanh3A_301 = math.tanh %add3A_300 : vector<1x32xf32>
      %add3A_302 = arith.addf %mul3A_270, %tanh3A_301 : vector<1x32xf32>
      %sub3A_303 = arith.subf %mul3A_270, %tanh3A_301 : vector<1x32xf32>
      %mul3A_304 = arith.mulf %tanh3A_292, %sub3A_303 : vector<1x32xf32>
      %add3A_305 = arith.addf %add3A_302, %mul3A_304 : vector<1x32xf32>
      %mul3A_306 = arith.constant 5.000000e-01 : f32
      %mul3A_307 = vector.broadcast %mul3A_306 : f32 to vector<1x32xf32>
      %mul3A_308 = arith.mulf %mul3A_307, %add3A_305 : vector<1x32xf32>
      %mul3A_309 = arith.constant 8 : i32
      %mul3A_310 = arith.muli %scan3A_83, %mul3A_309 : i32
      %add3A_311 = arith.constant 6 : i32
      %add3A_312 = arith.addi %mul3A_310, %add3A_311 : i32
      %get3A_313 = arith.index_cast %add3A_312 : i32 to index
      %get3A_314 = arith.constant 0 : index
      %get3A_315 = vector.load %arg15[%get3A_313, %get3A_314] : memref<10000x32xf32, #tpu.memory_space<vmem>>, vector<1x32xf32>
      %get3A_316 = arith.index_cast %add3A_312 : i32 to index
      %get3A_317 = arith.constant 0 : index
      %get3A_318 = vector.load %arg16[%get3A_316, %get3A_317] : memref<10000x32xf32, #tpu.memory_space<vmem>>, vector<1x32xf32>
      %get3A_319 = arith.index_cast %add3A_312 : i32 to index
      %get3A_320 = arith.constant 0 : index
      %get3A_321 = vector.load %arg17[%get3A_319, %get3A_320] : memref<10000x32xf32, #tpu.memory_space<vmem>>, vector<1x32xf32>
      %convert_element_type3A_322 = arith.truncf %mul3A_308 : vector<1x32xf32> to vector<1x32xbf16>
      %dot_general3A_323 = arith.constant dense<0.000000e+00> : vector<1x32xf32>
      %dot_general3A_324 = tpu.matmul %convert_element_type3A_322, %get3A_65, %dot_general3A_323 {dimension_numbers = #tpu.dot_dimension_numbers<[1], [0], [0], [1], [0, 0, 1, 1], [], []>, transpose_lhs_hint = false} : vector<1x32xbf16>, vector<32x32xbf16>, vector<1x32xf32> -> vector<1x32xf32>
      %dot_general3A_325 = arith.constant dense<0.000000e+00> : vector<1x32xf32>
      %dot_general3A_326 = tpu.matmul %convert_element_type3A_322, %get3A_68, %dot_general3A_325 {dimension_numbers = #tpu.dot_dimension_numbers<[1], [0], [0], [1], [0, 0, 1, 1], [], []>, transpose_lhs_hint = false} : vector<1x32xbf16>, vector<32x32xbf16>, vector<1x32xf32> -> vector<1x32xf32>
      %dot_general3A_327 = arith.constant dense<0.000000e+00> : vector<1x32xf32>
      %dot_general3A_328 = tpu.matmul %convert_element_type3A_322, %get3A_71, %dot_general3A_327 {dimension_numbers = #tpu.dot_dimension_numbers<[1], [0], [0], [1], [0, 0, 1, 1], [], []>, transpose_lhs_hint = false} : vector<1x32xbf16>, vector<32x32xbf16>, vector<1x32xf32> -> vector<1x32xf32>
      %add3A_329 = arith.addf %get3A_315, %dot_general3A_324 : vector<1x32xf32>
      %tanh3A_330 = math.tanh %add3A_329 : vector<1x32xf32>
      %add3A_331 = arith.addf %get3A_318, %dot_general3A_326 : vector<1x32xf32>
      %tanh3A_332 = math.tanh %add3A_331 : vector<1x32xf32>
      %add3A_333 = arith.constant 1.000000e+00 : f32
      %add3A_334 = vector.broadcast %add3A_333 : f32 to vector<1x32xf32>
      %add3A_335 = arith.addf %tanh3A_332, %add3A_334 : vector<1x32xf32>
      %add3A_336 = arith.addf %dot_general3A_328, %get3A_62 : vector<1x32xf32>
      %mul3A_337 = arith.mulf %add3A_335, %add3A_336 : vector<1x32xf32>
      %add3A_338 = arith.addf %get3A_321, %mul3A_337 : vector<1x32xf32>
      %tanh3A_339 = math.tanh %add3A_338 : vector<1x32xf32>
      %add3A_340 = arith.addf %mul3A_308, %tanh3A_339 : vector<1x32xf32>
      %sub3A_341 = arith.subf %mul3A_308, %tanh3A_339 : vector<1x32xf32>
      %mul3A_342 = arith.mulf %tanh3A_330, %sub3A_341 : vector<1x32xf32>
      %add3A_343 = arith.addf %add3A_340, %mul3A_342 : vector<1x32xf32>
      %mul3A_344 = arith.constant 5.000000e-01 : f32
      %mul3A_345 = vector.broadcast %mul3A_344 : f32 to vector<1x32xf32>
      %mul3A_346 = arith.mulf %mul3A_345, %add3A_343 : vector<1x32xf32>
      %mul3A_347 = arith.constant 8 : i32
      %mul3A_348 = arith.muli %scan3A_83, %mul3A_347 : i32
      %add3A_349 = arith.constant 7 : i32
      %add3A_350 = arith.addi %mul3A_348, %add3A_349 : i32
      %get3A_351 = arith.index_cast %add3A_350 : i32 to index
      %get3A_352 = arith.constant 0 : index
      %get3A_353 = vector.load %arg15[%get3A_351, %get3A_352] : memref<10000x32xf32, #tpu.memory_space<vmem>>, vector<1x32xf32>
      %get3A_354 = arith.index_cast %add3A_350 : i32 to index
      %get3A_355 = arith.constant 0 : index
      %get3A_356 = vector.load %arg16[%get3A_354, %get3A_355] : memref<10000x32xf32, #tpu.memory_space<vmem>>, vector<1x32xf32>
      %get3A_357 = arith.index_cast %add3A_350 : i32 to index
      %get3A_358 = arith.constant 0 : index
      %get3A_359 = vector.load %arg17[%get3A_357, %get3A_358] : memref<10000x32xf32, #tpu.memory_space<vmem>>, vector<1x32xf32>
      %convert_element_type3A_360 = arith.truncf %mul3A_346 : vector<1x32xf32> to vector<1x32xbf16>
      %dot_general3A_361 = arith.constant dense<0.000000e+00> : vector<1x32xf32>
      %dot_general3A_362 = tpu.matmul %convert_element_type3A_360, %get3A_65, %dot_general3A_361 {dimension_numbers = #tpu.dot_dimension_numbers<[1], [0], [0], [1], [0, 0, 1, 1], [], []>, transpose_lhs_hint = false} : vector<1x32xbf16>, vector<32x32xbf16>, vector<1x32xf32> -> vector<1x32xf32>
      %dot_general3A_363 = arith.constant dense<0.000000e+00> : vector<1x32xf32>
      %dot_general3A_364 = tpu.matmul %convert_element_type3A_360, %get3A_68, %dot_general3A_363 {dimension_numbers = #tpu.dot_dimension_numbers<[1], [0], [0], [1], [0, 0, 1, 1], [], []>, transpose_lhs_hint = false} : vector<1x32xbf16>, vector<32x32xbf16>, vector<1x32xf32> -> vector<1x32xf32>
      %dot_general3A_365 = arith.constant dense<0.000000e+00> : vector<1x32xf32>
      %dot_general3A_366 = tpu.matmul %convert_element_type3A_360, %get3A_71, %dot_general3A_365 {dimension_numbers = #tpu.dot_dimension_numbers<[1], [0], [0], [1], [0, 0, 1, 1], [], []>, transpose_lhs_hint = false} : vector<1x32xbf16>, vector<32x32xbf16>, vector<1x32xf32> -> vector<1x32xf32>
      %add3A_367 = arith.addf %get3A_353, %dot_general3A_362 : vector<1x32xf32>
      %tanh3A_368 = math.tanh %add3A_367 : vector<1x32xf32>
      %add3A_369 = arith.addf %get3A_356, %dot_general3A_364 : vector<1x32xf32>
      %tanh3A_370 = math.tanh %add3A_369 : vector<1x32xf32>
      %add3A_371 = arith.constant 1.000000e+00 : f32
      %add3A_372 = vector.broadcast %add3A_371 : f32 to vector<1x32xf32>
      %add3A_373 = arith.addf %tanh3A_370, %add3A_372 : vector<1x32xf32>
      %add3A_374 = arith.addf %dot_general3A_366, %get3A_62 : vector<1x32xf32>
      %mul3A_375 = arith.mulf %add3A_373, %add3A_374 : vector<1x32xf32>
      %add3A_376 = arith.addf %get3A_359, %mul3A_375 : vector<1x32xf32>
      %tanh3A_377 = math.tanh %add3A_376 : vector<1x32xf32>
      %add3A_378 = arith.addf %mul3A_346, %tanh3A_377 : vector<1x32xf32>
      %sub3A_379 = arith.subf %mul3A_346, %tanh3A_377 : vector<1x32xf32>
      %mul3A_380 = arith.mulf %tanh3A_368, %sub3A_379 : vector<1x32xf32>
      %add3A_381 = arith.addf %add3A_378, %mul3A_380 : vector<1x32xf32>
      %mul3A_382 = arith.constant 5.000000e-01 : f32
      %mul3A_383 = vector.broadcast %mul3A_382 : f32 to vector<1x32xf32>
      %mul3A_384 = arith.mulf %mul3A_383, %add3A_381 : vector<1x32xf32>
      scf.yield %mul3A_384 : vector<1x32xf32>
    }
    %scan3A_79 = arith.constant 1250 : i32
    %swap3A_80 = arith.constant 0 : index
    %swap3A_81 = arith.constant 0 : index
    %swap3A_82 = vector.load %arg14[%swap3A_80, %swap3A_81] : memref<1x32xf32, #tpu.memory_space<vmem>>, vector<1x32xf32>
    tpu.vector_store %arg14[%swap3A_80, %swap3A_81], %scan3A_78 {strides = array<i32>} : memref<1x32xf32, #tpu.memory_space<vmem>>, vector<1x32xf32>,
    return
  }
  func.func @transform_0(%arg0: i32) -> (i32, i32, i32) {
    %c0_i32 = arith.constant 0 : i32
    %c0_i32_0 = arith.constant 0 : i32
    %c0_i32_1 = arith.constant 0 : i32
    %c0_i32_2 = arith.constant 0 : i32
    return %c0_i32, %c0_i32_0, %c0_i32_1 : i32, i32, i32
  }
  func.func @transform_1(%arg0: i32) -> (i32, i32, i32) {
    %c0_i32 = arith.constant 0 : i32
    %c0_i32_0 = arith.constant 0 : i32
    %c0_i32_1 = arith.constant 0 : i32
    %c0_i32_2 = arith.constant 0 : i32
    return %c0_i32, %c0_i32_0, %c0_i32_1 : i32, i32, i32
  }
  func.func @transform_2(%arg0: i32) -> (i32, i32) {
    %c0_i32 = arith.constant 0 : i32
    %c0_i32_0 = arith.constant 0 : i32
    %c0_i32_1 = arith.constant 0 : i32
    return %c0_i32, %c0_i32_0 : i32, i32
  }
  func.func @transform_3(%arg0: i32) -> (i32, i32) {
    %c0_i32 = arith.constant 0 : i32
    %c0_i32_0 = arith.constant 0 : i32
    %c0_i32_1 = arith.constant 0 : i32
    return %c0_i32, %c0_i32_0 : i32, i32
  }
  func.func @transform_4(%arg0: i32) -> (i32, i32) {
    %c0_i32 = arith.constant 0 : i32
    %c0_i32_0 = arith.constant 0 : i32
    %c0_i32_1 = arith.constant 0 : i32
    return %c0_i32, %c0_i32_0 : i32, i32
  }
  func.func @transform_5(%arg0: i32) -> (i32, i32) {
    %c0_i32 = arith.constant 0 : i32
    %c0_i32_0 = arith.constant 0 : i32
    %c0_i32_1 = arith.constant 0 : i32
    return %c0_i32, %c0_i32_0 : i32, i32
  }
  func.func @transform_6(%arg0: i32) -> (i32, i32) {
    %c0_i32 = arith.constant 0 : i32
    %c0_i32_0 = arith.constant 0 : i32
    %c0_i32_1 = arith.constant 0 : i32
    return %c0_i32, %c0_i32_0 : i32, i32
  }
  func.func @transform_7(%arg0: i32) -> (i32, i32) {
    %c0_i32 = arith.constant 0 : i32
    %c0_i32_0 = arith.constant 0 : i32
    %c0_i32_1 = arith.constant 0 : i32
    return %c0_i32, %c0_i32_0 : i32, i32
  }
  func.func @transform_8(%arg0: i32) -> (i32, i32) {
    %c0_i32 = arith.constant 0 : i32
    %c0_i32_0 = arith.constant 0 : i32
    %c0_i32_1 = arith.constant 0 : i32
    return %c0_i32, %c0_i32_0 : i32, i32
  }
  func.func @transform_9(%arg0: i32) -> (i32, i32) {
    %c0_i32 = arith.constant 0 : i32
    %c0_i32_0 = arith.constant 0 : i32
    %c0_i32_1 = arith.constant 0 : i32
    return %c0_i32, %c0_i32_0 : i32, i32
  }
  func.func @transform_10(%arg0: i32) -> (i32, i32) {
    %c0_i32 = arith.constant 0 : i32
    %c0_i32_0 = arith.constant 0 : i32
    %c0_i32_1 = arith.constant 0 : i32
    return %c0_i32, %c0_i32_0 : i32, i32
  }
  func.func @transform_11(%arg0: i32) -> (i32, i32) {
    %c0_i32 = arith.constant 0 : i32
    %c0_i32_0 = arith.constant 0 : i32
    %c0_i32_1 = arith.constant 0 : i32
    return %c0_i32, %c0_i32_0 : i32, i32
  }
  func.func @transform_12(%arg0: i32) -> (i32, i32) {
    %c0_i32 = arith.constant 0 : i32
    %c0_i32_0 = arith.constant 0 : i32
    %c0_i32_1 = arith.constant 0 : i32
    return %c0_i32, %c0_i32_0 : i32, i32
  }
  func.func @transform_13(%arg0: i32) -> (i32, i32) {
    %c0_i32 = arith.constant 0 : i32
    %c0_i32_0 = arith.constant 0 : i32
    %c0_i32_1 = arith.constant 0 : i32
    return %c0_i32, %c0_i32_0 : i32, i32
  }
}

</mosaic_0001>

<sc_bundles>
// kernel: kernel.11.cloned.1.call-start
scs
__scs_entry_jumppad:
0x0: {  	(pc) =	sbr.rel $0x88, $3  }
0x1: {  	(tag) =	ssettag $0x0;
	lr =	simm.s32 $0x1  }
0x2: {  	[smem:$0x3F96] =	sst lr;
	_ =	strace $0xD0000000  }
0x3: {  	_ = 	snop  }
0x4: {  	_ = 	snop  }
0x5: {  	_ = 	snop  }
0x6: {  	_ = 	snop  }
0x7: {  	_ = 	snop  }
__scs_overlays_trampoline_lowered:
0x8: {  	[smem:$0x3FA5] =	sst s0  }
0x9: {  	[smem:$0x3FA6] =	sst s1  }
0xa: {  	[smem:$0x3FA7] =	sst s2  }
0xb: {  	[smem:$0x3FA8] =	sst s3  }
0xc: {  	[smem:$0x3FA9] =	sst s4  }
0xd: {  	[smem:$0x3FAA] =	sst s5  }
0xe: {  	[smem:$0x3FAB] =	sst s6  }
0xf: {  	[smem:$0x3FAC] =	sst s7  }
0x10: {  	[smem:$0x3FAD] =	sst s8  }
0x11: {  	[smem:$0x3FAE] =	sst s9;
	s0 =	simm.s32 @!p0 $0x0  }
0x12: {  	s1 =	sld [smem:$0x3F94];
	s0 =	simm.s32 @p0 $0x1  }
0x13: {  	[smem:$0x3FAF] =	sst s0;
	s0 =	simm.s32 @!p1 $0x0  }
0x14: {  	s2 =	sld [smem:$0x3F93];
	s0 =	simm.s32 @p1 $0x1  }
0x15: {  	[smem:$0x3FB0] =	sst s0;
	s0 =	simm.s32 @!p2 $0x0  }
0x16: {  	s3 =	sld [smem:$0x3FDB];
	s0 =	simm.s32 @p2 $0x1  }
0x17: {  	s4 =	simm.s32 $0x1BF5;
	[smem:$0x3FB2] =	sst s0  }
0x18: {  	s0 =	sld [smem:$0x3F95];
	_ =	swait.ge [sflag:s4], $0x0  }
0x19: {  	s7 =	sld [smem:$0x3F96]  }
0x1a: {  	s8 =	sadd.s32 $0xFFFFE003, lr  }
0x1b: {  	s9 =	sadd.s32 $0xFFFFFEF7, lr;
	s5 =	simm.s32 $0xFFFFFFFF;
	p2 =	slt.u32 s8, $0xFFFFF086  }
0x1c: {  	p1 =	slt.u32 s9, $0xF7A;
	s5 =	simm.s32 @!p2 $0x0  }
0x1d: {  	s5 =	simm.s32 @p1 $0x1;
	p0 =	seq.s32 s7, s2  }
0x1e: {  	s7 =	smul.u32 @!p0 $0xF7A, s2;
	p2 =	seq.s32 @!p0 s5, $0x0  }
0x1f: {  	s9 =	smul.u32 $0xF7A, s1;
	s8 =	simm.s32 @!p0 $0x1BF5;
	p2 =	por !p2, p0  }
0x20: {  	[sflag:s8] =	ssyncset.s32 @!p0 $0xFFFFF086;
	s6 =	sadd.s32 @!p0 s3, s7;
	s7 =	simm.s32 @!p0 $0x108  }
0x21: {  	s3 =	sadd.s32 s3, s9;
	s6 =	sadd.s32 @!p0 $0x88, s6;
	s7 =	simm.s32 @p2 $0x1082  }
0x22: {  	[simem:s7], [sflag:s8] =	dma.local @!p0 [hbm:s6], $0xF7A  }
0x23: {  	s9 =	sor.u32 $0xD0000000, s2;
	s6 =	simm.s32 $0x108;
	_ =	swait.ge @!p0 [sflag:s8], $0x0  }
0x24: {  	s3 =	sadd.s32 $0x88, s3;
	s6 =	simm.s32 @!p1 $0x1082;
	[sflag:s4] =	ssyncset.s32 $0xFFFFF086  }
0x25: {  	[simem:s6], [sflag:s4] =	dma.local [hbm:s3], $0xF7A  }
0x26: {  	[smem:$0x3F96] =	sst s1;
	(tag) =	ssettag s2;
	_ =	strace s9  }
0x27: {  	s1 =	sld [smem:$0x3FA6]  }
0x28: {  	s2 =	sld [smem:$0x3FA7]  }
0x29: {  	s4 =	sld [smem:$0x3FA9]  }
0x2a: {  	p0 =	seq.s32 s5, $0x0;
	s5 =	sld [smem:$0x3FAA]  }
0x2b: {  	s6 =	sld [smem:$0x3FAB]  }
0x2c: {  	s7 =	sld [smem:$0x3FAC]  }
0x2d: {  	s3 =	simm.s32 $0x108;
	s8 =	sld [smem:$0x3FAD]  }
0x2e: {  	s3 =	simm.s32 @!p0 $0x1082;
	s9 =	sld [smem:$0x3FAE]  }
0x2f: {  	lr =	sadd.s32 s0, s3;
	s0 =	sld [smem:$0x3FA5]  }
0x30: {  	s3 =	sld [smem:$0x3FA8]  }
0x31: {  	[smem:$0x3FB1] =	sst s10  }
0x32: {  	s10 =	sld [smem:$0x3FAF];
	_ =	sdelay $0x3  }
0x33: {  	p0 =	seq.s32 s10, $0x1;
	s10 =	sld [smem:$0x3FB1];
	_ =	sdelay $0x3  }
0x34: {  	[smem:$0x3FB1] =	sst s10  }
0x35: {  	s10 =	sld [smem:$0x3FB0];
	_ =	sdelay $0x3  }
0x36: {  	p1 =	seq.s32 s10, $0x1;
	s10 =	sld [smem:$0x3FB1];
	_ =	sdelay $0x3  }
0x37: {  	[smem:$0x3FB1] =	sst s10  }
0x38: {  	s10 =	sld [smem:$0x3FB2]  }
0x39: {  	_ = 	snop;
	(pc) =	sbr.ind lr, $3  }
0x3a: {  	_ = 	snop  }
0x3b: {  	_ = 	snop  }
0x3c: {  	p2 =	seq.s32 s10, $0x1;
	s10 =	sld [smem:$0x3FB1]  }
0x3d: {  	_ =	shalt  }
0x3e: {  	_ =	shalt  }
0x3f: {  	_ =	shalt  }
0x40: {  	_ =	shalt  }
0x41: {  	_ =	shalt  }
0x42: {  	_ =	shalt  }
0x43: {  	_ =	shalt  }
0x44: {  	_ =	shalt  }
0x45: {  	_ =	shalt  }
0x46: {  	_ =	shalt  }
0x47: {  	_ =	shalt  }
0x48: {  	_ =	shalt  }
0x49: {  	_ =	shalt  }
0x4a: {  	_ =	shalt  }
0x4b: {  	_ =	shalt  }
0x4c: {  	_ =	shalt  }
0x4d: {  	_ =	shalt  }
0x4e: {  	_ =	shalt  }
0x4f: {  	_ =	shalt  }
0x50: {  	_ =	shalt  }
0x51: {  	_ =	shalt  }
0x52: {  	_ =	shalt  }
0x53: {  	_ =	shalt  }
0x54: {  	_ =	shalt  }
0x55: {  	_ =	shalt  }
0x56: {  	_ =	shalt  }
0x57: {  	_ =	shalt  }
0x58: {  	_ =	shalt  }
0x59: {  	_ =	shalt  }
0x5a: {  	_ =	shalt  }
0x5b: {  	_ =	shalt  }
0x5c: {  	_ =	shalt  }
0x5d: {  	_ =	shalt  }
0x5e: {  	_ =	shalt  }
0x5f: {  	_ =	shalt  }
0x60: {  	_ =	shalt  }
0x61: {  	_ =	shalt  }
0x62: {  	_ =	shalt  }
0x63: {  	_ =	shalt  }
0x64: {  	_ =	shalt  }
0x65: {  	_ =	shalt  }
0x66: {  	_ =	shalt  }
0x67: {  	_ =	shalt  }
0x68: {  	_ =	shalt  }
0x69: {  	_ =	shalt  }
0x6a: {  	_ =	shalt  }
0x6b: {  	_ =	shalt  }
0x6c: {  	_ =	shalt  }
0x6d: {  	_ =	shalt  }
0x6e: {  	_ =	shalt  }
0x6f: {  	_ =	shalt  }
0x70: {  	_ =	shalt  }
0x71: {  	_ =	shalt  }
0x72: {  	_ =	shalt  }
0x73: {  	_ =	shalt  }
0x74: {  	_ =	shalt  }
0x75: {  	_ =	shalt  }
0x76: {  	_ =	shalt  }
0x77: {  	_ =	shalt  }
0x78: {  	_ =	shalt  }
0x79: {  	_ =	shalt  }
0x7a: {  	_ =	shalt  }
0x7b: {  	_ =	shalt  }
0x7c: {  	_ =	shalt  }
0x7d: {  	_ =	shalt  }
0x7e: {  	_ =	shalt  }
0x7f: {  	_ =	shalt  }
0x80: {  	_ =	shalt  }
0x81: {  	_ =	shalt  }
0x82: {  	_ =	shalt  }
0x83: {  	_ =	shalt  }
0x84: {  	_ =	shalt  }
0x85: {  	_ =	shalt  }
0x86: {  	_ =	shalt  }
0x87: {  	_ =	shalt  }
.Lfunc_end0:
.L_simem_size_0:
called_computation.1_lowered:
.L_overlay_start_0:
0x88: {  	s2 =	sld [smem:$0x3FD9]  }
0x89: {  	s3 =	sld [smem:$0x3FFE];
	_ =	sdelay $0x1  }
0x8a: {  	s1 =	srdreg.scid  }
0x8b: {  	s0 =	sand.u32 $0x1, s1  }
0x8c: {  	s17 =	sshll.u32 s0, $0xA;
	s2 =	sadd.s32 s3, s2  }
0x8d: {  	s2 =	sadd.s32 s2, s17  }
0x8e: {  	[smem:$0x3FBD] =	sst s2  }
0x8f: {  	_ = 	snop  }
0x90: {  	(tm) =	ssettm $0x1  }
0x91: {  	s18 =	sld [smem:$0x3FFB];
	_ =	sdelay $0x3  }
0x92: {  	_ =	strace s18  }
0x93: {  	s2 =	sld [smem:$0x3FFC];
	_ =	sdelay $0x3  }
0x94: {  	_ =	strace s2  }
0x95: {  	s2 =	sld [smem:$0x3FFD];
	_ =	sdelay $0x3  }
0x96: {  	_ =	strace s2  }
0x97: {  	_ =	strace $0x8FFFFFFF  }
0x98: {  	s19 =	sld [smem:$0x3FDB];
	_ =	sdelay $0x1  }
0x99: {  	s20 =	simm.s32 $_scs_section_size  }
0x9a: {  	s4 =	simm.s32 $_size__tile_overlayer_lowered;
	s5 =	simm.s32 $_tile_overlayer_lowered  }
0x9b: {  	s6 =	simm.s32 $0x1BFF;
	s21 =	sshll.u32 s5, $0x1;
	s3 =	sadd.s32 s20, s19  }
0x9c: {  	s22 =	simm.s32 $0x0;
	s4 =	sshll.u32 s4, $0x1;
	s5 =	sadd.s32 s21, s3  }
0x9d: {  	[timem:s22], [sflag:s6] =	dma.local [hbm:s5], s4  }
0x9e: {  	_ =	swait.ge [sflag:s6], s4  }
0x9f: {  	s4 =	ssub.s32 $0x0, s4;
	[sflag:s6] =	ssyncset.done $0x0  }
0xa0: {  	[sflag:s6] =	ssyncadd.s32 s4;
	_ =	sdelay $0x1  }
0xa1: {  	s23 =	simm.s32 $0x1B8B  }
0xa2: {  	_ =	swait.ge [sflag:s23], $0x1  }
0xa3: {  	[sflag:s23] =	ssyncset.done $0x0  }
0xa4: {  	[sflag:s23] =	ssyncadd.s32 $0xFFFFFFFF  }
0xa5: {  	s4 =	sld [smem:$0x0]  }
0xa6: {  	s5 =	sand.u32 $0xFFFFFFFE, s1  }
0xa7: {  	p0 =	sne.s32 s1, s5  }
0xa8: {  	s5 =	sshll.u32 @p0 s5, $0xE  }
0xa9: {  	s5 =	sadd.s32 @p0 $0x11B8D, s5;
	s6 =	sshll.u32 @p0 s4, $0x11  }
0xaa: {  	s5 =	sor.u32 @p0 s6, s5  }
0xab: {  	[sflag:s5] =	ssyncadd.remote.s32 @p0 $0x1;
	_ =	sdelay $0x1  }
0xac: {  	s5 =	simm.s32 @p0 $0x1B8D  }
0xad: {  	_ =	swait.eq @p0 [sflag:s5], $0x1  }
0xae: {  	[sflag:s5] =	ssyncadd.s32 @p0 $0xFFFFFFFF  }
0xaf: {  	s6 =	sshll.u32 @!p0 s1, $0xE  }
0xb0: {  	s6 =	sor.u32 @!p0 $0x4000, s6;
	s5 =	simm.s32 @!p0 $0x1B8D  }
0xb1: {  	s4 =	sshll.u32 @!p0 s4, $0x11;
	s6 =	sadd.s32 @!p0 $0x11B8D, s6;
	_ =	swait.eq @!p0 [sflag:s5], $0x1  }
0xb2: {  	s4 =	sor.u32 @!p0 s4, s6;
	[sflag:s5] =	ssyncadd.s32 @!p0 $0xFFFFFFFF  }
0xb3: {  	s25 =	simm.s32 $0x1B8E;
	s24 =	sld [smem:$0x3FFE];
	[sflag:s4] =	ssyncadd.remote.s32 @!p0 $0x1  }
0xb4: {  	s26 =	simm.s32 $execute0_lowered;
	[smem:$0x3FD2] =	sst s25  }
0xb5: {  	s5 =	sshll.u32 s26, $0x1;
	_ =	strace $0x80000050;
	[dreg:$0x1] =	wrdreg $0xFFFFFFFF  }
0xb6: {  	s28 =	simm.s32 $_size_execute0_lowered;
	s3 =	sadd.s32 s3, s5;
	[dreg:$0x0] =	wrdreg $0x0  }
0xb7: {  	s5 =	sshll.u32 s28, $0x1;
	[dreg:$0x2] =	wrdreg s3  }
0xb8: {  	[dreg:$0x3] =	wrdreg s5  }
0xb9: {  	[dreg:$0x4] =	wrdreg $0xC0  }
0xba: {  	_ =	task [dreg:s22], $0x5FFFF  }
0xbb: {  	[dreg:$0x1] =	wrdreg $0xFFFFFFFF  }
0xbc: {  	[dreg:$0x0] =	wrdreg $0x60  }
0xbd: {  	[dreg:$0x2] =	wrdreg s24  }
0xbe: {  	[dreg:$0x3] =	wrdreg $0xA  }
0xbf: {  	_ =	task.clear_ibuf [dreg:s22], $0x4FFFF;
	_ =	strace $0x90000050  }
0xc0: {  	s29 =	simm.s32 $0xA;
	_ =	strace $0x80000059  }
0xc1: {  	_ =	swait.ge [sflag:s29], $0x1  }
0xc2: {  	[sflag:s29] =	ssyncadd.s32 $0xFFFFFFFF  }
0xc3: {  	_ =	strace $0x90000059  }
0xc4: {  	_ =	sfence  }
0xc5: {  	s30 =	sld [smem:$0x0];
	_ =	sdelay $0x2  }
0xc6: {  	s31 =	sshll.u32 s1, $0xD;
	s1 =	sshrl.u32 s1, $0x2  }
0xc7: {  	s4 =	sand.u32 $0x4000, s31;
	s1 =	sadd.s32 s1, s30  }
0xc8: {  	s0 =	sor.u32 s4, s0;
	s1 =	sshll.u32 s1, $0x11  }
0xc9: {  	s0 =	sor.u32 s1, s0  }
0xca: {  	s0 =	sadd.s32 $0x8F2B, s0  }
0xcb: {  	[sflag:s0] =	ssyncadd.remote.s32 $0x1  }
0xcc: {  	_ =	sfence.sel $0xFFFF  }
0xcd: {  	[dreg:$0x0] =	wrdreg $0xFFFFFFFF;
	(pc) =	sbr.abs _section_cstart, $3  }
0xce: {  	[dreg:$0x1] =	wrdreg $0xFFFFFFFF  }
0xcf: {  	_ =	task.clear_ibuf [dreg:s22], $0x2FFFF;
	_ =	strace $0x9FFFFFFF  }
0xd0: {  	(tm) =	ssettm $0x7FFFFFFF  }
0xd1: {  	_ =	shalt  }
tec
execute0_lowered:
.L_overlay_start_1:
0x0: {  	(tag) =	ssettag $0x1  }
0x1: {  	s3 =	rddreg [dreg:$0x0]  }
0x2: {  	s0 =	rddreg [dreg:$0x1];
	s1 =	simm.s32 $0x0;
	s2 =	srdreg.scid  }
0x3: {  	s31 =	simm.s32 $0x80;
	s9 =	simm.s32 $0x4;
	s10 =	simm.s32 $0x0  }
0x4: {  	[smem:$0x7FF] =	sst s1;
	s4 =	sand.u32 $0x1, s2;
	s5 =	sadd.s32 $0x3400, s3  }
0x5: {  	s2 =	stileid.u32;
	s29 =	sadd.s32 $0x62200, s3;
	s3 =	sadd.s32 $0xFA00, s3  }
0x6: {  	_ =	strace $0x80000051;
	s6 =	sshll.u32 s4, $0x4;
	[dreg:$0x2] =	wrdreg s5  }
0x7: {  	s4 =	ssub.s32 $0x2, s4;
	[dreg:$0x4] =	wrdreg s29;
	s28 =	sor.u32 s2, s6  }
0x8: {  	[dreg:$0x3] =	wrdreg s31;
	s7 =	sshrl.u32 s4, $0x1;
	s8 =	smul.u32 $0x140, s28  }
0x9: {  	s30 =	ssub.s32 s4, s7;
	s4 =	smul.u32 $0x14, s28;
	s7 =	simm.s32 $0x1  }
0xa: {  	s6 =	smax.u32 s30, $0x1;
	s5 =	sadd.s32 s3, s8;
	s8 =	simm.s32 $0x5  }
.LBB2_1:
0xb: {  	_ =	strace $0x80000052;
	s11 =	simm.s32 $0x1;
	p0 =	por $0x0, $0x0  }
0xc: {  	[tilespmem:s1], [sflag:$0x1] =	stream.linear.gather [hbm4b:s5+s1], $0x80, $0x200038;
	[tilespmem:$0x2100] =	vst v63  }
0xd: {  	s11 =	simm.s32 @p0 $0x0  }
0xe: {  	p4 =	por $0x1, $0x1;
	s20 =	sand.u32 $0x1, s1;
	p1 =	sne.s32 s11, $0x0  }
0xf: {  	p2 =	por $0x1, $0x1;
	s18 =	simm.s32 $0x12;
	p0 =	por !p4, !p1  }
0x10: {  	s16 =	simm.s32 $0x0;
	p5 =	por $0x0, $0x0;
	p0 =	por !p0, !p0  }
0x11: {  	s23 =	sadd.s32 $0x0, s4;
	s30 =	sadd.s32 $0x1, s20;
	s12 =	sadd.s32 @p0 s4, s11  }
0x12: {  	_ =	strace $0x90000052;
	s13 =	sand.u32 @p0 $0x1, s7;
	s12 =	sshll.u32 @p0 s12, $0x4  }
0x13: {  	_ =	strace @p0 $0x80000053;
	s15 =	simm.s32 @p0 $0x0;
	s12 =	sand.u32 @p0 $0x1FFFFFF0, s12  }
0x14: {  	s14 =	sshll.u32 @p0 s13, $0x7;
	s13 =	sadd.s32 @p0 $0x1, s13;
	s12 =	sadd.s32 @p0 s3, s12  }
0x15: {  	[tilespmem:s14], [sflag:s13] =	stream.linear.gather @p0 [hbm4b:s12+s15], $0x80, $0x200038;
	[tilespmem:$0x2100] =	vst v63  }
0x16: {  	p3 =	por p2, p2;
	s21 =	sshll.u32 s20, $0xC;
	_ =	strace @p0 $0x90000053  }
0x17: {  	s16 =	sand.u32 $0x80, s16;
	p2 =	por p5, p5;
	_ =	strace $0x80000054  }
0x18: {  	s17 =	sadd.s32 $0x1, s11;
	s22 =	sor.u32 $0x100, s21;
	_ =	swait.ge [sflag:s30], $0x80  }
0x19: {  	s21 =	simm.s32 $0x1;
	p6 =	por p1, p1;
	[sflag:s30] =	ssyncset.done $0x0  }
0x1a: {  	p1 =	por p3, p3;
	p4 =	por $0x1, $0x1;
	[sflag:s30] =	ssyncadd.s32 $0xFFFFFF80  }
0x1b: {  	s12 =	simm.s32 $0x13;
	s15 =	sand.u32 @!p3 $0x1, s1;
	_ =	strace $0x90000054  }
0x1c: {  	s13 =	simm.s32 $0x1;
	p3 =	seq.s32 s17, $0x14;
	_ =	strace $0x80000055  }
0x1d: {  	s13 =	simm.s32 @!p0 $0x0;
	s17 =	simm.s32 @p3 $0x0;
	s19 =	rddreg [dreg:$0x3]  }
0x1e: {  	p0 =	por $0x0, $0x0;
	s14 =	sadd.s32 $0x1, s13;
	s31 =	rddreg [dreg:$0x2]  }
0x1f: {  	[tilespmem:s22], [sflag:$0x5] =	stream.indirect.gather [hbm4b:s31+s19], $0x20, s16, s19, $0x2000b8;
	[tilespmem:$0x2100] =	vst v63  }
0x20: {  	p3 =	sne.s32 s11, s17;
	s21 =	simm.s32 @!p0 $0x0;
	_ =	swait.ge [sflag:s8], $0x1000  }
0x21: {  	p5 =	por !p4, !p3;
	p4 =	por $0x0, $0x0;
	[sflag:s8] =	ssyncset.done $0x0  }
0x22: {  	s13 =	simm.s32 $0x0;
	p6 =	por p4, p6;
	[sflag:s8] =	ssyncadd.s32 $0xFFFFF000  }
0x23: {  	s16 =	simm.s32 $0x0;
	s19 =	simm.s32 $0x0;
	_ =	strace $0x90000055  }
.LBB2_2:
0x24: {  	_ =	strace @p6 $0x80000056;
	s13 =	sadd.s32 s21, s13;
	s21 =	smov.u32 s12  }
0x25: {  	s12 =	smov.u32 s18;
	s18 =	sadd.s32 $0xFFFFFFFF, s18;
	p0 =	por p3, p3  }
0x26: {  	s28 =	sshll.u32 @p6 s23, $0x9;
	s20 =	sadd.s32 @p6 $0x3, s20;
	s24 =	simm.s32 @!p0 $0x0  }
0x27: {  	s25 =	rddreg [dreg:$0x4];
	s28 =	sand.u32 @p6 $0x1FFFFE00, s28;
	s24 =	simm.s32 @p0 $0x1  }
0x28: {  	s25 =	sadd.s32 @p6 s25, s28;
	s28 =	simm.s32 @p6 $0x0;
	p0 =	sne.s32 s18, $0x0  }
0x29: {  	[hbm4b:s25+s28] =	stream.linear.scatter @p6 [tilespmem:s22], [sflag:s20], $0x1000, $0x200038;
	[tilespmem:$0x2100] =	vst v63  }
0x2a: {  	s20 =	sadd.s32 @!p1 $0x3, s15;
	s15 =	simm.s32 @!p0 $0x0  }
0x2b: {  	s26 =	simm.s32 $0x1;
	[smem:$0x7FC] =	sst s24;
	s15 =	simm.s32 @p0 $0x1  }
0x2c: {  	s26 =	simm.s32 @!p6 $0x0;
	_ =	strace @p6 $0x90000056;
	[smem:$0x7FD] =	sst s15  }
0x2d: {  	p5 =	por !p5, !p5;
	s19 =	sadd.s32 s26, s19;
	_ =	strace @!p1 $0x80000057  }
0x2e: {  	s24 =	sand.u32 @!p2 $0x1, s13;
	s22 =	sand.u32 @p5 $0x1, s14;
	_ =	swait.ge @!p1 [sflag:s20], $0x1000  }
0x2f: {  	s15 =	smov.u32 s24;
	s24 =	sadd.s32 @p5 s4, s17;
	[sflag:s20] =	ssyncset.done @!p1 $0x0  }
0x30: {  	s25 =	sshll.u32 @p5 s22, $0x7;
	s24 =	sshll.u32 @p5 s24, $0x4;
	[sflag:s20] =	ssyncadd.s32 @!p1 $0xFFFFF000  }
0x31: {  	s20 =	sadd.s32 @p5 $0x1, s22;
	s22 =	sand.u32 @p5 $0x1FFFFFF0, s24;
	_ =	strace @!p1 $0x90000057  }
0x32: {  	s24 =	simm.s32 @p5 $0x0;
	s22 =	sadd.s32 @p5 s3, s22;
	_ =	strace @p5 $0x80000053  }
0x33: {  	[tilespmem:s25], [sflag:s20] =	stream.linear.gather @p5 [hbm4b:s22+s24], $0x80, $0x200038;
	[tilespmem:$0x2100] =	vst v63  }
0x34: {  	s16 =	sadd.s32 s26, s16;
	s26 =	sand.u32 $0x1, s19;
	_ =	strace @p5 $0x90000053  }
0x35: {  	s24 =	sadd.s32 $0x1, s26;
	_ =	strace $0x80000054  }
0x36: {  	_ =	swait.ge [sflag:s24], $0x80  }
0x37: {  	[sflag:s24] =	ssyncset.done $0x0  }
0x38: {  	s20 =	simm.s32 $0x1;
	[sflag:s24] =	ssyncadd.s32 $0xFFFFFF80  }
0x39: {  	s20 =	simm.s32 @!p5 $0x0;
	_ =	strace $0x90000054  }
0x3a: {  	s14 =	sadd.s32 s20, s14;
	s20 =	sand.u32 $0x1, s16;
	_ =	strace $0x80000055  }
0x3b: {  	s29 =	sshll.u32 s19, $0x7;
	s25 =	sshll.u32 s20, $0xC;
	s26 =	rddreg [dreg:$0x3]  }
0x3c: {  	s29 =	sand.u32 $0x80, s29;
	s22 =	sor.u32 $0x100, s25;
	s30 =	rddreg [dreg:$0x2]  }
0x3d: {  	[tilespmem:s22], [sflag:$0x5] =	stream.indirect.gather [hbm4b:s30+s26], $0x20, s29, s26, $0x2000b8;
	[tilespmem:$0x2100] =	vst v63  }
0x3e: {  	_ =	swait.ge [sflag:s8], $0x1000  }
0x3f: {  	s31 =	sadd.s32 $0x1, s17;
	[sflag:s8] =	ssyncset.done $0x0  }
0x40: {  	s23 =	sadd.s32 s4, s11;
	s11 =	smov.u32 s17;
	[sflag:s8] =	ssyncadd.s32 $0xFFFFF000  }
0x41: {  	p3 =	seq.s32 s31, $0x14;
	s17 =	smov.u32 s31;
	_ =	strace $0x90000055  }
0x42: {  	s17 =	simm.s32 @p3 $0x0;
	s31 =	sld [smem:$0x7FD]  }
0x43: {  	p6 =	sne.s32 s12, $0x1;
	p0 =	sne.s32 s21, $0x14;
	p3 =	sne.s32 s11, s17  }
0x44: {  	p5 =	por !p6, !p3;
	p6 =	seq.s32 s21, $0x1;
	s21 =	simm.s32 $0x1  }
0x45: {  	s21 =	simm.s32 @!p0 $0x0;
	p0 =	seq.s32 s31, $0x1  }
.Ltmp0:
0x46: {  	s30 =	sld [smem:$0x7FC];
	(pc) =	sbr.rel @p0 .LBB2_2-.Ltmp0, $4  }
0x47: {  	_ = 	snop  }
0x48: {  	p4 =	seq.s32 s12, $0x14  }
0x49: {  	p1 =	por p2, p2;
	p2 =	por p4, p4;
	p4 =	seq.s32 s30, $0x1  }
0x4a: {  	p6 =	por p6, p4  }
0x4b: {  	_ =	strace @p6 $0x80000056;
	s23 =	sshll.u32 @p6 s23, $0x9  }
0x4c: {  	s18 =	rddreg [dreg:$0x4];
	s23 =	sand.u32 @p6 $0x1FFFFE00, s23  }
0x4d: {  	s20 =	sadd.s32 @p6 $0x3, s20;
	s18 =	sadd.s32 @p6 s18, s23;
	s23 =	simm.s32 @p6 $0x0  }
0x4e: {  	[hbm4b:s18+s23] =	stream.linear.scatter @p6 [tilespmem:s22], [sflag:s20], $0x1000, $0x200038;
	[tilespmem:$0x2100] =	vst v63  }
0x4f: {  	p0 =	por !p5, !p5;
	_ =	strace @p6 $0x90000056  }
0x50: {  	s15 =	sadd.s32 @!p1 $0x3, s15;
	s17 =	sadd.s32 @p0 s4, s17;
	_ =	strace @!p1 $0x80000057  }
0x51: {  	s14 =	sand.u32 @p0 $0x1, s14;
	s17 =	sshll.u32 @p0 s17, $0x4;
	_ =	swait.ge @!p1 [sflag:s15], $0x1000  }
0x52: {  	s18 =	simm.s32 $0x1;
	s20 =	sshll.u32 @p0 s14, $0x7;
	[sflag:s15] =	ssyncset.done @!p1 $0x0  }
0x53: {  	s14 =	sadd.s32 @p0 $0x1, s14;
	s18 =	simm.s32 @!p6 $0x0;
	[sflag:s15] =	ssyncadd.s32 @!p1 $0xFFFFF000  }
0x54: {  	s19 =	sadd.s32 s18, s19;
	s15 =	sand.u32 @p0 $0x1FFFFFF0, s17;
	_ =	strace @!p1 $0x90000057  }
0x55: {  	s17 =	simm.s32 @p0 $0x0;
	s15 =	sadd.s32 @p0 s3, s15;
	_ =	strace @p0 $0x80000053  }
0x56: {  	[tilespmem:s20], [sflag:s14] =	stream.linear.gather @p0 [hbm4b:s15+s17], $0x80, $0x200038;
	[tilespmem:$0x2100] =	vst v63  }
0x57: {  	s25 =	sand.u32 $0x1, s19;
	_ =	strace @p0 $0x90000053  }
0x58: {  	s14 =	sadd.s32 $0x1, s25;
	_ =	strace $0x80000054  }
0x59: {  	_ =	swait.ge [sflag:s14], $0x80  }
0x5a: {  	[sflag:s14] =	ssyncset.done $0x0  }
0x5b: {  	[sflag:s14] =	ssyncadd.s32 $0xFFFFFF80  }
0x5c: {  	s26 =	sadd.s32 s18, s16;
	_ =	strace $0x90000054  }
0x5d: {  	s14 =	sand.u32 $0x1, s26;
	_ =	strace $0x80000055  }
0x5e: {  	s30 =	sshll.u32 s19, $0x7;
	s31 =	sshll.u32 s14, $0xC;
	s28 =	rddreg [dreg:$0x3]  }
0x5f: {  	s17 =	sand.u32 $0x80, s30;
	s18 =	sor.u32 $0x100, s31;
	s29 =	rddreg [dreg:$0x2]  }
0x60: {  	[tilespmem:s18], [sflag:$0x5] =	stream.indirect.gather [hbm4b:s29+s28], $0x20, s17, s28, $0x2000b8;
	[tilespmem:$0x2100] =	vst v63  }
0x61: {  	_ =	swait.ge [sflag:s8], $0x1000  }
0x62: {  	[sflag:s8] =	ssyncset.done $0x0  }
0x63: {  	p5 =	por p3, p3;
	p6 =	seq.s32 s12, $0x1;
	[sflag:s8] =	ssyncadd.s32 $0xFFFFF000  }
0x64: {  	s11 =	sadd.s32 s4, s11;
	p0 =	por p6, p5;
	_ =	strace $0x90000055  }
0x65: {  	s11 =	sshll.u32 @p0 s11, $0x9;
	_ =	strace @p0 $0x80000056  }
0x66: {  	s13 =	sadd.s32 s21, s13;
	s11 =	sand.u32 @p0 $0x1FFFFE00, s11;
	s12 =	rddreg [dreg:$0x4]  }
0x67: {  	s14 =	sadd.s32 @p0 $0x3, s14;
	s11 =	sadd.s32 @p0 s12, s11;
	s12 =	simm.s32 @p0 $0x0  }
0x68: {  	[hbm4b:s11+s12] =	stream.linear.scatter @p0 [tilespmem:s18], [sflag:s14], $0x1000, $0x200038;
	[tilespmem:$0x2100] =	vst v63  }
0x69: {  	p1 =	por p2, p2;
	s11 =	sand.u32 @!p2 $0x1, s13;
	_ =	strace @p0 $0x90000056  }
0x6a: {  	s11 =	sadd.s32 @!p1 $0x3, s11;
	_ =	strace @!p1 $0x80000057  }
0x6b: {  	_ =	swait.ge @!p1 [sflag:s11], $0x1000  }
0x6c: {  	[sflag:s11] =	ssyncset.done @!p1 $0x0  }
0x6d: {  	s10 =	sadd.s32 $0x1, s10;
	[sflag:s11] =	ssyncadd.s32 @!p1 $0xFFFFF000  }
0x6e: {  	p0 =	sne.s32 s10, s6;
	_ =	strace @!p1 $0x90000057  }
.Ltmp1:
0x6f: {  	_ =	strace $0x80000058;
	(pc) =	sbr.rel @p0 .LBB2_1-.Ltmp1, $4  }
0x70: {  	_ =	swait.ge [sflag:s9], $0x1000  }
0x71: {  	[sflag:s9] =	ssyncset.done $0x0  }
0x72: {  	[sflag:s9] =	ssyncadd.s32 $0xFFFFF000  }
0x73: {  	_ =	strace $0x90000058  }
0x74: {  	_ =	sfence.sel $0x180000  }
0x75: {  	[bflag:$0x0] =	sbarrier.arrive $0xFFFF  }
0x76: {  	p0 =	sne.s32 s2, $0x0;
	_ =	strace $0x90000051  }
0x77: {  	s0 =	sadd.s32 @!p0 $0x100000, s0;
	[bflag:$0x2] =	sbarrier.arrive $0xFFFF  }
0x78: {  	[sflag:s0] =	ssyncadd.tile.s32 @!p0 $0x1;
	_ =	shalt  }
.Lfunc_end2:
_tile_overlayer_lowered:
.L_overlay_start_2:
0x79: {  	(tag) =	ssettag $0x2  }
0x7a: {  	s0 =	rddreg [dreg:$0x0];
	s2 =	stileid.u32  }
0x7b: {  	s1 =	rddreg [dreg:$0x1];
	p0 =	sne.s32 s2, $0x0  }
0x7c: {  	s3 =	rddreg [dreg:$0x2];
	[bflag:$0x3] =	sbarrier.arrive $0xFFFF;
	s2 =	simm.s32 @!p0 $0x1C01  }
0x7d: {  	[timem:s3], [sflag:s2] =	dma.local @!p0 [hbm:s0], s1  }
0x7e: {  	s0 =	simm.s32 @!p0 $0x1  }
0x7f: {  	_ =	swait.ge @!p0 [sflag:s0], s1  }
0x80: {  	s1 =	ssub.s32 @!p0 $0x0, s1;
	[sflag:s0] =	ssyncset.done @!p0 $0x0  }
0x81: {  	[sflag:s0] =	ssyncadd.s32 @!p0 s1  }
0x82: {  	[bflag:$0x3] =	sbarrier.arrive $0xFFFF  }
0x83: {  	_ =	shalt  }

// kernel: kernel.14.cloned.1.call-start
scs
__scs_entry_jumppad:
0x0: {  	(pc) =	sbr.rel $0x88, $3  }
0x1: {  	(tag) =	ssettag $0x0;
	lr =	simm.s32 $0x1  }
0x2: {  	[smem:$0x3F96] =	sst lr;
	_ =	strace $0xD0000000  }
0x3: {  	_ = 	snop  }
0x4: {  	_ = 	snop  }
0x5: {  	_ = 	snop  }
0x6: {  	_ = 	snop  }
0x7: {  	_ = 	snop  }
__scs_overlays_trampoline_lowered:
0x8: {  	[smem:$0x3FA5] =	sst s0  }
0x9: {  	[smem:$0x3FA6] =	sst s1  }
0xa: {  	[smem:$0x3FA7] =	sst s2  }
0xb: {  	[smem:$0x3FA8] =	sst s3  }
0xc: {  	[smem:$0x3FA9] =	sst s4  }
0xd: {  	[smem:$0x3FAA] =	sst s5  }
0xe: {  	[smem:$0x3FAB] =	sst s6  }
0xf: {  	[smem:$0x3FAC] =	sst s7  }
0x10: {  	[smem:$0x3FAD] =	sst s8  }
0x11: {  	[smem:$0x3FAE] =	sst s9;
	s0 =	simm.s32 @!p0 $0x0  }
0x12: {  	s1 =	sld [smem:$0x3F94];
	s0 =	simm.s32 @p0 $0x1  }
0x13: {  	[smem:$0x3FAF] =	sst s0;
	s0 =	simm.s32 @!p1 $0x0  }
0x14: {  	s2 =	sld [smem:$0x3F93];
	s0 =	simm.s32 @p1 $0x1  }
0x15: {  	[smem:$0x3FB0] =	sst s0;
	s0 =	simm.s32 @!p2 $0x0  }
0x16: {  	s3 =	sld [smem:$0x3FDB];
	s0 =	simm.s32 @p2 $0x1  }
0x17: {  	s4 =	simm.s32 $0x1BF5;
	[smem:$0x3FB2] =	sst s0  }
0x18: {  	s0 =	sld [smem:$0x3F95];
	_ =	swait.ge [sflag:s4], $0x0  }
0x19: {  	s7 =	sld [smem:$0x3F96]  }
0x1a: {  	s8 =	sadd.s32 $0xFFFFE003, lr  }
0x1b: {  	s9 =	sadd.s32 $0xFFFFFEF7, lr;
	s5 =	simm.s32 $0xFFFFFFFF;
	p2 =	slt.u32 s8, $0xFFFFF086  }
0x1c: {  	p1 =	slt.u32 s9, $0xF7A;
	s5 =	simm.s32 @!p2 $0x0  }
0x1d: {  	s5 =	simm.s32 @p1 $0x1;
	p0 =	seq.s32 s7, s2  }
0x1e: {  	s7 =	smul.u32 @!p0 $0xF7A, s2;
	p2 =	seq.s32 @!p0 s5, $0x0  }
0x1f: {  	s9 =	smul.u32 $0xF7A, s1;
	s8 =	simm.s32 @!p0 $0x1BF5;
	p2 =	por !p2, p0  }
0x20: {  	[sflag:s8] =	ssyncset.s32 @!p0 $0xFFFFF086;
	s6 =	sadd.s32 @!p0 s3, s7;
	s7 =	simm.s32 @!p0 $0x108  }
0x21: {  	s3 =	sadd.s32 s3, s9;
	s6 =	sadd.s32 @!p0 $0x88, s6;
	s7 =	simm.s32 @p2 $0x1082  }
0x22: {  	[simem:s7], [sflag:s8] =	dma.local @!p0 [hbm:s6], $0xF7A  }
0x23: {  	s9 =	sor.u32 $0xD0000000, s2;
	s6 =	simm.s32 $0x108;
	_ =	swait.ge @!p0 [sflag:s8], $0x0  }
0x24: {  	s3 =	sadd.s32 $0x88, s3;
	s6 =	simm.s32 @!p1 $0x1082;
	[sflag:s4] =	ssyncset.s32 $0xFFFFF086  }
0x25: {  	[simem:s6], [sflag:s4] =	dma.local [hbm:s3], $0xF7A  }
0x26: {  	[smem:$0x3F96] =	sst s1;
	(tag) =	ssettag s2;
	_ =	strace s9  }
0x27: {  	s1 =	sld [smem:$0x3FA6]  }
0x28: {  	s2 =	sld [smem:$0x3FA7]  }
0x29: {  	s4 =	sld [smem:$0x3FA9]  }
0x2a: {  	p0 =	seq.s32 s5, $0x0;
	s5 =	sld [smem:$0x3FAA]  }
0x2b: {  	s6 =	sld [smem:$0x3FAB]  }
0x2c: {  	s7 =	sld [smem:$0x3FAC]  }
0x2d: {  	s3 =	simm.s32 $0x108;
	s8 =	sld [smem:$0x3FAD]  }
0x2e: {  	s3 =	simm.s32 @!p0 $0x1082;
	s9 =	sld [smem:$0x3FAE]  }
0x2f: {  	lr =	sadd.s32 s0, s3;
	s0 =	sld [smem:$0x3FA5]  }
0x30: {  	s3 =	sld [smem:$0x3FA8]  }
0x31: {  	[smem:$0x3FB1] =	sst s10  }
0x32: {  	s10 =	sld [smem:$0x3FAF];
	_ =	sdelay $0x3  }
0x33: {  	p0 =	seq.s32 s10, $0x1;
	s10 =	sld [smem:$0x3FB1];
	_ =	sdelay $0x3  }
0x34: {  	[smem:$0x3FB1] =	sst s10  }
0x35: {  	s10 =	sld [smem:$0x3FB0];
	_ =	sdelay $0x3  }
0x36: {  	p1 =	seq.s32 s10, $0x1;
	s10 =	sld [smem:$0x3FB1];
	_ =	sdelay $0x3  }
0x37: {  	[smem:$0x3FB1] =	sst s10  }
0x38: {  	s10 =	sld [smem:$0x3FB2]  }
0x39: {  	_ = 	snop;
	(pc) =	sbr.ind lr, $3  }
0x3a: {  	_ = 	snop  }
0x3b: {  	_ = 	snop  }
0x3c: {  	p2 =	seq.s32 s10, $0x1;
	s10 =	sld [smem:$0x3FB1]  }
0x3d: {  	_ =	shalt  }
0x3e: {  	_ =	shalt  }
0x3f: {  	_ =	shalt  }
0x40: {  	_ =	shalt  }
0x41: {  	_ =	shalt  }
0x42: {  	_ =	shalt  }
0x43: {  	_ =	shalt  }
0x44: {  	_ =	shalt  }
0x45: {  	_ =	shalt  }
0x46: {  	_ =	shalt  }
0x47: {  	_ =	shalt  }
0x48: {  	_ =	shalt  }
0x49: {  	_ =	shalt  }
0x4a: {  	_ =	shalt  }
0x4b: {  	_ =	shalt  }
0x4c: {  	_ =	shalt  }
0x4d: {  	_ =	shalt  }
0x4e: {  	_ =	shalt  }
0x4f: {  	_ =	shalt  }
0x50: {  	_ =	shalt  }
0x51: {  	_ =	shalt  }
0x52: {  	_ =	shalt  }
0x53: {  	_ =	shalt  }
0x54: {  	_ =	shalt  }
0x55: {  	_ =	shalt  }
0x56: {  	_ =	shalt  }
0x57: {  	_ =	shalt  }
0x58: {  	_ =	shalt  }
0x59: {  	_ =	shalt  }
0x5a: {  	_ =	shalt  }
0x5b: {  	_ =	shalt  }
0x5c: {  	_ =	shalt  }
0x5d: {  	_ =	shalt  }
0x5e: {  	_ =	shalt  }
0x5f: {  	_ =	shalt  }
0x60: {  	_ =	shalt  }
0x61: {  	_ =	shalt  }
0x62: {  	_ =	shalt  }
0x63: {  	_ =	shalt  }
0x64: {  	_ =	shalt  }
0x65: {  	_ =	shalt  }
0x66: {  	_ =	shalt  }
0x67: {  	_ =	shalt  }
0x68: {  	_ =	shalt  }
0x69: {  	_ =	shalt  }
0x6a: {  	_ =	shalt  }
0x6b: {  	_ =	shalt  }
0x6c: {  	_ =	shalt  }
0x6d: {  	_ =	shalt  }
0x6e: {  	_ =	shalt  }
0x6f: {  	_ =	shalt  }
0x70: {  	_ =	shalt  }
0x71: {  	_ =	shalt  }
0x72: {  	_ =	shalt  }
0x73: {  	_ =	shalt  }
0x74: {  	_ =	shalt  }
0x75: {  	_ =	shalt  }
0x76: {  	_ =	shalt  }
0x77: {  	_ =	shalt  }
0x78: {  	_ =	shalt  }
0x79: {  	_ =	shalt  }
0x7a: {  	_ =	shalt  }
0x7b: {  	_ =	shalt  }
0x7c: {  	_ =	shalt  }
0x7d: {  	_ =	shalt  }
0x7e: {  	_ =	shalt  }
0x7f: {  	_ =	shalt  }
0x80: {  	_ =	shalt  }
0x81: {  	_ =	shalt  }
0x82: {  	_ =	shalt  }
0x83: {  	_ =	shalt  }
0x84: {  	_ =	shalt  }
0x85: {  	_ =	shalt  }
0x86: {  	_ =	shalt  }
0x87: {  	_ =	shalt  }
.Lfunc_end0:
.L_simem_size_0:
called_computation.2_lowered:
.L_overlay_start_0:
0x88: {  	s2 =	sld [smem:$0x3FD9]  }
0x89: {  	s3 =	sld [smem:$0x3FFE];
	_ =	sdelay $0x1  }
0x8a: {  	s1 =	srdreg.scid  }
0x8b: {  	s0 =	sand.u32 $0x1, s1  }
0x8c: {  	s16 =	sshll.u32 s0, $0xA;
	s2 =	sadd.s32 s3, s2  }
0x8d: {  	s2 =	sadd.s32 s2, s16  }
0x8e: {  	[smem:$0x3FBD] =	sst s2  }
0x8f: {  	_ = 	snop  }
0x90: {  	(tm) =	ssettm $0x1  }
0x91: {  	s17 =	sld [smem:$0x3FFB];
	_ =	sdelay $0x3  }
0x92: {  	_ =	strace s17  }
0x93: {  	s2 =	sld [smem:$0x3FFC];
	_ =	sdelay $0x3  }
0x94: {  	_ =	strace s2  }
0x95: {  	s2 =	sld [smem:$0x3FFD];
	_ =	sdelay $0x3  }
0x96: {  	_ =	strace s2  }
0x97: {  	_ =	strace $0x8FFFFFFF  }
0x98: {  	s18 =	sld [smem:$0x3FDB];
	_ =	sdelay $0x1  }
0x99: {  	s19 =	simm.s32 $_scs_section_size  }
0x9a: {  	s4 =	simm.s32 $_size__tile_overlayer_lowered;
	s5 =	simm.s32 $_tile_overlayer_lowered  }
0x9b: {  	s22 =	simm.s32 $0x1BFF;
	s21 =	sshll.u32 s5, $0x1;
	s2 =	sadd.s32 s19, s18  }
0x9c: {  	s6 =	simm.s32 $0x0;
	s20 =	sshll.u32 s4, $0x1;
	s4 =	sadd.s32 s21, s2  }
0x9d: {  	[timem:s6], [sflag:s22] =	dma.local [hbm:s4], s20  }
0x9e: {  	_ =	swait.ge [sflag:s22], s20  }
0x9f: {  	s3 =	ssub.s32 $0x0, s20;
	[sflag:s22] =	ssyncset.done $0x0  }
0xa0: {  	[sflag:s22] =	ssyncadd.s32 s3;
	_ =	sdelay $0x1  }
0xa1: {  	s23 =	simm.s32 $0x1B8B  }
0xa2: {  	_ =	swait.ge [sflag:s23], $0x1  }
0xa3: {  	[sflag:s23] =	ssyncset.done $0x0  }
0xa4: {  	s25 =	simm.s32 $0x1B8E;
	s24 =	sld [smem:$0x3FFE];
	[sflag:s23] =	ssyncadd.s32 $0xFFFFFFFF  }
0xa5: {  	s26 =	simm.s32 $execute0_lowered;
	[smem:$0x3FD2] =	sst s25  }
0xa6: {  	s4 =	sshll.u32 s26, $0x1;
	_ =	strace $0x8000005A;
	[dreg:$0x1] =	wrdreg $0xFFFFFFFF  }
0xa7: {  	s28 =	simm.s32 $_size_execute0_lowered;
	s2 =	sadd.s32 s2, s4;
	[dreg:$0x0] =	wrdreg $0x0  }
0xa8: {  	s4 =	sshll.u32 s28, $0x1;
	[dreg:$0x2] =	wrdreg s2  }
0xa9: {  	[dreg:$0x3] =	wrdreg s4  }
0xaa: {  	[dreg:$0x4] =	wrdreg $0xC0  }
0xab: {  	_ =	task [dreg:s6], $0x5FFFF  }
0xac: {  	[dreg:$0x1] =	wrdreg $0xFFFFFFFF  }
0xad: {  	[dreg:$0x0] =	wrdreg $0x60  }
0xae: {  	[dreg:$0x2] =	wrdreg s24  }
0xaf: {  	[dreg:$0x3] =	wrdreg $0x0  }
0xb0: {  	[dreg:$0x4] =	wrdreg $0x4E800  }
0xb1: {  	[dreg:$0x5] =	wrdreg $0x9  }
0xb2: {  	_ =	task.clear_ibuf [dreg:s6], $0x6FFFF;
	_ =	strace $0x9000005A  }
0xb3: {  	s29 =	simm.s32 $0x9;
	_ =	strace $0x80000068  }
0xb4: {  	_ =	swait.ge [sflag:s29], $0x1  }
0xb5: {  	[sflag:s29] =	ssyncadd.s32 $0xFFFFFFFF  }
0xb6: {  	_ =	strace $0x90000068  }
0xb7: {  	_ =	sfence  }
0xb8: {  	s30 =	sld [smem:$0x0];
	_ =	sdelay $0x2  }
0xb9: {  	s31 =	sshll.u32 s1, $0xD;
	s1 =	sshrl.u32 s1, $0x2  }
0xba: {  	s3 =	sand.u32 $0x4000, s31;
	s1 =	sadd.s32 s1, s30  }
0xbb: {  	s0 =	sor.u32 s3, s0;
	s1 =	sshll.u32 s1, $0x11  }
0xbc: {  	s0 =	sor.u32 s1, s0  }
0xbd: {  	s0 =	sadd.s32 $0x8F2B, s0  }
0xbe: {  	[sflag:s0] =	ssyncadd.remote.s32 $0x1  }
0xbf: {  	_ =	sfence.sel $0xFFFF  }
0xc0: {  	[dreg:$0x0] =	wrdreg $0xFFFFFFFF;
	(pc) =	sbr.abs _section_cstart, $3  }
0xc1: {  	[dreg:$0x1] =	wrdreg $0xFFFFFFFF  }
0xc2: {  	_ =	task.clear_ibuf [dreg:s6], $0x2FFFF;
	_ =	strace $0x9FFFFFFF  }
0xc3: {  	(tm) =	ssettm $0x7FFFFFFF  }
tec
execute0_lowered:
.L_overlay_start_1:
0x0: {  	(tag) =	ssettag $0x1  }
0x1: {  	s0 =	rddreg [dreg:$0x0]  }
0x2: {  	s1 =	rddreg [dreg:$0x1]  }
0x3: {  	s2 =	rddreg [dreg:$0x2];
	s3 =	simm.s32 $0x0;
	s14 =	srdreg.scid  }
0x4: {  	s4 =	stileid.u32;
	s28 =	simm.s32 $0x5;
	s29 =	simm.s32 $0x1  }
0x5: {  	s30 =	simm.s32 $0x0;
	[smem:$0x7FF] =	sst s3;
	s5 =	sadd.s32 $0x1A2200, s0  }
0x6: {  	s3 =	sand.u32 $0x1, s14;
	s9 =	smul.u32 $0x4E80, s4;
	s6 =	sadd.s32 $0x325A00, s0  }
0x7: {  	s7 =	sadd.s32 $0x12200, s0;
	s8 =	sadd.s32 $0x323200, s0;
	s11 =	smul.u32 $0x2740, s4  }
0x8: {  	s12 =	sadd.s32 $0x3400, s0;
	s13 =	sadd.s32 $0x3E00, s0;
	s16 =	sadd.s32 $0x4400, s0  }
0x9: {  	_ =	strace $0x8000005B;
	s10 =	smul.u32 $0x4E800, s3;
	[dreg:$0x4] =	wrdreg s12  }
0xa: {  	s19 =	sshll.u32 s4, $0x6;
	s15 =	smul.u32 $0x27400, s3;
	[dreg:$0x5] =	wrdreg s13  }
0xb: {  	[dreg:$0x6] =	wrdreg s16;
	s17 =	sshll.u32 s3, $0x4;
	s3 =	ssub.s32 $0x2, s3  }
0xc: {  	s13 =	sor.u32 $0x1C01, s19;
	s14 =	sor.u32 s4, s17;
	s18 =	sshrl.u32 s3, $0x1  }
0xd: {  	s20 =	sadd.s32 s9, s1;
	s21 =	sadd.s32 s11, s2;
	s10 =	sadd.s32 s9, s10  }
0xe: {  	s16 =	smul.u32 $0x2800, s14;
	s3 =	ssub.s32 s3, s18;
	[dreg:$0x7] =	wrdreg s20  }
0xf: {  	s17 =	smul.u32 $0x140, s14;
	[dreg:$0x8] =	wrdreg s21;
	s31 =	smax.u32 s3, $0x1  }
0x10: {  	s12 =	sadd.s32 s11, s15;
	s22 =	sadd.s32 s7, s16;
	[dreg:$0xf] =	wrdreg s31  }
0x11: {  	s10 =	sshrl.u32 s10, $0x3;
	s23 =	sadd.s32 s6, s17;
	[dreg:$0x9] =	wrdreg s22  }
0x12: {  	s12 =	sshrl.u32 s12, $0x3;
	s24 =	sadd.s32 s5, s16;
	[dreg:$0xa] =	wrdreg s23  }
0x13: {  	s10 =	sadd.s32 s10, s0;
	s25 =	sadd.s32 s8, s17;
	[dreg:$0xb] =	wrdreg s24  }
0x14: {  	s0 =	sadd.s32 s12, s0;
	[dreg:$0xc] =	wrdreg s25;
	s26 =	sadd.s32 $0x1F2200, s10  }
0x15: {  	s15 =	smul.u32 $0x14, s14;
	s0 =	sadd.s32 $0x4600, s0;
	[dreg:$0xd] =	wrdreg s26  }
0x16: {  	s23 =	simm.s32 $0x75C0;
	[dreg:$0xe] =	wrdreg s0;
	s26 =	simm.s32 $0x80  }
.LBB2_1:
0x17: {  	s0 =	rddreg [dreg:$0x7]  }
0x18: {  	s21 =	rddreg [dreg:$0x4];
	s3 =	sshrl.u32 s0, $0x3  }
0x19: {  	[dreg:$0x10] =	wrdreg s3  }
0x1a: {  	[spmem:s3], [sflag:s13] =	dma.local [hbm:s21], $0x9D0  }
0x1b: {  	_ =	swait.ge [sflag:s29], $0x9D0  }
0x1c: {  	s22 =	rddreg [dreg:$0x8]  }
0x1d: {  	[sflag:s29] =	ssyncset.done $0x0;
	s25 =	rddreg [dreg:$0x5];
	s24 =	sshrl.u32 s22, $0x3  }
0x1e: {  	[sflag:s29] =	ssyncadd.s32 $0xFFFFF630;
	[dreg:$0x11] =	wrdreg s24  }
0x1f: {  	[spmem:s24], [sflag:s13] =	dma.local [hbm:s25], $0x4E8  }
0x20: {  	_ =	swait.ge [sflag:s29], $0x4E8  }
0x21: {  	s31 =	simm.s32 $0x0;
	[sflag:s29] =	ssyncset.done $0x0  }
0x22: {  	s4 =	simm.s32 $0x7DC0;
	s14 =	rddreg [dreg:$0x6];
	[sflag:s29] =	ssyncadd.s32 $0xFFFFFB18  }
0x23: {  	[tilespmem:s23], [sflag:$0x1] =	stream.linear.gather [hbm4b:s14+s31], $0x800, $0x38;
	[tilespmem:$0x9EC0] =	vst v63  }
0x24: {  	p0 =	por $0x0, $0x0;
	s25 =	simm.s32 $0x1;
	_ =	swait.ge [sflag:s29], $0x800  }
0x25: {  	s18 =	simm.s32 $0x9DC0;
	s25 =	simm.s32 @p0 $0x0;
	[sflag:s29] =	ssyncset.done $0x0  }
0x26: {  	s19 =	sand.u32 $0x1, s31;
	p0 =	seq.s32 s25, $0x0;
	[sflag:s29] =	ssyncadd.s32 $0xFFFFF800  }
0x27: {  	s20 =	sadd.s32 $0x1, s19;
	s3 =	sadd.s32 @!p0 s15, s25;
	[bflag:$0x0] =	sbarrier.arrive $0xFFFF  }
0x28: {  	s9 =	simm.s32 @!p0 $0x0;
	s10 =	sand.u32 @!p0 $0x1, s29;
	_ =	strace $0x8000005C  }
0x29: {  	s11 =	sshll.u32 @!p0 s3, $0x9;
	s3 =	sshll.u32 @!p0 s3, $0x4;
	s16 =	rddreg [dreg:$0x9]  }
0x2a: {  	[tilespmem:s4], [sflag:$0x1] =	stream.linear.gather [hbm4b:s16+s31], $0x1000, $0x200038;
	[tilespmem:$0x9EC0] =	vst v63  }
0x2b: {  	s14 =	sshll.u32 @!p0 s10, $0xC;
	s11 =	sand.u32 @!p0 $0x1FFFFE00, s11;
	s17 =	rddreg [dreg:$0xa]  }
0x2c: {  	[tilespmem:s18], [sflag:$0x3] =	stream.linear.gather [hbm4b:s17+s31], $0x80, $0x200038;
	[tilespmem:$0x9EC0] =	vst v63  }
0x2d: {  	s12 =	sadd.s32 @!p0 $0x1, s10;
	s14 =	sadd.s32 @!p0 $0x7DC0, s14;
	_ =	strace $0x9000005C  }
0x2e: {  	s3 =	sand.u32 @!p0 $0x1FFFFFF0, s3;
	s11 =	sadd.s32 @!p0 s7, s11;
	_ =	strace @!p0 $0x8000005D  }
0x2f: {  	[tilespmem:s14], [sflag:s12] =	stream.linear.gather @!p0 [hbm4b:s11+s9], $0x1000, $0x200038;
	[tilespmem:$0x9EC0] =	vst v63  }
0x30: {  	s3 =	sadd.s32 @!p0 s6, s3;
	s16 =	sshll.u32 @!p0 s10, $0x7;
	_ =	strace @!p0 $0x9000005D  }
0x31: {  	s10 =	sadd.s32 @!p0 $0x3, s10;
	s11 =	sadd.s32 @!p0 $0x9DC0, s16;
	_ =	strace @!p0 $0x8000005E  }
0x32: {  	[tilespmem:s11], [sflag:s10] =	stream.linear.gather @!p0 [hbm4b:s3+s9], $0x80, $0x200038;
	[tilespmem:$0x9EC0] =	vst v63  }
0x33: {  	s21 =	simm.s32 $0x0;
	s22 =	simm.s32 $0x0;
	_ =	strace @!p0 $0x9000005E  }
0x34: {  	s24 =	sand.u32 $0x1000, s21;
	s17 =	sand.u32 $0x80, s22;
	_ =	strace $0x8000005F  }
0x35: {  	p1 =	sne.s32 s25, $0x0;
	s22 =	sadd.s32 $0x9DC0, s17;
	_ =	swait.ge [sflag:s20], $0x1000  }
0x36: {  	s12 =	simm.s32 $0x11;
	s14 =	sadd.s32 $0x1, s25;
	[sflag:s20] =	ssyncset.done $0x0  }
0x37: {  	s10 =	simm.s32 $0x1;
	s3 =	sadd.s32 $0x3, s19;
	[sflag:s20] =	ssyncadd.s32 $0xFFFFF000  }
0x38: {  	s19 =	simm.s32 @!p0 $0x2;
	s10 =	simm.s32 @!p1 $0x0;
	_ =	strace $0x9000005F  }
0x39: {  	s19 =	smov.u32 @p0 s29;
	s9 =	sadd.s32 $0x0, s10;
	_ =	strace $0x80000060  }
0x3a: {  	s10 =	simm.s32 @!p0 $0x1;
	s11 =	sand.u32 $0x1, s9;
	_ =	swait.ge [sflag:s3], $0x80  }
0x3b: {  	s10 =	simm.s32 @p0 $0x0;
	p0 =	seq.s32 s14, $0x14;
	[sflag:s3] =	ssyncset.done $0x0  }
0x3c: {  	s31 =	sshll.u32 s9, $0x7;
	s16 =	sshll.u32 s9, $0xC;
	[sflag:s3] =	ssyncadd.s32 $0xFFFFFF80  }
0x3d: {  	s14 =	simm.s32 @p0 $0x0;
	s17 =	sand.u32 $0x80, s31;
	_ =	strace $0x90000060  }
0x3e: {  	p0 =	sne.s32 s25, s14;
	s3 =	sadd.s32 $0x7DC0, s24;
	_ =	strace $0x80000061  }
0x3f: {  	[spmem:s1] =	stream.indirect.scatter.add.f32 [tilespmem:s3], [sflag:$0x5], $0x20, s22, s26, $0x2000b8;
	[tilespmem:$0x9EC0] =	vst v63  }
0x40: {  	s24 =	sadd.s32 $0x1, s10;
	s10 =	smov.u32 s11;
	s3 =	smov.u32 s9  }
.LBB2_2:
0x41: {  	s4 =	smov.u32 s19  }
0x42: {  	s12 =	sadd.s32 $0xFFFFFFFF, s12;
	s19 =	simm.s32 $0x1;
	s18 =	smov.u32 s16  }
0x43: {  	s20 =	smov.u32 s17;
	s19 =	simm.s32 @!p0 $0x0;
	_ =	swait.ge [sflag:s28], $0x1000  }
0x44: {  	s9 =	sadd.s32 s19, s9;
	s3 =	sadd.s32 s19, s3;
	[sflag:s28] =	ssyncset.done $0x0  }
0x45: {  	p0 =	seq.s32 s25, s14;
	s21 =	sand.u32 $0x1, s9;
	[sflag:s28] =	ssyncadd.s32 $0xFFFFF000  }
0x46: {  	[spmem:s2] =	stream.indirect.scatter.add.f32 [tilespmem:s23], [sflag:$0x5], $0x10, s22, s26, $0x2000b8;
	[tilespmem:$0x9EC0] =	vst v63  }
0x47: {  	s16 =	simm.s32 @!p0 $0x0;
	s17 =	sand.u32 @!p0 $0x1, s24;
	_ =	swait.ge [sflag:s28], $0x800  }
0x48: {  	s19 =	sadd.s32 @!p0 s15, s14;
	s22 =	sand.u32 @!p0 $0x1, s4;
	[sflag:s28] =	ssyncset.done $0x0  }
0x49: {  	s25 =	sshll.u32 @!p0 s19, $0x9;
	s19 =	sshll.u32 @!p0 s19, $0x4;
	[sflag:s28] =	ssyncadd.s32 $0xFFFFF800  }
0x4a: {  	s25 =	sand.u32 @!p0 $0x1FFFFE00, s25;
	s31 =	sadd.s32 @!p0 $0x1, s22;
	_ =	strace $0x90000061  }
0x4b: {  	s22 =	sshll.u32 @!p0 s22, $0xC;
	s25 =	sadd.s32 @!p0 s7, s25;
	_ =	strace @!p0 $0x8000005D  }
0x4c: {  	s0 =	sshll.u32 @!p0 s17, $0x7;
	s19 =	sand.u32 @!p0 $0x1FFFFFF0, s19;
	s22 =	sadd.s32 @!p0 $0x7DC0, s22  }
0x4d: {  	[tilespmem:s22], [sflag:s31] =	stream.linear.gather @!p0 [hbm4b:s25+s16], $0x1000, $0x200038;
	[tilespmem:$0x9EC0] =	vst v63  }
0x4e: {  	s0 =	sadd.s32 @!p0 $0x9DC0, s0;
	s22 =	sadd.s32 @!p0 s6, s19;
	_ =	strace @!p0 $0x9000005D  }
0x4f: {  	s17 =	sadd.s32 @!p0 $0x3, s17;
	s19 =	sadd.s32 @!p0 $0x1, s4;
	_ =	strace @!p0 $0x8000005E  }
0x50: {  	[tilespmem:s0], [sflag:s17] =	stream.linear.gather @!p0 [hbm4b:s22+s16], $0x80, $0x200038;
	[tilespmem:$0x9EC0] =	vst v63  }
0x51: {  	s19 =	smov.u32 @p0 s4;
	s0 =	simm.s32 @!p0 $0x1;
	_ =	strace @!p0 $0x9000005E  }
0x52: {  	s4 =	sadd.s32 $0x1, s11;
	s0 =	simm.s32 @p0 $0x0;
	_ =	strace $0x8000005F  }
0x53: {  	s22 =	sand.u32 $0x1, s3;
	s24 =	sadd.s32 s24, s0;
	_ =	swait.ge [sflag:s4], $0x1000  }
0x54: {  	s16 =	sshll.u32 s9, $0xC;
	s0 =	sshll.u32 s3, $0x7;
	[sflag:s4] =	ssyncset.done $0x0  }
0x55: {  	p1 =	sne.s32 s12, $0x0;
	s17 =	sand.u32 $0x80, s0;
	[sflag:s4] =	ssyncadd.s32 $0xFFFFF000  }
0x56: {  	s25 =	smov.u32 s14;
	s11 =	smov.u32 s21;
	_ =	strace $0x9000005F  }
0x57: {  	s0 =	sadd.s32 $0x3, s10;
	s10 =	smov.u32 s22;
	_ =	strace $0x80000060  }
0x58: {  	_ =	swait.ge [sflag:s0], $0x80  }
.Ltmp0:
0x59: {  	s14 =	sadd.s32 $0x1, s14;
	[sflag:s0] =	ssyncset.done $0x0;
	(pc) =	sbr.rel @p1 .LBB2_2-.Ltmp0, $4  }
0x5a: {  	p0 =	seq.s32 s14, $0x14;
	s22 =	sadd.s32 $0x9DC0, s20;
	[sflag:s0] =	ssyncadd.s32 $0xFFFFFF80  }
0x5b: {  	s14 =	simm.s32 @p0 $0x0;
	s0 =	sand.u32 $0x1000, s18;
	_ =	strace $0x90000060  }
0x5c: {  	p0 =	sne.s32 s25, s14;
	s0 =	sadd.s32 $0x7DC0, s0;
	_ =	strace $0x80000061  }
0x5d: {  	[spmem:s1] =	stream.indirect.scatter.add.f32 [tilespmem:s0], [sflag:$0x5], $0x20, s22, s26, $0x2000b8;
	[tilespmem:$0x9EC0] =	vst v63  }
0x5e: {  	_ =	swait.ge [sflag:s28], $0x1000  }
0x5f: {  	p1 =	seq.s32 s25, s14;
	[sflag:s28] =	ssyncset.done $0x0  }
0x60: {  	s0 =	simm.s32 @!p1 $0x0;
	s4 =	sand.u32 @!p1 $0x1, s24;
	[sflag:s28] =	ssyncadd.s32 $0xFFFFF000  }
0x61: {  	[spmem:s2] =	stream.indirect.scatter.add.f32 [tilespmem:s23], [sflag:$0x5], $0x10, s22, s26, $0x2000b8;
	[tilespmem:$0x9EC0] =	vst v63  }
0x62: {  	s12 =	sadd.s32 @!p1 s15, s14;
	s14 =	sand.u32 @!p1 $0x1, s19;
	_ =	swait.ge [sflag:s28], $0x800  }
0x63: {  	s18 =	sshll.u32 @!p1 s12, $0x9;
	s19 =	sadd.s32 @!p1 $0x1, s14;
	[sflag:s28] =	ssyncset.done $0x0  }
0x64: {  	s14 =	sshll.u32 @!p1 s14, $0xC;
	s18 =	sand.u32 @!p1 $0x1FFFFE00, s18;
	[sflag:s28] =	ssyncadd.s32 $0xFFFFF800  }
0x65: {  	s12 =	sshll.u32 @!p1 s12, $0x4;
	s14 =	sadd.s32 @!p1 $0x7DC0, s14;
	_ =	strace $0x90000061  }
0x66: {  	s12 =	sand.u32 @!p1 $0x1FFFFFF0, s12;
	s18 =	sadd.s32 @!p1 s7, s18;
	_ =	strace @!p1 $0x8000005D  }
0x67: {  	[tilespmem:s14], [sflag:s19] =	stream.linear.gather @!p1 [hbm4b:s18+s0], $0x1000, $0x200038;
	[tilespmem:$0x9EC0] =	vst v63  }
0x68: {  	s12 =	sadd.s32 @!p1 s6, s12;
	s14 =	sshll.u32 @!p1 s4, $0x7;
	_ =	strace @!p1 $0x9000005D  }
0x69: {  	s4 =	sadd.s32 @!p1 $0x3, s4;
	s14 =	sadd.s32 @!p1 $0x9DC0, s14;
	_ =	strace @!p1 $0x8000005E  }
0x6a: {  	[tilespmem:s14], [sflag:s4] =	stream.linear.gather @!p1 [hbm4b:s12+s0], $0x80, $0x200038;
	[tilespmem:$0x9EC0] =	vst v63  }
0x6b: {  	_ =	strace @!p1 $0x9000005E  }
0x6c: {  	s19 =	sadd.s32 $0x1, s11;
	_ =	strace $0x8000005F  }
0x6d: {  	_ =	swait.ge [sflag:s19], $0x1000  }
0x6e: {  	[sflag:s19] =	ssyncset.done $0x0  }
0x6f: {  	[sflag:s19] =	ssyncadd.s32 $0xFFFFF000  }
0x70: {  	_ =	strace $0x9000005F  }
0x71: {  	s20 =	sadd.s32 $0x3, s10;
	_ =	strace $0x80000060  }
0x72: {  	_ =	swait.ge [sflag:s20], $0x80  }
0x73: {  	[sflag:s20] =	ssyncset.done $0x0  }
0x74: {  	[sflag:s20] =	ssyncadd.s32 $0xFFFFFF80  }
0x75: {  	s21 =	sand.u32 $0x1000, s16;
	_ =	strace $0x90000060  }
0x76: {  	s22 =	sadd.s32 $0x9DC0, s17;
	s0 =	sadd.s32 $0x7DC0, s21;
	_ =	strace $0x80000061  }
0x77: {  	[spmem:s1] =	stream.indirect.scatter.add.f32 [tilespmem:s0], [sflag:$0x5], $0x20, s22, s26, $0x2000b8;
	[tilespmem:$0x9EC0] =	vst v63  }
0x78: {  	_ =	swait.ge [sflag:s28], $0x1000  }
0x79: {  	[sflag:s28] =	ssyncset.done $0x0  }
0x7a: {  	[sflag:s28] =	ssyncadd.s32 $0xFFFFF000  }
0x7b: {  	[spmem:s2] =	stream.indirect.scatter.add.f32 [tilespmem:s23], [sflag:$0x5], $0x10, s22, s26, $0x2000b8;
	[tilespmem:$0x9EC0] =	vst v63  }
0x7c: {  	s0 =	simm.s32 $0x1;
	_ =	swait.ge [sflag:s28], $0x800  }
0x7d: {  	s0 =	simm.s32 @!p0 $0x0;
	[sflag:s28] =	ssyncset.done $0x0  }
0x7e: {  	s24 =	sadd.s32 s0, s9;
	[sflag:s28] =	ssyncadd.s32 $0xFFFFF800  }
0x7f: {  	s9 =	sand.u32 $0x1, s24;
	_ =	strace $0x90000061  }
0x80: {  	s9 =	sadd.s32 $0x1, s9;
	_ =	strace $0x8000005F  }
0x81: {  	_ =	swait.ge [sflag:s9], $0x1000  }
0x82: {  	[sflag:s9] =	ssyncset.done $0x0  }
0x83: {  	s0 =	sadd.s32 s0, s3;
	[sflag:s9] =	ssyncadd.s32 $0xFFFFF000  }
0x84: {  	s3 =	sand.u32 $0x1, s0;
	_ =	strace $0x9000005F  }
0x85: {  	s3 =	sadd.s32 $0x3, s3;
	_ =	strace $0x80000060  }
0x86: {  	_ =	swait.ge [sflag:s3], $0x80  }
0x87: {  	[sflag:s3] =	ssyncset.done $0x0  }
0x88: {  	s25 =	sshll.u32 s24, $0xC;
	s0 =	sshll.u32 s0, $0x7;
	[sflag:s3] =	ssyncadd.s32 $0xFFFFFF80  }
0x89: {  	s0 =	sand.u32 $0x80, s0;
	s3 =	sand.u32 $0x1000, s25;
	_ =	strace $0x90000060  }
0x8a: {  	s0 =	sadd.s32 $0x9DC0, s0;
	s3 =	sadd.s32 $0x7DC0, s3;
	_ =	strace $0x80000061  }
0x8b: {  	[spmem:s1] =	stream.indirect.scatter.add.f32 [tilespmem:s3], [sflag:$0x5], $0x20, s0, s26, $0x2000b8;
	[tilespmem:$0x9EC0] =	vst v63  }
0x8c: {  	_ =	swait.ge [sflag:s28], $0x1000  }
0x8d: {  	s31 =	simm.s32 $0x0;
	[sflag:s28] =	ssyncset.done $0x0  }
0x8e: {  	s17 =	simm.s32 $0x0;
	s11 =	simm.s32 $0x7DC0;
	[sflag:s28] =	ssyncadd.s32 $0xFFFFF000  }
0x8f: {  	[spmem:s2] =	stream.indirect.scatter.add.f32 [tilespmem:s23], [sflag:$0x5], $0x10, s0, s26, $0x2000b8;
	[tilespmem:$0x9EC0] =	vst v63  }
0x90: {  	s14 =	simm.s32 $0x9DC0;
	s4 =	simm.s32 $0x1;
	_ =	swait.ge [sflag:s28], $0x800  }
0x91: {  	s21 =	sand.u32 $0x1000, s17;
	s19 =	simm.s32 $0x0;
	[sflag:s28] =	ssyncset.done $0x0  }
0x92: {  	p0 =	por $0x0, $0x0;
	s25 =	simm.s32 $0x1;
	[sflag:s28] =	ssyncadd.s32 $0xFFFFF800  }
0x93: {  	s20 =	sand.u32 $0x80, s19;
	s25 =	simm.s32 @p0 $0x0;
	_ =	strace $0x90000061  }
0x94: {  	s22 =	sadd.s32 $0x9DC0, s20;
	p0 =	seq.s32 s25, $0x0;
	_ =	strace $0x80000062  }
0x95: {  	s3 =	sadd.s32 @!p0 s15, s25;
	s9 =	simm.s32 @!p0 $0x0;
	s10 =	rddreg [dreg:$0xb]  }
0x96: {  	[tilespmem:s11], [sflag:$0x1] =	stream.linear.gather [hbm4b:s10+s31], $0x1000, $0x200038;
	[tilespmem:$0x9EC0] =	vst v63  }
0x97: {  	s12 =	rddreg [dreg:$0xc];
	s11 =	sshll.u32 @!p0 s3, $0x9;
	s3 =	sshll.u32 @!p0 s3, $0x4  }
0x98: {  	s10 =	sand.u32 @!p0 $0x1, s4;
	s11 =	sand.u32 @!p0 $0x1FFFFE00, s11;
	s3 =	sand.u32 @!p0 $0x1FFFFFF0, s3  }
0x99: {  	[tilespmem:s14], [sflag:$0x3] =	stream.linear.gather [hbm4b:s12+s31], $0x80, $0x200038;
	[tilespmem:$0x9EC0] =	vst v63  }
0x9a: {  	s12 =	sadd.s32 @!p0 $0x1, s10;
	s14 =	sshll.u32 @!p0 s10, $0xC;
	_ =	strace $0x90000062  }
0x9b: {  	s11 =	sadd.s32 @!p0 s5, s11;
	s14 =	sadd.s32 @!p0 $0x7DC0, s14;
	_ =	strace @!p0 $0x80000063  }
0x9c: {  	[tilespmem:s14], [sflag:s12] =	stream.linear.gather @!p0 [hbm4b:s11+s9], $0x1000, $0x200038;
	[tilespmem:$0x9EC0] =	vst v63  }
0x9d: {  	s16 =	sshll.u32 @!p0 s10, $0x7;
	s3 =	sadd.s32 @!p0 s8, s3;
	_ =	strace @!p0 $0x90000063  }
0x9e: {  	s10 =	sadd.s32 @!p0 $0x3, s10;
	s11 =	sadd.s32 @!p0 $0x9DC0, s16;
	_ =	strace @!p0 $0x80000064  }
0x9f: {  	[tilespmem:s11], [sflag:s10] =	stream.linear.gather @!p0 [hbm4b:s3+s9], $0x80, $0x200038;
	[tilespmem:$0x9EC0] =	vst v63  }
0xa0: {  	p1 =	sne.s32 s25, $0x0;
	s0 =	sand.u32 $0x1, s31;
	_ =	strace @!p0 $0x90000064  }
0xa1: {  	s18 =	simm.s32 @!p0 $0x2;
	s16 =	sadd.s32 $0x1, s0;
	_ =	strace $0x80000065  }
0xa2: {  	s24 =	sadd.s32 $0x1, s25;
	s18 =	smov.u32 @p0 s4;
	_ =	swait.ge [sflag:s16], $0x1000  }
0xa3: {  	s14 =	simm.s32 $0x11;
	s9 =	simm.s32 $0x1;
	[sflag:s16] =	ssyncset.done $0x0  }
0xa4: {  	s0 =	sadd.s32 $0x3, s0;
	s9 =	simm.s32 @!p1 $0x0;
	[sflag:s16] =	ssyncadd.s32 $0xFFFFF000  }
0xa5: {  	s3 =	sadd.s32 $0x0, s9;
	s9 =	simm.s32 @!p0 $0x1;
	_ =	strace $0x90000065  }
0xa6: {  	s10 =	sand.u32 $0x1, s3;
	s9 =	simm.s32 @p0 $0x0;
	_ =	strace $0x80000066  }
0xa7: {  	p0 =	seq.s32 s24, $0x14;
	s31 =	sshll.u32 s3, $0x7;
	_ =	swait.ge [sflag:s0], $0x80  }
0xa8: {  	s12 =	sadd.s32 $0x1, s9;
	s24 =	simm.s32 @p0 $0x0;
	[sflag:s0] =	ssyncset.done $0x0  }
0xa9: {  	s17 =	sand.u32 $0x80, s31;
	s9 =	smov.u32 s3;
	[sflag:s0] =	ssyncadd.s32 $0xFFFFFF80  }
0xaa: {  	s11 =	smov.u32 s10;
	s16 =	sshll.u32 s3, $0xC;
	_ =	strace $0x90000066  }
0xab: {  	p0 =	sne.s32 s25, s24;
	s0 =	sadd.s32 $0x7DC0, s21;
	_ =	strace $0x80000067  }
0xac: {  	[spmem:s1] =	stream.indirect.scatter.add.f32 [tilespmem:s0], [sflag:$0x5], $0x20, s22, s26, $0x2000b8;
	[tilespmem:$0x9EC0] =	vst v63  }
.LBB2_4:
0xad: {  	s0 =	smov.u32 s18  }
0xae: {  	s14 =	sadd.s32 $0xFFFFFFFF, s14;
	s4 =	simm.s32 $0x1;
	s19 =	smov.u32 s16  }
0xaf: {  	s20 =	smov.u32 s17;
	s4 =	simm.s32 @!p0 $0x0;
	_ =	swait.ge [sflag:s28], $0x1000  }
0xb0: {  	s3 =	sadd.s32 s4, s3;
	s9 =	sadd.s32 s4, s9;
	[sflag:s28] =	ssyncset.done $0x0  }
0xb1: {  	p0 =	seq.s32 s25, s24;
	s21 =	sand.u32 $0x1, s3;
	[sflag:s28] =	ssyncadd.s32 $0xFFFFF000  }
0xb2: {  	[spmem:s2] =	stream.indirect.scatter.add.f32 [tilespmem:s23], [sflag:$0x5], $0x10, s22, s26, $0x2000b8;
	[tilespmem:$0x9EC0] =	vst v63  }
0xb3: {  	s4 =	simm.s32 @!p0 $0x0;
	s16 =	sand.u32 @!p0 $0x1, s12;
	_ =	swait.ge [sflag:s28], $0x800  }
0xb4: {  	s17 =	sadd.s32 @!p0 s15, s24;
	s18 =	sand.u32 @!p0 $0x1, s18;
	[sflag:s28] =	ssyncset.done $0x0  }
0xb5: {  	s22 =	sshll.u32 @!p0 s17, $0x9;
	s17 =	sshll.u32 @!p0 s17, $0x4;
	[sflag:s28] =	ssyncadd.s32 $0xFFFFF800  }
0xb6: {  	s25 =	sadd.s32 @!p0 $0x1, s18;
	s22 =	sand.u32 @!p0 $0x1FFFFE00, s22;
	_ =	strace $0x90000067  }
0xb7: {  	s18 =	sshll.u32 @!p0 s18, $0xC;
	s22 =	sadd.s32 @!p0 s5, s22;
	_ =	strace @!p0 $0x80000063  }
0xb8: {  	s31 =	sshll.u32 @!p0 s16, $0x7;
	s18 =	sadd.s32 @!p0 $0x7DC0, s18;
	s17 =	sand.u32 @!p0 $0x1FFFFFF0, s17  }
0xb9: {  	[tilespmem:s18], [sflag:s25] =	stream.linear.gather @!p0 [hbm4b:s22+s4], $0x1000, $0x200038;
	[tilespmem:$0x9EC0] =	vst v63  }
0xba: {  	s17 =	sadd.s32 @!p0 s8, s17;
	s22 =	sadd.s32 @!p0 $0x9DC0, s31;
	_ =	strace @!p0 $0x90000063  }
0xbb: {  	s16 =	sadd.s32 @!p0 $0x3, s16;
	s18 =	sadd.s32 @!p0 $0x1, s0;
	_ =	strace @!p0 $0x80000064  }
0xbc: {  	[tilespmem:s22], [sflag:s16] =	stream.linear.gather @!p0 [hbm4b:s17+s4], $0x80, $0x200038;
	[tilespmem:$0x9EC0] =	vst v63  }
0xbd: {  	s18 =	smov.u32 @p0 s0;
	s4 =	simm.s32 @!p0 $0x1;
	_ =	strace @!p0 $0x90000064  }
0xbe: {  	s0 =	sadd.s32 $0x1, s10;
	s4 =	simm.s32 @p0 $0x0;
	_ =	strace $0x80000065  }
0xbf: {  	s22 =	sand.u32 $0x1, s9;
	s12 =	sadd.s32 s12, s4;
	_ =	swait.ge [sflag:s0], $0x1000  }
0xc0: {  	s16 =	sshll.u32 s3, $0xC;
	s4 =	sshll.u32 s9, $0x7;
	[sflag:s0] =	ssyncset.done $0x0  }
0xc1: {  	p1 =	sne.s32 s14, $0x0;
	s17 =	sand.u32 $0x80, s4;
	[sflag:s0] =	ssyncadd.s32 $0xFFFFF000  }
0xc2: {  	s25 =	smov.u32 s24;
	s10 =	smov.u32 s21;
	_ =	strace $0x90000065  }
0xc3: {  	s0 =	sadd.s32 $0x3, s11;
	s11 =	smov.u32 s22;
	_ =	strace $0x80000066  }
0xc4: {  	_ =	swait.ge [sflag:s0], $0x80  }
.Ltmp1:
0xc5: {  	s24 =	sadd.s32 $0x1, s24;
	[sflag:s0] =	ssyncset.done $0x0;
	(pc) =	sbr.rel @p1 .LBB2_4-.Ltmp1, $4  }
0xc6: {  	p0 =	seq.s32 s24, $0x14;
	s22 =	sadd.s32 $0x9DC0, s20;
	[sflag:s0] =	ssyncadd.s32 $0xFFFFFF80  }
0xc7: {  	s24 =	simm.s32 @p0 $0x0;
	s0 =	sand.u32 $0x1000, s19;
	_ =	strace $0x90000066  }
0xc8: {  	p0 =	sne.s32 s25, s24;
	s0 =	sadd.s32 $0x7DC0, s0;
	_ =	strace $0x80000067  }
0xc9: {  	[spmem:s1] =	stream.indirect.scatter.add.f32 [tilespmem:s0], [sflag:$0x5], $0x20, s22, s26, $0x2000b8;
	[tilespmem:$0x9EC0] =	vst v63  }
0xca: {  	_ =	swait.ge [sflag:s28], $0x1000  }
0xcb: {  	p1 =	seq.s32 s25, s24;
	[sflag:s28] =	ssyncset.done $0x0  }
0xcc: {  	s0 =	sadd.s32 @!p1 s15, s24;
	s4 =	simm.s32 @!p1 $0x0;
	[sflag:s28] =	ssyncadd.s32 $0xFFFFF000  }
0xcd: {  	[spmem:s2] =	stream.indirect.scatter.add.f32 [tilespmem:s23], [sflag:$0x5], $0x10, s22, s26, $0x2000b8;
	[tilespmem:$0x9EC0] =	vst v63  }
0xce: {  	s18 =	sand.u32 @!p1 $0x1, s18;
	s12 =	sand.u32 @!p1 $0x1, s12;
	_ =	swait.ge [sflag:s28], $0x800  }
0xcf: {  	s14 =	sshll.u32 @!p1 s0, $0x9;
	s19 =	sadd.s32 @!p1 $0x1, s18;
	[sflag:s28] =	ssyncset.done $0x0  }
0xd0: {  	s18 =	sshll.u32 @!p1 s18, $0xC;
	s14 =	sand.u32 @!p1 $0x1FFFFE00, s14;
	[sflag:s28] =	ssyncadd.s32 $0xFFFFF800  }
0xd1: {  	s0 =	sshll.u32 @!p1 s0, $0x4;
	s18 =	sadd.s32 @!p1 $0x7DC0, s18;
	_ =	strace $0x90000067  }
0xd2: {  	s0 =	sand.u32 @!p1 $0x1FFFFFF0, s0;
	s14 =	sadd.s32 @!p1 s5, s14;
	_ =	strace @!p1 $0x80000063  }
0xd3: {  	[tilespmem:s18], [sflag:s19] =	stream.linear.gather @!p1 [hbm4b:s14+s4], $0x1000, $0x200038;
	[tilespmem:$0x9EC0] =	vst v63  }
0xd4: {  	s0 =	sadd.s32 @!p1 s8, s0;
	s14 =	sshll.u32 @!p1 s12, $0x7;
	_ =	strace @!p1 $0x90000063  }
0xd5: {  	s12 =	sadd.s32 @!p1 $0x3, s12;
	s14 =	sadd.s32 @!p1 $0x9DC0, s14;
	_ =	strace @!p1 $0x80000064  }
0xd6: {  	[tilespmem:s14], [sflag:s12] =	stream.linear.gather @!p1 [hbm4b:s0+s4], $0x80, $0x200038;
	[tilespmem:$0x9EC0] =	vst v63  }
0xd7: {  	_ =	strace @!p1 $0x90000064  }
0xd8: {  	s12 =	sadd.s32 $0x1, s10;
	_ =	strace $0x80000065  }
0xd9: {  	_ =	swait.ge [sflag:s12], $0x1000  }
0xda: {  	[sflag:s12] =	ssyncset.done $0x0  }
0xdb: {  	[sflag:s12] =	ssyncadd.s32 $0xFFFFF000  }
0xdc: {  	_ =	strace $0x90000065  }
0xdd: {  	s14 =	sadd.s32 $0x3, s11;
	_ =	strace $0x80000066  }
0xde: {  	_ =	swait.ge [sflag:s14], $0x80  }
0xdf: {  	[sflag:s14] =	ssyncset.done $0x0  }
0xe0: {  	[sflag:s14] =	ssyncadd.s32 $0xFFFFFF80  }
0xe1: {  	s16 =	sand.u32 $0x1000, s16;
	_ =	strace $0x90000066  }
0xe2: {  	s18 =	sadd.s32 $0x9DC0, s17;
	s0 =	sadd.s32 $0x7DC0, s16;
	_ =	strace $0x80000067  }
0xe3: {  	[spmem:s1] =	stream.indirect.scatter.add.f32 [tilespmem:s0], [sflag:$0x5], $0x20, s18, s26, $0x2000b8;
	[tilespmem:$0x9EC0] =	vst v63  }
0xe4: {  	_ =	swait.ge [sflag:s28], $0x1000  }
0xe5: {  	[sflag:s28] =	ssyncset.done $0x0  }
0xe6: {  	[sflag:s28] =	ssyncadd.s32 $0xFFFFF000  }
0xe7: {  	[spmem:s2] =	stream.indirect.scatter.add.f32 [tilespmem:s23], [sflag:$0x5], $0x10, s18, s26, $0x2000b8;
	[tilespmem:$0x9EC0] =	vst v63  }
0xe8: {  	s0 =	simm.s32 $0x1;
	_ =	swait.ge [sflag:s28], $0x800  }
0xe9: {  	s0 =	simm.s32 @!p0 $0x0;
	[sflag:s28] =	ssyncset.done $0x0  }
0xea: {  	s3 =	sadd.s32 s0, s3;
	[sflag:s28] =	ssyncadd.s32 $0xFFFFF800  }
0xeb: {  	s19 =	sand.u32 $0x1, s3;
	_ =	strace $0x90000067  }
0xec: {  	s4 =	sadd.s32 $0x1, s19;
	_ =	strace $0x80000065  }
0xed: {  	_ =	swait.ge [sflag:s4], $0x1000  }
0xee: {  	[sflag:s4] =	ssyncset.done $0x0  }
0xef: {  	s0 =	sadd.s32 s0, s9;
	[sflag:s4] =	ssyncadd.s32 $0xFFFFF000  }
0xf0: {  	s20 =	sand.u32 $0x1, s0;
	_ =	strace $0x90000065  }
0xf1: {  	s4 =	sadd.s32 $0x3, s20;
	_ =	strace $0x80000066  }
0xf2: {  	_ =	swait.ge [sflag:s4], $0x80  }
0xf3: {  	[sflag:s4] =	ssyncset.done $0x0  }
0xf4: {  	s3 =	sshll.u32 s3, $0xC;
	s0 =	sshll.u32 s0, $0x7;
	[sflag:s4] =	ssyncadd.s32 $0xFFFFFF80  }
0xf5: {  	s3 =	sand.u32 $0x1000, s3;
	s0 =	sand.u32 $0x80, s0;
	_ =	strace $0x90000066  }
0xf6: {  	s3 =	sadd.s32 $0x7DC0, s3;
	s0 =	sadd.s32 $0x9DC0, s0;
	_ =	strace $0x80000067  }
0xf7: {  	[spmem:s1] =	stream.indirect.scatter.add.f32 [tilespmem:s3], [sflag:$0x5], $0x20, s0, s26, $0x2000b8;
	[tilespmem:$0x9EC0] =	vst v63  }
0xf8: {  	_ =	swait.ge [sflag:s28], $0x1000  }
0xf9: {  	[sflag:s28] =	ssyncset.done $0x0  }
0xfa: {  	[sflag:s28] =	ssyncadd.s32 $0xFFFFF000  }
0xfb: {  	[spmem:s2] =	stream.indirect.scatter.add.f32 [tilespmem:s23], [sflag:$0x5], $0x10, s0, s26, $0x2000b8;
	[tilespmem:$0x9EC0] =	vst v63  }
0xfc: {  	_ =	swait.ge [sflag:s28], $0x800  }
0xfd: {  	[sflag:s28] =	ssyncset.done $0x0  }
0xfe: {  	[sflag:s28] =	ssyncadd.s32 $0xFFFFF800  }
0xff: {  	_ =	strace $0x90000067  }
0x100: {  	[bflag:$0x0] =	sbarrier.arrive $0xFFFF  }
0x101: {  	s21 =	rddreg [dreg:$0xd]  }
0x102: {  	s22 =	rddreg [dreg:$0x10]  }
0x103: {  	[hbm:s21], [sflag:s13] =	dma.local [spmem:s22], $0x9D0  }
0x104: {  	_ =	swait.ge [sflag:s29], $0x9D0  }
0x105: {  	[sflag:s29] =	ssyncset.done $0x0;
	s24 =	rddreg [dreg:$0xe]  }
0x106: {  	s25 =	rddreg [dreg:$0x11];
	[sflag:s29] =	ssyncadd.s32 $0xFFFFF630  }
0x107: {  	[hbm:s24], [sflag:s13] =	dma.local [spmem:s25], $0x4E8  }
0x108: {  	_ =	swait.ge [sflag:s29], $0x4E8  }
0x109: {  	s30 =	sadd.s32 $0x1, s30;
	s31 =	rddreg [dreg:$0xf]  }
0x10a: {  	p0 =	sne.s32 s30, s31  }
.Ltmp2:
0x10b: {  	_ = 	snop;
	(pc) =	sbr.rel @p0 .LBB2_1-.Ltmp2, $3  }
0x10c: {  	_ =	sdelay $0x1  }
0x10d: {  	[sflag:s29] =	ssyncset.done $0x0  }
0x10e: {  	[sflag:s29] =	ssyncadd.s32 $0xFFFFFB18  }
0x10f: {  	_ =	sfence.sel $0x180000  }
0x110: {  	[bflag:$0x0] =	sbarrier.arrive $0xFFFF  }
0x111: {  	_ =	strace $0x9000005B  }
0x112: {  	s0 =	stileid.u32;
	[bflag:$0x2] =	sbarrier.arrive $0xFFFF  }
0x113: {  	p0 =	sne.s32 s0, $0x0;
	s0 =	rddreg [dreg:$0x3]  }
0x114: {  	s0 =	sadd.s32 @!p0 $0x100000, s0  }
0x115: {  	[sflag:s0] =	ssyncadd.tile.s32 @!p0 $0x1;
	_ =	shalt  }
.Lfunc_end2:
_tile_overlayer_lowered:
.L_overlay_start_2:
0x116: {  	(tag) =	ssettag $0x2  }
0x117: {  	s0 =	rddreg [dreg:$0x0];
	s2 =	stileid.u32  }
0x118: {  	s1 =	rddreg [dreg:$0x1];
	p0 =	sne.s32 s2, $0x0  }
0x119: {  	s3 =	rddreg [dreg:$0x2];
	[bflag:$0x3] =	sbarrier.arrive $0xFFFF;
	s2 =	simm.s32 @!p0 $0x1C01  }
0x11a: {  	[timem:s3], [sflag:s2] =	dma.local @!p0 [hbm:s0], s1  }
0x11b: {  	s0 =	simm.s32 @!p0 $0x1  }
0x11c: {  	_ =	swait.ge @!p0 [sflag:s0], s1  }
0x11d: {  	s1 =	ssub.s32 @!p0 $0x0, s1;
	[sflag:s0] =	ssyncset.done @!p0 $0x0  }
0x11e: {  	[sflag:s0] =	ssyncadd.s32 @!p0 s1  }
0x11f: {  	[bflag:$0x3] =	sbarrier.arrive $0xFFFF  }
0x120: {  	_ =	shalt  }

// kernel: kernel.8.cloned.1.call-start
scs
__scs_entry_jumppad:
0x0: {  	(pc) =	sbr.rel $0x88, $3  }
0x1: {  	(tag) =	ssettag $0x0;
	lr =	simm.s32 $0x1  }
0x2: {  	[smem:$0x3F96] =	sst lr;
	_ =	strace $0xD0000000  }
0x3: {  	_ = 	snop  }
0x4: {  	_ = 	snop  }
0x5: {  	_ = 	snop  }
0x6: {  	_ = 	snop  }
0x7: {  	_ = 	snop  }
__scs_overlays_trampoline_lowered:
0x8: {  	[smem:$0x3FA5] =	sst s0  }
0x9: {  	[smem:$0x3FA6] =	sst s1  }
0xa: {  	[smem:$0x3FA7] =	sst s2  }
0xb: {  	[smem:$0x3FA8] =	sst s3  }
0xc: {  	[smem:$0x3FA9] =	sst s4  }
0xd: {  	[smem:$0x3FAA] =	sst s5  }
0xe: {  	[smem:$0x3FAB] =	sst s6  }
0xf: {  	[smem:$0x3FAC] =	sst s7  }
0x10: {  	[smem:$0x3FAD] =	sst s8  }
0x11: {  	[smem:$0x3FAE] =	sst s9;
	s0 =	simm.s32 @!p0 $0x0  }
0x12: {  	s1 =	sld [smem:$0x3F94];
	s0 =	simm.s32 @p0 $0x1  }
0x13: {  	[smem:$0x3FAF] =	sst s0;
	s0 =	simm.s32 @!p1 $0x0  }
0x14: {  	s2 =	sld [smem:$0x3F93];
	s0 =	simm.s32 @p1 $0x1  }
0x15: {  	[smem:$0x3FB0] =	sst s0;
	s0 =	simm.s32 @!p2 $0x0  }
0x16: {  	s3 =	sld [smem:$0x3FDB];
	s0 =	simm.s32 @p2 $0x1  }
0x17: {  	s4 =	simm.s32 $0x1BF5;
	[smem:$0x3FB2] =	sst s0  }
0x18: {  	s0 =	sld [smem:$0x3F95];
	_ =	swait.ge [sflag:s4], $0x0  }
0x19: {  	s7 =	sld [smem:$0x3F96]  }
0x1a: {  	s8 =	sadd.s32 $0xFFFFE003, lr  }
0x1b: {  	s9 =	sadd.s32 $0xFFFFFEF7, lr;
	s5 =	simm.s32 $0xFFFFFFFF;
	p2 =	slt.u32 s8, $0xFFFFF086  }
0x1c: {  	p1 =	slt.u32 s9, $0xF7A;
	s5 =	simm.s32 @!p2 $0x0  }
0x1d: {  	s5 =	simm.s32 @p1 $0x1;
	p0 =	seq.s32 s7, s2  }
0x1e: {  	s7 =	smul.u32 @!p0 $0xF7A, s2;
	p2 =	seq.s32 @!p0 s5, $0x0  }
0x1f: {  	s9 =	smul.u32 $0xF7A, s1;
	s8 =	simm.s32 @!p0 $0x1BF5;
	p2 =	por !p2, p0  }
0x20: {  	[sflag:s8] =	ssyncset.s32 @!p0 $0xFFFFF086;
	s6 =	sadd.s32 @!p0 s3, s7;
	s7 =	simm.s32 @!p0 $0x108  }
0x21: {  	s3 =	sadd.s32 s3, s9;
	s6 =	sadd.s32 @!p0 $0x88, s6;
	s7 =	simm.s32 @p2 $0x1082  }
0x22: {  	[simem:s7], [sflag:s8] =	dma.local @!p0 [hbm:s6], $0xF7A  }
0x23: {  	s9 =	sor.u32 $0xD0000000, s2;
	s6 =	simm.s32 $0x108;
	_ =	swait.ge @!p0 [sflag:s8], $0x0  }
0x24: {  	s3 =	sadd.s32 $0x88, s3;
	s6 =	simm.s32 @!p1 $0x1082;
	[sflag:s4] =	ssyncset.s32 $0xFFFFF086  }
0x25: {  	[simem:s6], [sflag:s4] =	dma.local [hbm:s3], $0xF7A  }
0x26: {  	[smem:$0x3F96] =	sst s1;
	(tag) =	ssettag s2;
	_ =	strace s9  }
0x27: {  	s1 =	sld [smem:$0x3FA6]  }
0x28: {  	s2 =	sld [smem:$0x3FA7]  }
0x29: {  	s4 =	sld [smem:$0x3FA9]  }
0x2a: {  	p0 =	seq.s32 s5, $0x0;
	s5 =	sld [smem:$0x3FAA]  }
0x2b: {  	s6 =	sld [smem:$0x3FAB]  }
0x2c: {  	s7 =	sld [smem:$0x3FAC]  }
0x2d: {  	s3 =	simm.s32 $0x108;
	s8 =	sld [smem:$0x3FAD]  }
0x2e: {  	s3 =	simm.s32 @!p0 $0x1082;
	s9 =	sld [smem:$0x3FAE]  }
0x2f: {  	lr =	sadd.s32 s0, s3;
	s0 =	sld [smem:$0x3FA5]  }
0x30: {  	s3 =	sld [smem:$0x3FA8]  }
0x31: {  	[smem:$0x3FB1] =	sst s10  }
0x32: {  	s10 =	sld [smem:$0x3FAF];
	_ =	sdelay $0x3  }
0x33: {  	p0 =	seq.s32 s10, $0x1;
	s10 =	sld [smem:$0x3FB1];
	_ =	sdelay $0x3  }
0x34: {  	[smem:$0x3FB1] =	sst s10  }
0x35: {  	s10 =	sld [smem:$0x3FB0];
	_ =	sdelay $0x3  }
0x36: {  	p1 =	seq.s32 s10, $0x1;
	s10 =	sld [smem:$0x3FB1];
	_ =	sdelay $0x3  }
0x37: {  	[smem:$0x3FB1] =	sst s10  }
0x38: {  	s10 =	sld [smem:$0x3FB2]  }
0x39: {  	_ = 	snop;
	(pc) =	sbr.ind lr, $3  }
0x3a: {  	_ = 	snop  }
0x3b: {  	_ = 	snop  }
0x3c: {  	p2 =	seq.s32 s10, $0x1;
	s10 =	sld [smem:$0x3FB1]  }
0x3d: {  	_ =	shalt  }
0x3e: {  	_ =	shalt  }
0x3f: {  	_ =	shalt  }
0x40: {  	_ =	shalt  }
0x41: {  	_ =	shalt  }
0x42: {  	_ =	shalt  }
0x43: {  	_ =	shalt  }
0x44: {  	_ =	shalt  }
0x45: {  	_ =	shalt  }
0x46: {  	_ =	shalt  }
0x47: {  	_ =	shalt  }
0x48: {  	_ =	shalt  }
0x49: {  	_ =	shalt  }
0x4a: {  	_ =	shalt  }
0x4b: {  	_ =	shalt  }
0x4c: {  	_ =	shalt  }
0x4d: {  	_ =	shalt  }
0x4e: {  	_ =	shalt  }
0x4f: {  	_ =	shalt  }
0x50: {  	_ =	shalt  }
0x51: {  	_ =	shalt  }
0x52: {  	_ =	shalt  }
0x53: {  	_ =	shalt  }
0x54: {  	_ =	shalt  }
0x55: {  	_ =	shalt  }
0x56: {  	_ =	shalt  }
0x57: {  	_ =	shalt  }
0x58: {  	_ =	shalt  }
0x59: {  	_ =	shalt  }
0x5a: {  	_ =	shalt  }
0x5b: {  	_ =	shalt  }
0x5c: {  	_ =	shalt  }
0x5d: {  	_ =	shalt  }
0x5e: {  	_ =	shalt  }
0x5f: {  	_ =	shalt  }
0x60: {  	_ =	shalt  }
0x61: {  	_ =	shalt  }
0x62: {  	_ =	shalt  }
0x63: {  	_ =	shalt  }
0x64: {  	_ =	shalt  }
0x65: {  	_ =	shalt  }
0x66: {  	_ =	shalt  }
0x67: {  	_ =	shalt  }
0x68: {  	_ =	shalt  }
0x69: {  	_ =	shalt  }
0x6a: {  	_ =	shalt  }
0x6b: {  	_ =	shalt  }
0x6c: {  	_ =	shalt  }
0x6d: {  	_ =	shalt  }
0x6e: {  	_ =	shalt  }
0x6f: {  	_ =	shalt  }
0x70: {  	_ =	shalt  }
0x71: {  	_ =	shalt  }
0x72: {  	_ =	shalt  }
0x73: {  	_ =	shalt  }
0x74: {  	_ =	shalt  }
0x75: {  	_ =	shalt  }
0x76: {  	_ =	shalt  }
0x77: {  	_ =	shalt  }
0x78: {  	_ =	shalt  }
0x79: {  	_ =	shalt  }
0x7a: {  	_ =	shalt  }
0x7b: {  	_ =	shalt  }
0x7c: {  	_ =	shalt  }
0x7d: {  	_ =	shalt  }
0x7e: {  	_ =	shalt  }
0x7f: {  	_ =	shalt  }
0x80: {  	_ =	shalt  }
0x81: {  	_ =	shalt  }
0x82: {  	_ =	shalt  }
0x83: {  	_ =	shalt  }
0x84: {  	_ =	shalt  }
0x85: {  	_ =	shalt  }
0x86: {  	_ =	shalt  }
0x87: {  	_ =	shalt  }
.Lfunc_end0:
.L_simem_size_0:
called_computation_lowered:
.L_overlay_start_0:
0x88: {  	s2 =	sld [smem:$0x3FD9]  }
0x89: {  	s3 =	sld [smem:$0x3FFE];
	_ =	sdelay $0x1  }
0x8a: {  	s1 =	srdreg.scid  }
0x8b: {  	s0 =	sand.u32 $0x1, s1  }
0x8c: {  	s16 =	sshll.u32 s0, $0xA;
	s2 =	sadd.s32 s3, s2  }
0x8d: {  	s2 =	sadd.s32 s2, s16  }
0x8e: {  	[smem:$0x3FBD] =	sst s2  }
0x8f: {  	_ = 	snop  }
0x90: {  	(tm) =	ssettm $0x1  }
0x91: {  	s17 =	sld [smem:$0x3FFB];
	_ =	sdelay $0x3  }
0x92: {  	_ =	strace s17  }
0x93: {  	s2 =	sld [smem:$0x3FFC];
	_ =	sdelay $0x3  }
0x94: {  	_ =	strace s2  }
0x95: {  	s2 =	sld [smem:$0x3FFD];
	_ =	sdelay $0x3  }
0x96: {  	_ =	strace s2  }
0x97: {  	_ =	strace $0x8FFFFFFF  }
0x98: {  	s18 =	sld [smem:$0x3FDB];
	_ =	sdelay $0x1  }
0x99: {  	s19 =	simm.s32 $_scs_section_size  }
0x9a: {  	s4 =	simm.s32 $_size__tile_overlayer_lowered;
	s5 =	simm.s32 $_tile_overlayer_lowered  }
0x9b: {  	s22 =	simm.s32 $0x1BFF;
	s21 =	sshll.u32 s5, $0x1;
	s2 =	sadd.s32 s19, s18  }
0x9c: {  	s6 =	simm.s32 $0x0;
	s20 =	sshll.u32 s4, $0x1;
	s4 =	sadd.s32 s21, s2  }
0x9d: {  	[timem:s6], [sflag:s22] =	dma.local [hbm:s4], s20  }
0x9e: {  	_ =	swait.ge [sflag:s22], s20  }
0x9f: {  	s3 =	ssub.s32 $0x0, s20;
	[sflag:s22] =	ssyncset.done $0x0  }
0xa0: {  	[sflag:s22] =	ssyncadd.s32 s3;
	_ =	sdelay $0x1  }
0xa1: {  	s23 =	simm.s32 $0x1B8B  }
0xa2: {  	_ =	swait.ge [sflag:s23], $0x1  }
0xa3: {  	[sflag:s23] =	ssyncset.done $0x0  }
0xa4: {  	s25 =	simm.s32 $0x1B8E;
	s24 =	sld [smem:$0x3FFE];
	[sflag:s23] =	ssyncadd.s32 $0xFFFFFFFF  }
0xa5: {  	s26 =	simm.s32 $execute0_lowered;
	[smem:$0x3FD2] =	sst s25  }
0xa6: {  	s4 =	sshll.u32 s26, $0x1;
	_ =	strace $0x80000046;
	[dreg:$0x1] =	wrdreg $0xFFFFFFFF  }
0xa7: {  	s28 =	simm.s32 $_size_execute0_lowered;
	s2 =	sadd.s32 s2, s4;
	[dreg:$0x0] =	wrdreg $0x0  }
0xa8: {  	s4 =	sshll.u32 s28, $0x1;
	[dreg:$0x2] =	wrdreg s2  }
0xa9: {  	[dreg:$0x3] =	wrdreg s4  }
0xaa: {  	[dreg:$0x4] =	wrdreg $0xC0  }
0xab: {  	_ =	task [dreg:s6], $0x5FFFF  }
0xac: {  	[dreg:$0x1] =	wrdreg $0xFFFFFFFF  }
0xad: {  	[dreg:$0x0] =	wrdreg $0x60  }
0xae: {  	[dreg:$0x2] =	wrdreg s24  }
0xaf: {  	[dreg:$0x3] =	wrdreg $0x9  }
0xb0: {  	_ =	task.clear_ibuf [dreg:s6], $0x4FFFF;
	_ =	strace $0x90000046  }
0xb1: {  	s29 =	simm.s32 $0x9;
	_ =	strace $0x8000004F  }
0xb2: {  	_ =	swait.ge [sflag:s29], $0x1  }
0xb3: {  	[sflag:s29] =	ssyncadd.s32 $0xFFFFFFFF  }
0xb4: {  	_ =	strace $0x9000004F  }
0xb5: {  	_ =	sfence  }
0xb6: {  	s30 =	sld [smem:$0x0];
	_ =	sdelay $0x2  }
0xb7: {  	s31 =	sshll.u32 s1, $0xD;
	s1 =	sshrl.u32 s1, $0x2  }
0xb8: {  	s3 =	sand.u32 $0x4000, s31;
	s1 =	sadd.s32 s1, s30  }
0xb9: {  	s0 =	sor.u32 s3, s0;
	s1 =	sshll.u32 s1, $0x11  }
0xba: {  	s0 =	sor.u32 s1, s0  }
0xbb: {  	s0 =	sadd.s32 $0x8F2B, s0  }
0xbc: {  	[sflag:s0] =	ssyncadd.remote.s32 $0x1  }
0xbd: {  	_ =	sfence.sel $0xFFFF  }
0xbe: {  	[dreg:$0x0] =	wrdreg $0xFFFFFFFF;
	(pc) =	sbr.abs _section_cstart, $3  }
0xbf: {  	[dreg:$0x1] =	wrdreg $0xFFFFFFFF  }
0xc0: {  	_ =	task.clear_ibuf [dreg:s6], $0x2FFFF;
	_ =	strace $0x9FFFFFFF  }
0xc1: {  	(tm) =	ssettm $0x7FFFFFFF  }
tec
execute0_lowered:
.L_overlay_start_1:
0x0: {  	(tag) =	ssettag $0x1  }
0x1: {  	s3 =	rddreg [dreg:$0x0]  }
0x2: {  	s0 =	rddreg [dreg:$0x1];
	s1 =	simm.s32 $0x0;
	s2 =	srdreg.scid  }
0x3: {  	s31 =	simm.s32 $0x80;
	s9 =	simm.s32 $0x4;
	s10 =	simm.s32 $0x0  }
0x4: {  	[smem:$0x7FF] =	sst s1;
	s4 =	sand.u32 $0x1, s2;
	s5 =	sadd.s32 $0x3400, s3  }
0x5: {  	s2 =	stileid.u32;
	s29 =	sadd.s32 $0x12200, s3;
	s3 =	sadd.s32 $0xD200, s3  }
0x6: {  	_ =	strace $0x80000047;
	s6 =	sshll.u32 s4, $0x4;
	[dreg:$0x2] =	wrdreg s5  }
0x7: {  	s4 =	ssub.s32 $0x2, s4;
	[dreg:$0x4] =	wrdreg s29;
	s28 =	sor.u32 s2, s6  }
0x8: {  	[dreg:$0x3] =	wrdreg s31;
	s7 =	sshrl.u32 s4, $0x1;
	s8 =	smul.u32 $0x140, s28  }
0x9: {  	s30 =	ssub.s32 s4, s7;
	s4 =	smul.u32 $0x14, s28;
	s7 =	simm.s32 $0x1  }
0xa: {  	s6 =	smax.u32 s30, $0x1;
	s5 =	sadd.s32 s3, s8;
	s8 =	simm.s32 $0x5  }
.LBB2_1:
0xb: {  	_ =	strace $0x80000048;
	s11 =	simm.s32 $0x1;
	p0 =	por $0x0, $0x0  }
0xc: {  	[tilespmem:s1], [sflag:$0x1] =	stream.linear.gather [hbm4b:s5+s1], $0x80, $0x200038;
	[tilespmem:$0x2100] =	vst v63  }
0xd: {  	s11 =	simm.s32 @p0 $0x0  }
0xe: {  	p4 =	por $0x1, $0x1;
	s20 =	sand.u32 $0x1, s1;
	p1 =	sne.s32 s11, $0x0  }
0xf: {  	p2 =	por $0x1, $0x1;
	s18 =	simm.s32 $0x12;
	p0 =	por !p4, !p1  }
0x10: {  	s16 =	simm.s32 $0x0;
	p5 =	por $0x0, $0x0;
	p0 =	por !p0, !p0  }
0x11: {  	s23 =	sadd.s32 $0x0, s4;
	s30 =	sadd.s32 $0x1, s20;
	s12 =	sadd.s32 @p0 s4, s11  }
0x12: {  	_ =	strace $0x90000048;
	s13 =	sand.u32 @p0 $0x1, s7;
	s12 =	sshll.u32 @p0 s12, $0x4  }
0x13: {  	_ =	strace @p0 $0x80000049;
	s15 =	simm.s32 @p0 $0x0;
	s12 =	sand.u32 @p0 $0x1FFFFFF0, s12  }
0x14: {  	s14 =	sshll.u32 @p0 s13, $0x7;
	s13 =	sadd.s32 @p0 $0x1, s13;
	s12 =	sadd.s32 @p0 s3, s12  }
0x15: {  	[tilespmem:s14], [sflag:s13] =	stream.linear.gather @p0 [hbm4b:s12+s15], $0x80, $0x200038;
	[tilespmem:$0x2100] =	vst v63  }
0x16: {  	p3 =	por p2, p2;
	s21 =	sshll.u32 s20, $0xC;
	_ =	strace @p0 $0x90000049  }
0x17: {  	s16 =	sand.u32 $0x80, s16;
	p2 =	por p5, p5;
	_ =	strace $0x8000004A  }
0x18: {  	s17 =	sadd.s32 $0x1, s11;
	s22 =	sor.u32 $0x100, s21;
	_ =	swait.ge [sflag:s30], $0x80  }
0x19: {  	s21 =	simm.s32 $0x1;
	p6 =	por p1, p1;
	[sflag:s30] =	ssyncset.done $0x0  }
0x1a: {  	p1 =	por p3, p3;
	p4 =	por $0x1, $0x1;
	[sflag:s30] =	ssyncadd.s32 $0xFFFFFF80  }
0x1b: {  	s12 =	simm.s32 $0x13;
	s15 =	sand.u32 @!p3 $0x1, s1;
	_ =	strace $0x9000004A  }
0x1c: {  	s13 =	simm.s32 $0x1;
	p3 =	seq.s32 s17, $0x14;
	_ =	strace $0x8000004B  }
0x1d: {  	s13 =	simm.s32 @!p0 $0x0;
	s17 =	simm.s32 @p3 $0x0;
	s19 =	rddreg [dreg:$0x3]  }
0x1e: {  	p0 =	por $0x0, $0x0;
	s14 =	sadd.s32 $0x1, s13;
	s31 =	rddreg [dreg:$0x2]  }
0x1f: {  	[tilespmem:s22], [sflag:$0x5] =	stream.indirect.gather [hbm4b:s31+s19], $0x20, s16, s19, $0x2000b8;
	[tilespmem:$0x2100] =	vst v63  }
0x20: {  	p3 =	sne.s32 s11, s17;
	s21 =	simm.s32 @!p0 $0x0;
	_ =	swait.ge [sflag:s8], $0x1000  }
0x21: {  	p5 =	por !p4, !p3;
	p4 =	por $0x0, $0x0;
	[sflag:s8] =	ssyncset.done $0x0  }
0x22: {  	s13 =	simm.s32 $0x0;
	p6 =	por p4, p6;
	[sflag:s8] =	ssyncadd.s32 $0xFFFFF000  }
0x23: {  	s16 =	simm.s32 $0x0;
	s19 =	simm.s32 $0x0;
	_ =	strace $0x9000004B  }
.LBB2_2:
0x24: {  	_ =	strace @p6 $0x8000004C;
	s13 =	sadd.s32 s21, s13;
	s21 =	smov.u32 s12  }
0x25: {  	s12 =	smov.u32 s18;
	s18 =	sadd.s32 $0xFFFFFFFF, s18;
	p0 =	por p3, p3  }
0x26: {  	s28 =	sshll.u32 @p6 s23, $0x9;
	s20 =	sadd.s32 @p6 $0x3, s20;
	s24 =	simm.s32 @!p0 $0x0  }
0x27: {  	s25 =	rddreg [dreg:$0x4];
	s28 =	sand.u32 @p6 $0x1FFFFE00, s28;
	s24 =	simm.s32 @p0 $0x1  }
0x28: {  	s25 =	sadd.s32 @p6 s25, s28;
	s28 =	simm.s32 @p6 $0x0;
	p0 =	sne.s32 s18, $0x0  }
0x29: {  	[hbm4b:s25+s28] =	stream.linear.scatter @p6 [tilespmem:s22], [sflag:s20], $0x1000, $0x200038;
	[tilespmem:$0x2100] =	vst v63  }
0x2a: {  	s20 =	sadd.s32 @!p1 $0x3, s15;
	s15 =	simm.s32 @!p0 $0x0  }
0x2b: {  	s26 =	simm.s32 $0x1;
	[smem:$0x7FC] =	sst s24;
	s15 =	simm.s32 @p0 $0x1  }
0x2c: {  	s26 =	simm.s32 @!p6 $0x0;
	_ =	strace @p6 $0x9000004C;
	[smem:$0x7FD] =	sst s15  }
0x2d: {  	p5 =	por !p5, !p5;
	s19 =	sadd.s32 s26, s19;
	_ =	strace @!p1 $0x8000004D  }
0x2e: {  	s24 =	sand.u32 @!p2 $0x1, s13;
	s22 =	sand.u32 @p5 $0x1, s14;
	_ =	swait.ge @!p1 [sflag:s20], $0x1000  }
0x2f: {  	s15 =	smov.u32 s24;
	s24 =	sadd.s32 @p5 s4, s17;
	[sflag:s20] =	ssyncset.done @!p1 $0x0  }
0x30: {  	s25 =	sshll.u32 @p5 s22, $0x7;
	s24 =	sshll.u32 @p5 s24, $0x4;
	[sflag:s20] =	ssyncadd.s32 @!p1 $0xFFFFF000  }
0x31: {  	s20 =	sadd.s32 @p5 $0x1, s22;
	s22 =	sand.u32 @p5 $0x1FFFFFF0, s24;
	_ =	strace @!p1 $0x9000004D  }
0x32: {  	s24 =	simm.s32 @p5 $0x0;
	s22 =	sadd.s32 @p5 s3, s22;
	_ =	strace @p5 $0x80000049  }
0x33: {  	[tilespmem:s25], [sflag:s20] =	stream.linear.gather @p5 [hbm4b:s22+s24], $0x80, $0x200038;
	[tilespmem:$0x2100] =	vst v63  }
0x34: {  	s16 =	sadd.s32 s26, s16;
	s26 =	sand.u32 $0x1, s19;
	_ =	strace @p5 $0x90000049  }
0x35: {  	s24 =	sadd.s32 $0x1, s26;
	_ =	strace $0x8000004A  }
0x36: {  	_ =	swait.ge [sflag:s24], $0x80  }
0x37: {  	[sflag:s24] =	ssyncset.done $0x0  }
0x38: {  	s20 =	simm.s32 $0x1;
	[sflag:s24] =	ssyncadd.s32 $0xFFFFFF80  }
0x39: {  	s20 =	simm.s32 @!p5 $0x0;
	_ =	strace $0x9000004A  }
0x3a: {  	s14 =	sadd.s32 s20, s14;
	s20 =	sand.u32 $0x1, s16;
	_ =	strace $0x8000004B  }
0x3b: {  	s29 =	sshll.u32 s19, $0x7;
	s25 =	sshll.u32 s20, $0xC;
	s26 =	rddreg [dreg:$0x3]  }
0x3c: {  	s29 =	sand.u32 $0x80, s29;
	s22 =	sor.u32 $0x100, s25;
	s30 =	rddreg [dreg:$0x2]  }
0x3d: {  	[tilespmem:s22], [sflag:$0x5] =	stream.indirect.gather [hbm4b:s30+s26], $0x20, s29, s26, $0x2000b8;
	[tilespmem:$0x2100] =	vst v63  }
0x3e: {  	_ =	swait.ge [sflag:s8], $0x1000  }
0x3f: {  	s31 =	sadd.s32 $0x1, s17;
	[sflag:s8] =	ssyncset.done $0x0  }
0x40: {  	s23 =	sadd.s32 s4, s11;
	s11 =	smov.u32 s17;
	[sflag:s8] =	ssyncadd.s32 $0xFFFFF000  }
0x41: {  	p3 =	seq.s32 s31, $0x14;
	s17 =	smov.u32 s31;
	_ =	strace $0x9000004B  }
0x42: {  	s17 =	simm.s32 @p3 $0x0;
	s31 =	sld [smem:$0x7FD]  }
0x43: {  	p6 =	sne.s32 s12, $0x1;
	p0 =	sne.s32 s21, $0x14;
	p3 =	sne.s32 s11, s17  }
0x44: {  	p5 =	por !p6, !p3;
	p6 =	seq.s32 s21, $0x1;
	s21 =	simm.s32 $0x1  }
0x45: {  	s21 =	simm.s32 @!p0 $0x0;
	p0 =	seq.s32 s31, $0x1  }
.Ltmp0:
0x46: {  	s30 =	sld [smem:$0x7FC];
	(pc) =	sbr.rel @p0 .LBB2_2-.Ltmp0, $4  }
0x47: {  	_ = 	snop  }
0x48: {  	p4 =	seq.s32 s12, $0x14  }
0x49: {  	p1 =	por p2, p2;
	p2 =	por p4, p4;
	p4 =	seq.s32 s30, $0x1  }
0x4a: {  	p6 =	por p6, p4  }
0x4b: {  	_ =	strace @p6 $0x8000004C;
	s23 =	sshll.u32 @p6 s23, $0x9  }
0x4c: {  	s18 =	rddreg [dreg:$0x4];
	s23 =	sand.u32 @p6 $0x1FFFFE00, s23  }
0x4d: {  	s20 =	sadd.s32 @p6 $0x3, s20;
	s18 =	sadd.s32 @p6 s18, s23;
	s23 =	simm.s32 @p6 $0x0  }
0x4e: {  	[hbm4b:s18+s23] =	stream.linear.scatter @p6 [tilespmem:s22], [sflag:s20], $0x1000, $0x200038;
	[tilespmem:$0x2100] =	vst v63  }
0x4f: {  	p0 =	por !p5, !p5;
	_ =	strace @p6 $0x9000004C  }
0x50: {  	s15 =	sadd.s32 @!p1 $0x3, s15;
	s17 =	sadd.s32 @p0 s4, s17;
	_ =	strace @!p1 $0x8000004D  }
0x51: {  	s14 =	sand.u32 @p0 $0x1, s14;
	s17 =	sshll.u32 @p0 s17, $0x4;
	_ =	swait.ge @!p1 [sflag:s15], $0x1000  }
0x52: {  	s18 =	simm.s32 $0x1;
	s20 =	sshll.u32 @p0 s14, $0x7;
	[sflag:s15] =	ssyncset.done @!p1 $0x0  }
0x53: {  	s14 =	sadd.s32 @p0 $0x1, s14;
	s18 =	simm.s32 @!p6 $0x0;
	[sflag:s15] =	ssyncadd.s32 @!p1 $0xFFFFF000  }
0x54: {  	s19 =	sadd.s32 s18, s19;
	s15 =	sand.u32 @p0 $0x1FFFFFF0, s17;
	_ =	strace @!p1 $0x9000004D  }
0x55: {  	s17 =	simm.s32 @p0 $0x0;
	s15 =	sadd.s32 @p0 s3, s15;
	_ =	strace @p0 $0x80000049  }
0x56: {  	[tilespmem:s20], [sflag:s14] =	stream.linear.gather @p0 [hbm4b:s15+s17], $0x80, $0x200038;
	[tilespmem:$0x2100] =	vst v63  }
0x57: {  	s25 =	sand.u32 $0x1, s19;
	_ =	strace @p0 $0x90000049  }
0x58: {  	s14 =	sadd.s32 $0x1, s25;
	_ =	strace $0x8000004A  }
0x59: {  	_ =	swait.ge [sflag:s14], $0x80  }
0x5a: {  	[sflag:s14] =	ssyncset.done $0x0  }
0x5b: {  	[sflag:s14] =	ssyncadd.s32 $0xFFFFFF80  }
0x5c: {  	s26 =	sadd.s32 s18, s16;
	_ =	strace $0x9000004A  }
0x5d: {  	s14 =	sand.u32 $0x1, s26;
	_ =	strace $0x8000004B  }
0x5e: {  	s30 =	sshll.u32 s19, $0x7;
	s31 =	sshll.u32 s14, $0xC;
	s28 =	rddreg [dreg:$0x3]  }
0x5f: {  	s17 =	sand.u32 $0x80, s30;
	s18 =	sor.u32 $0x100, s31;
	s29 =	rddreg [dreg:$0x2]  }
0x60: {  	[tilespmem:s18], [sflag:$0x5] =	stream.indirect.gather [hbm4b:s29+s28], $0x20, s17, s28, $0x2000b8;
	[tilespmem:$0x2100] =	vst v63  }
0x61: {  	_ =	swait.ge [sflag:s8], $0x1000  }
0x62: {  	[sflag:s8] =	ssyncset.done $0x0  }
0x63: {  	p5 =	por p3, p3;
	p6 =	seq.s32 s12, $0x1;
	[sflag:s8] =	ssyncadd.s32 $0xFFFFF000  }
0x64: {  	s11 =	sadd.s32 s4, s11;
	p0 =	por p6, p5;
	_ =	strace $0x9000004B  }
0x65: {  	s11 =	sshll.u32 @p0 s11, $0x9;
	_ =	strace @p0 $0x8000004C  }
0x66: {  	s13 =	sadd.s32 s21, s13;
	s11 =	sand.u32 @p0 $0x1FFFFE00, s11;
	s12 =	rddreg [dreg:$0x4]  }
0x67: {  	s14 =	sadd.s32 @p0 $0x3, s14;
	s11 =	sadd.s32 @p0 s12, s11;
	s12 =	simm.s32 @p0 $0x0  }
0x68: {  	[hbm4b:s11+s12] =	stream.linear.scatter @p0 [tilespmem:s18], [sflag:s14], $0x1000, $0x200038;
	[tilespmem:$0x2100] =	vst v63  }
0x69: {  	p1 =	por p2, p2;
	s11 =	sand.u32 @!p2 $0x1, s13;
	_ =	strace @p0 $0x9000004C  }
0x6a: {  	s11 =	sadd.s32 @!p1 $0x3, s11;
	_ =	strace @!p1 $0x8000004D  }
0x6b: {  	_ =	swait.ge @!p1 [sflag:s11], $0x1000  }
0x6c: {  	[sflag:s11] =	ssyncset.done @!p1 $0x0  }
0x6d: {  	s10 =	sadd.s32 $0x1, s10;
	[sflag:s11] =	ssyncadd.s32 @!p1 $0xFFFFF000  }
0x6e: {  	p0 =	sne.s32 s10, s6;
	_ =	strace @!p1 $0x9000004D  }
.Ltmp1:
0x6f: {  	_ =	strace $0x8000004E;
	(pc) =	sbr.rel @p0 .LBB2_1-.Ltmp1, $4  }
0x70: {  	_ =	swait.ge [sflag:s9], $0x1000  }
0x71: {  	[sflag:s9] =	ssyncset.done $0x0  }
0x72: {  	[sflag:s9] =	ssyncadd.s32 $0xFFFFF000  }
0x73: {  	_ =	strace $0x9000004E  }
0x74: {  	_ =	sfence.sel $0x180000  }
0x75: {  	[bflag:$0x0] =	sbarrier.arrive $0xFFFF  }
0x76: {  	p0 =	sne.s32 s2, $0x0;
	_ =	strace $0x90000047  }
0x77: {  	s0 =	sadd.s32 @!p0 $0x100000, s0;
	[bflag:$0x2] =	sbarrier.arrive $0xFFFF  }
0x78: {  	[sflag:s0] =	ssyncadd.tile.s32 @!p0 $0x1;
	_ =	shalt  }
.Lfunc_end2:
_tile_overlayer_lowered:
.L_overlay_start_2:
0x79: {  	(tag) =	ssettag $0x2  }
0x7a: {  	s0 =	rddreg [dreg:$0x0];
	s2 =	stileid.u32  }
0x7b: {  	s1 =	rddreg [dreg:$0x1];
	p0 =	sne.s32 s2, $0x0  }
0x7c: {  	s3 =	rddreg [dreg:$0x2];
	[bflag:$0x3] =	sbarrier.arrive $0xFFFF;
	s2 =	simm.s32 @!p0 $0x1C01  }
0x7d: {  	[timem:s3], [sflag:s2] =	dma.local @!p0 [hbm:s0], s1  }
0x7e: {  	s0 =	simm.s32 @!p0 $0x1  }
0x7f: {  	_ =	swait.ge @!p0 [sflag:s0], s1  }
0x80: {  	s1 =	ssub.s32 @!p0 $0x0, s1;
	[sflag:s0] =	ssyncset.done @!p0 $0x0  }
0x81: {  	[sflag:s0] =	ssyncadd.s32 @!p0 s1  }
0x82: {  	[bflag:$0x3] =	sbarrier.arrive $0xFFFF  }
0x83: {  	_ =	shalt  }

</sc_bundles>
